<compile_context>
chip_gen: v7x
topology: tpu7x:2x2x1
jax: 0.10.2.dev20260603
libtpu: 0.0.44.dev20260713+nightly
codegen_flags: <defaults>
</compile_context>

<pallas_src>
import functools
import math

import jax
import jax.numpy as jnp
import numpy as np
from jax import lax
from jax.experimental import pallas as pl
from jax.experimental.pallas import tpu as pltpu
from jax.experimental.pallas import tpu_sc as plsc

_SC_CORES = 2
_SC_SUBCORES = 16
_LANES = 16
_NWORKERS = _SC_CORES * _SC_SUBCORES

_TOK_BLK = 1024
_CHUNK = 64
_GW = 128


def _router_body(nblk, cap, n_tok, trash, x_ref, wg_ref,
                 disp_ref, xbf_ref, laux_ref, cnts_ref,
                 counts_sc, me_sc, ltri_sc):
    i = pl.program_id(0)
    e = wg_ref.shape[1]
    blk = x_ref.shape[0]

    @pl.when(i == 0)
    def _init():
        counts_sc[...] = jnp.zeros_like(counts_sc)
        me_sc[...] = jnp.zeros_like(me_sc)
        r = lax.broadcasted_iota(jnp.int32, (blk, blk), 0)
        c = lax.broadcasted_iota(jnp.int32, (blk, blk), 1)
        ltri_sc[...] = (c < r).astype(jnp.bfloat16)

    x = x_ref[...]
    logits = jnp.dot(x, wg_ref[...], preferred_element_type=jnp.float32)
    mx = jnp.max(logits, axis=1, keepdims=True)
    ex = jnp.exp(logits - mx)
    gates = ex / jnp.sum(ex, axis=1, keepdims=True)
    gmax = jnp.max(gates, axis=1, keepdims=True)
    cols = lax.broadcasted_iota(jnp.int32, gates.shape, 1)
    idx1 = jnp.min(jnp.where(gates >= gmax, cols, e), axis=1)
    onehot = (cols == idx1[:, None]).astype(jnp.float32)

    loc_excl = jnp.dot(ltri_sc[...], onehot.astype(jnp.bfloat16),
                       preferred_element_type=jnp.float32)
    loc = loc_excl + counts_sc[0, :][None, :]
    loc_t = jnp.sum(loc * onehot, axis=1)
    kept = loc_t < float(cap)
    flat = idx1 * cap + loc_t.astype(jnp.int32)
    row = lax.broadcasted_iota(jnp.int32, (blk, 1), 0)[:, 0]
    disp_ref[0, 0, :] = jnp.where(kept, flat, trash + row % cap)
    g1 = gmax[:, 0] * kept.astype(jnp.float32)
    xg = x * g1[:, None]
    half = x.shape[1] // 2
    xbf_ref[...] = pltpu.pack_elementwise(
        [xg[:, :half], xg[:, half:]], packed_dtype=jnp.bfloat16)

    counts_sc[0, :] += jnp.sum(onehot, axis=0)
    me_sc[0, :] += jnp.sum(gates, axis=0)

    @pl.when(i == nblk - 1)
    def _fin():
        cnt = counts_sc[0, :]
        laux = jnp.sum((me_sc[0, :] / n_tok) * (cnt / n_tok)) * float(e)
        laux_ref[0, :] = jnp.broadcast_to(laux, (e,))
        cnts_ref[0, :] = cnt


def _run_router(x, wg, cap, trash):
    n_tok, d = x.shape
    e = wg.shape[1]
    nblk = n_tok // _TOK_BLK
    disp3, xbf, laux, cnts = pl.pallas_call(
        functools.partial(_router_body, nblk, cap, float(n_tok), trash),
        grid=(nblk,),
        in_specs=[
            pl.BlockSpec((_TOK_BLK, d), lambda i: (i, 0)),
            pl.BlockSpec((d, e), lambda i: (0, 0)),
        ],
        out_specs=[
            pl.BlockSpec((1, 1, _TOK_BLK), lambda i: (i, 0, 0)),
            pl.BlockSpec((_TOK_BLK, d // 2), lambda i: (i, 0)),
            pl.BlockSpec((1, e), lambda i: (0, 0)),
            pl.BlockSpec((1, e), lambda i: (0, 0)),
        ],
        out_shape=[
            jax.ShapeDtypeStruct((nblk, 1, _TOK_BLK), jnp.int32),
            jax.ShapeDtypeStruct((n_tok, d // 2), jnp.int32),
            jax.ShapeDtypeStruct((1, e), jnp.float32),
            jax.ShapeDtypeStruct((1, e), jnp.float32),
        ],
        scratch_shapes=[
            pltpu.VMEM((1, e), jnp.float32),
            pltpu.VMEM((1, e), jnp.float32),
            pltpu.VMEM((_TOK_BLK, _TOK_BLK), jnp.bfloat16),
        ],
    )(x, wg)
    return disp3.reshape(n_tok), xbf, laux, cnts


_NBUF = 4


def _make_dispatch(n_tok, d, nslot, chunk):
    per_w = n_tok // _NWORKERS
    nchunk = per_w // chunk
    mesh = plsc.VectorSubcoreMesh(core_axis_name="c", subcore_axis_name="s")

    @functools.partial(
        pl.kernel, mesh=mesh,
        out_type=jax.ShapeDtypeStruct((nslot, d), jnp.int32),
        scratch_types=[
            pltpu.VMEM((nchunk, chunk), jnp.int32),
            pltpu.VMEM((_NBUF, chunk, d), jnp.int32),
        ] + [pltpu.SemaphoreType.DMA] * (2 * _NBUF),
    )
    def disp_kernel(x_hbm, idx2_hbm, out_hbm, idx_v, rows_v, *sems):
        wid = lax.axis_index("s") * _SC_CORES + lax.axis_index("c")
        seml, semsc = sems[:_NBUF], sems[_NBUF:]
        pltpu.sync_copy(idx2_hbm.at[pl.ds(wid * nchunk, nchunk)], idx_v)

        def fire_load(j):
            tb = wid * per_w + j * chunk
            return pltpu.async_copy(x_hbm.at[pl.ds(tb, chunk)],
                                    rows_v.at[j % _NBUF], seml[j % _NBUF])

        def fire_scat(j):
            return pltpu.async_copy(rows_v.at[j % _NBUF],
                                    out_hbm.at[idx_v.at[j]],
                                    semsc[j % _NBUF])

        loads = {j: fire_load(j) for j in range(min(_NBUF - 1, nchunk))}
        scats = {}
        for j in range(nchunk):
            loads.pop(j).wait()
            scats[j] = fire_scat(j)
            k = j + _NBUF - 1
            if k < nchunk:
                if k - _NBUF in scats:
                    scats.pop(k - _NBUF).wait()
                loads[k] = fire_load(k)
        for jj in sorted(scats):
            scats.pop(jj).wait()

    return disp_kernel


def _wcast_body(we_ref, out_ref):
    out_ref[...] = we_ref[...].astype(jnp.bfloat16)


def _run_wcast(we):
    e_num, d = we.shape[0], we.shape[1]
    step = 2
    return pl.pallas_call(
        _wcast_body,
        grid=(e_num // step,),
        in_specs=[pl.BlockSpec((step, d, d), lambda e: (e, 0, 0))],
        out_specs=pl.BlockSpec((step, d, d), lambda e: (e, 0, 0)),
        out_shape=jax.ShapeDtypeStruct((e_num, d, d), jnp.bfloat16),
    )(we)


def _ffn_body(e_num, disp_ref, we_ref, be_ref, out_ref):
    e = pl.program_id(0)

    @pl.when(e < e_num)
    def _():
        w = disp_ref[...]
        lo = pltpu.unpack_elementwise(
            w, index=0, packed_dtype=jnp.bfloat16, unpacked_dtype=jnp.float32)
        hi = pltpu.unpack_elementwise(
            w, index=1, packed_dtype=jnp.bfloat16, unpacked_dtype=jnp.float32)
        xb = jnp.concatenate([lo, hi], axis=1).astype(jnp.bfloat16)
        acc = jnp.dot(xb, we_ref[0].astype(jnp.bfloat16),
                      preferred_element_type=jnp.float32)
        acc = acc + be_ref[0, 0, :][None, :]
        h2 = acc.shape[1] // 2
        out_ref[...] = pltpu.pack_elementwise(
            [acc[:, :h2], acc[:, h2:]], packed_dtype=jnp.bfloat16)

    @pl.when(e == e_num)
    def _():
        out_ref[...] = jnp.zeros_like(out_ref)


def _run_ffn(dispd, we, be, cap):
    e_num, d = we.shape[0], we.shape[1]
    nslot = dispd.shape[0]
    return pl.pallas_call(
        functools.partial(_ffn_body, e_num),
        grid=(nslot // cap,),
        in_specs=[
            pl.BlockSpec((cap, d // 2), lambda e: (e, 0)),
            pl.BlockSpec((1, d, d), lambda e: (jnp.minimum(e, e_num - 1), 0, 0)),
            pl.BlockSpec((1, 1, d), lambda e: (jnp.minimum(e, e_num - 1), 0, 0)),
        ],
        out_specs=pl.BlockSpec((cap, d // 2), lambda e: (e, 0)),
        out_shape=jax.ShapeDtypeStruct((nslot, d // 2), jnp.int32),
    )(dispd, we, be.reshape(e_num, 1, d))


def _unpack_body(pk_ref, out_ref):
    w = pk_ref[...]
    lo = pltpu.unpack_elementwise(
        w, index=0, packed_dtype=jnp.bfloat16, unpacked_dtype=jnp.float32)
    hi = pltpu.unpack_elementwise(
        w, index=1, packed_dtype=jnp.bfloat16, unpacked_dtype=jnp.float32)
    out_ref[...] = jnp.concatenate([lo, hi], axis=1)


def _unpack_body_alias(pk_ref, _, out_ref):
    _unpack_body(pk_ref, out_ref)


def _run_unpack_half(pk, d, n_tok, half_base, prev=None):
    nh = pk.shape[0]
    blk = 512
    base_blk = half_base // blk
    if prev is None:
        return pl.pallas_call(
            _unpack_body,
            grid=(nh // blk,),
            in_specs=[pl.BlockSpec((blk, d // 2), lambda i: (i, 0))],
            out_specs=pl.BlockSpec((blk, d), lambda i: (i + base_blk, 0)),
            out_shape=jax.ShapeDtypeStruct((n_tok, d), jnp.float32),
        )(pk)
    return pl.pallas_call(
        _unpack_body_alias,
        grid=(nh // blk,),
        in_specs=[
            pl.BlockSpec((blk, d // 2), lambda i: (i, 0)),
            pl.BlockSpec(memory_space=pl.ANY),
        ],
        out_specs=pl.BlockSpec((blk, d), lambda i: (i + base_blk, 0)),
        out_shape=jax.ShapeDtypeStruct((n_tok, d), jnp.float32),
        input_output_aliases={1: 0},
    )(pk, prev)


def _make_combine(n_tok, d, nslot, chunk, nbuf):
    per_w = n_tok // _NWORKERS
    nchunk = per_w // chunk
    mesh = plsc.VectorSubcoreMesh(core_axis_name="c", subcore_axis_name="s")

    @functools.partial(
        pl.kernel, mesh=mesh,
        out_type=jax.ShapeDtypeStruct((n_tok, d), jnp.int32),
        scratch_types=[
            pltpu.VMEM((nchunk, chunk), jnp.int32),
            pltpu.VMEM((nbuf, chunk, d), jnp.int32),
        ] + [pltpu.SemaphoreType.DMA] * (2 * nbuf),
    )
    def comb_kernel(eo_hbm, idx2_hbm, out_hbm, idx_v, rows_v, *sems):
        wid = lax.axis_index("s") * _SC_CORES + lax.axis_index("c")
        semg, semst = sems[:nbuf], sems[nbuf:]
        pltpu.sync_copy(idx2_hbm.at[pl.ds(wid * nchunk, nchunk)], idx_v)

        def fire_gather(j):
            return pltpu.async_copy(eo_hbm.at[idx_v.at[j]],
                                    rows_v.at[j % nbuf], semg[j % nbuf])

        def fire_store(j):
            tb = wid * per_w + j * chunk
            return pltpu.async_copy(rows_v.at[j % nbuf],
                                    out_hbm.at[pl.ds(tb, chunk)],
                                    semst[j % nbuf])

        gath = {j: fire_gather(j) for j in range(min(nbuf - 1, nchunk))}
        stor = {}
        for j in range(nchunk):
            gath.pop(j).wait()
            stor[j] = fire_store(j)
            k = j + nbuf - 1
            if k < nchunk:
                if k - nbuf in stor:
                    stor.pop(k - nbuf).wait()
                gath[k] = fire_gather(k)
        for jj in sorted(stor):
            stor.pop(jj).wait()

    return comb_kernel


def kernel(hidden_states, wg, We, be):
    b, s, d = hidden_states.shape
    x = hidden_states.reshape(-1, d)
    n_tok = b * s
    e = wg.shape[1]
    cap = max(int(math.ceil(n_tok / e)), 4)
    trash = e * cap
    nslot = e * cap + cap

    disp_idx, xpk, laux, cnts = _run_router(x, wg, cap, trash)
    idx2d = disp_idx.reshape(n_tok // 64, 64)
    dispd = _make_dispatch(n_tok, d // 2, nslot, 64)(xpk, idx2d)
    eo = _run_ffn(dispd, We, be, cap)
    nh = n_tok // 2
    idx_a = lax.slice(disp_idx, (0,), (nh,)).reshape(nh // 64, 64)
    idx_b = lax.slice(disp_idx, (nh,), (n_tok,)).reshape(nh // 64, 64)
    outpk_a = _make_combine(nh, d // 2, nslot, 64, 4)(eo, idx_a)
    outpk_b = _make_combine(nh, d // 2, nslot, 64, 4)(eo, idx_b)
    out = _run_unpack_half(outpk_a, d, n_tok, 0)
    out = _run_unpack_half(outpk_b, d, n_tok, nh, prev=out)

    return (out.reshape(b, s, d), laux[0, 0], cnts[0, :].astype(jnp.int32))

# --- scband reference (transcript-rebuilt; emitter-appended) ---
"""Pipeline reference for scband-mo-e-13159779794954 (READ-ONLY COPY).

The authoritative reference and input builder live on the scoring server;
editing this copy changes nothing except your own understanding.
"""

import jax, jax.numpy as jnp
import numpy as np


def setup_inputs(seed: int = 0):
    key = jax.random.key(seed)
    k1, k2, k3 = jax.random.split(key, 3)
    hidden_states = jax.random.normal(k1, (2, 8192, 768), dtype=jnp.float32)
    wg = jax.random.normal(k2, (768, 64), dtype=jnp.float32) * 0.02
    We = jax.random.normal(k3, (64, 768, 768), dtype=jnp.float32) * 0.02
    be = jnp.zeros((64, 768), dtype=jnp.float32)
    return {"hidden_states": hidden_states, "wg": wg, "We": We, "be": be}


def reference(hidden_states, wg, We, be):
    # DeepSpeed MoE forward (eval path: no jitter noise, no RTS), top-1 gating
    B, S, D = hidden_states.shape
    x = hidden_states.reshape(-1, D)
    tokens = x.shape[0]
    E = wg.shape[1]
    capacity = max(int(np.ceil(tokens / E * 1.0)), 4)
    # TopKGate (k=1)
    logits = x @ wg
    gates = jax.nn.softmax(logits, axis=-1)
    idx1 = jnp.argmax(gates, axis=-1)
    mask1 = jax.nn.one_hot(idx1, E, dtype=jnp.float32)
    # aux load-balancing loss and expert counts (before capacity drop)
    me = jnp.mean(gates, axis=0)
    ce = jnp.mean(mask1, axis=0)
    l_aux = jnp.sum(me * ce) * E
    exp_counts = jnp.sum(mask1, axis=0).astype(jnp.int32)
    # position of each token within its expert's queue; drop overflow tokens
    locations1 = jnp.cumsum(mask1, axis=0) - 1.0
    mask1 = mask1 * (locations1 < capacity).astype(jnp.float32)
    locations1_s = jnp.sum(locations1 * mask1, axis=1).astype(jnp.int32)
    gates1_s = jnp.sum(gates * mask1, axis=1)  # zero for dropped tokens
    keep = jnp.sum(mask1, axis=1)              # 1.0 kept / 0.0 dropped
    # dispatch: scatter-add tokens into [E*capacity, D] buffer
    flat_idx = idx1.astype(jnp.int32) * capacity + locations1_s
    dispatched = jnp.zeros((E * capacity, D), dtype=x.dtype).at[flat_idx].add(x * keep[:, None])
    dispatched = dispatched.reshape(E, capacity, D)
    # experts: per-expert Linear(768, 768)
    expert_out = jnp.einsum('ecd,edf->ecf', dispatched, We) + be[:, None, :]
    expert_out_flat = expert_out.reshape(E * capacity, D)
    # combine: gather each token's expert output, scale by gate value
    combined = expert_out_flat[flat_idx] * gates1_s[:, None]
    output = combined.reshape(B, S, D)
    return output, l_aux, exp_counts

if __name__ == "__main__":
    import jax
    _d = setup_inputs()
    print(jax.jit(kernel)(*tuple(_d.values())))

</pallas_src>

<mosaic_0001>
#map = affine_map<(d0, d1) -> (0, 0)>
module attributes {stable_mosaic.version = 14 : i64} {
  func.func @comb_kernel(%arg0: i32, %arg1: i32, %arg2: memref<16640x384xi32, #tpu.memory_space<hbm>>, %arg3: memref<128x64xi32, #tpu.memory_space<hbm>>, %arg4: memref<8192x384xi32, #tpu.memory_space<hbm>>, %arg5: memref<4x64xi32, #tpu.memory_space<vmem>>, %arg6: memref<4x64x384xi32, #tpu.memory_space<vmem>>, %arg7: memref<!tpu.dma_semaphore, #tpu.memory_space<semaphore_mem>>, %arg8: memref<!tpu.dma_semaphore, #tpu.memory_space<semaphore_mem>>, %arg9: memref<!tpu.dma_semaphore, #tpu.memory_space<semaphore_mem>>, %arg10: memref<!tpu.dma_semaphore, #tpu.memory_space<semaphore_mem>>, %arg11: memref<!tpu.dma_semaphore, #tpu.memory_space<semaphore_mem>>, %arg12: memref<!tpu.dma_semaphore, #tpu.memory_space<semaphore_mem>>, %arg13: memref<!tpu.dma_semaphore, #tpu.memory_space<semaphore_mem>>, %arg14: memref<!tpu.dma_semaphore, #tpu.memory_space<semaphore_mem>>) attributes {dimension_semantics = [#tpu.dimension_semantics<core_parallel>, #tpu.dimension_semantics<subcore_parallel>], iteration_bounds = array<i64: 2, 16>, scalar_prefetch = 0 : i64, scratch_operands = 10 : i64, tpu.core_type = #tpu.core_type<sc_vector_subcore>, window_params = [{transform_indices = #map}, {transform_indices = #map}, {transform_indices = #map}]} {
    %mul3A = arith.constant 2 : i32
    %mul3A_0 = arith.muli %arg1, %mul3A : i32
    %add3A = arith.addi %mul3A_0, %arg0 : i32
    %mul3A_1 = arith.constant 4 : i32
    %mul3A_2 = arith.muli %add3A, %mul3A_1 : i32
    "tpu.region"() ({
      %run_scoped3A = tpu.sem_alloc : memref<!tpu.dma_semaphore, #tpu.memory_space<semaphore_mem>>
      %dma_start3A_217 = arith.constant 0 : i32
      %dma_start3A_218 = tpu.memref_slice %arg3[%mul3A_2, %dma_start3A_217] : memref<128x64xi32, #tpu.memory_space<hbm>> -> memref<4x64xi32, #tpu.memory_space<hbm>>
      %dma_start3A_219 = arith.constant 0 : i32
      %dma_start3A_220 = tpu.memref_slice %arg3[%mul3A_2, %dma_start3A_219] : memref<128x64xi32, #tpu.memory_space<hbm>> -> memref<4x64xi32, #tpu.memory_space<hbm>>
      tpu.enqueue_dma source(%dma_start3A_220 : memref<4x64xi32, #tpu.memory_space<hbm>>) target(%arg5 : memref<4x64xi32, #tpu.memory_space<vmem>>) target_semaphore(%run_scoped3A : memref<!tpu.dma_semaphore, #tpu.memory_space<semaphore_mem>>)
      %dma_wait3A_221 = arith.constant 0 : i32
      %dma_wait3A_222 = tpu.memref_slice %arg3[%mul3A_2, %dma_wait3A_221] : memref<128x64xi32, #tpu.memory_space<hbm>> -> memref<4x64xi32, #tpu.memory_space<hbm>>
      %dma_wait3A_223 = arith.constant 0 : i32
      %dma_wait3A_224 = tpu.memref_slice %arg3[%mul3A_2, %dma_wait3A_223] : memref<128x64xi32, #tpu.memory_space<hbm>> -> memref<4x64xi32, #tpu.memory_space<hbm>>
      tpu.wait_dma2 semaphore(%run_scoped3A : memref<!tpu.dma_semaphore, #tpu.memory_space<semaphore_mem>>) src(%dma_wait3A_224 : memref<4x64xi32, #tpu.memory_space<hbm>>) dst(%arg5 : memref<4x64xi32, #tpu.memory_space<vmem>>)
      tpu.yield
    }) : () -> ()
    %dma_start3A = arith.constant 0 : i32
    %dma_start3A_3 = arith.constant 0 : i32
    %dma_start3A_4 = arith.constant 0 : i32
    %dma_start3A_5 = arith.constant 0 : i32
    %dma_start3A_6 = tpu.memref_slice %arg6[%dma_start3A_3, %dma_start3A_4, %dma_start3A_5] : memref<4x64x384xi32, #tpu.memory_space<vmem>> -> memref<1x64x384xi32, #tpu.memory_space<vmem>>
    %dma_start3A_7 = tpu.memref_squeeze %dma_start3A_6 : memref<1x64x384xi32, #tpu.memory_space<vmem>> -> memref<64x384xi32, #tpu.memory_space<vmem>>
    %dma_start3A_8 = arith.constant 0 : i32
    %dma_start3A_9 = tpu.memref_slice %arg5[%dma_start3A, %dma_start3A_8] : memref<4x64xi32, #tpu.memory_space<vmem>> -> memref<1x64xi32, #tpu.memory_space<vmem>>
    %dma_start3A_10 = tpu.memref_squeeze %dma_start3A_9 : memref<1x64xi32, #tpu.memory_space<vmem>> -> memref<64xi32, #tpu.memory_space<vmem>>
    %dma_start3A_11 = arith.constant 0 : i32
    %dma_start3A_12 = arith.constant 0 : i32
    %dma_start3A_13 = tpu.memref_slice %arg2[%dma_start3A_11, %dma_start3A_12] : memref<16640x384xi32, #tpu.memory_space<hbm>> -> memref<16640x384xi32, #tpu.memory_space<hbm>>
    tpu.enqueue_indirect_dma source(%dma_start3A_13 : memref<16640x384xi32, #tpu.memory_space<hbm>>) target(%dma_start3A_7 : memref<64x384xi32, #tpu.memory_space<vmem>>) offsets(%dma_start3A_10 : memref<64xi32, #tpu.memory_space<vmem>>) semaphore(%arg7 : memref<!tpu.dma_semaphore, #tpu.memory_space<semaphore_mem>>)
    %dma_start3A_14 = arith.constant 1 : i32
    %dma_start3A_15 = arith.constant 1 : i32
    %dma_start3A_16 = arith.constant 0 : i32
    %dma_start3A_17 = arith.constant 0 : i32
    %dma_start3A_18 = tpu.memref_slice %arg6[%dma_start3A_15, %dma_start3A_16, %dma_start3A_17] : memref<4x64x384xi32, #tpu.memory_space<vmem>> -> memref<1x64x384xi32, #tpu.memory_space<vmem>>
    %dma_start3A_19 = tpu.memref_squeeze %dma_start3A_18 : memref<1x64x384xi32, #tpu.memory_space<vmem>> -> memref<64x384xi32, #tpu.memory_space<vmem>>
    %dma_start3A_20 = arith.constant 0 : i32
    %dma_start3A_21 = tpu.memref_slice %arg5[%dma_start3A_14, %dma_start3A_20] : memref<4x64xi32, #tpu.memory_space<vmem>> -> memref<1x64xi32, #tpu.memory_space<vmem>>
    %dma_start3A_22 = tpu.memref_squeeze %dma_start3A_21 : memref<1x64xi32, #tpu.memory_space<vmem>> -> memref<64xi32, #tpu.memory_space<vmem>>
    %dma_start3A_23 = arith.constant 0 : i32
    %dma_start3A_24 = arith.constant 0 : i32
    %dma_start3A_25 = tpu.memref_slice %arg2[%dma_start3A_23, %dma_start3A_24] : memref<16640x384xi32, #tpu.memory_space<hbm>> -> memref<16640x384xi32, #tpu.memory_space<hbm>>
    tpu.enqueue_indirect_dma source(%dma_start3A_25 : memref<16640x384xi32, #tpu.memory_space<hbm>>) target(%dma_start3A_19 : memref<64x384xi32, #tpu.memory_space<vmem>>) offsets(%dma_start3A_22 : memref<64xi32, #tpu.memory_space<vmem>>) semaphore(%arg8 : memref<!tpu.dma_semaphore, #tpu.memory_space<semaphore_mem>>)
    %dma_start3A_26 = arith.constant 2 : i32
    %dma_start3A_27 = arith.constant 2 : i32
    %dma_start3A_28 = arith.constant 0 : i32
    %dma_start3A_29 = arith.constant 0 : i32
    %dma_start3A_30 = tpu.memref_slice %arg6[%dma_start3A_27, %dma_start3A_28, %dma_start3A_29] : memref<4x64x384xi32, #tpu.memory_space<vmem>> -> memref<1x64x384xi32, #tpu.memory_space<vmem>>
    %dma_start3A_31 = tpu.memref_squeeze %dma_start3A_30 : memref<1x64x384xi32, #tpu.memory_space<vmem>> -> memref<64x384xi32, #tpu.memory_space<vmem>>
    %dma_start3A_32 = arith.constant 0 : i32
    %dma_start3A_33 = tpu.memref_slice %arg5[%dma_start3A_26, %dma_start3A_32] : memref<4x64xi32, #tpu.memory_space<vmem>> -> memref<1x64xi32, #tpu.memory_space<vmem>>
    %dma_start3A_34 = tpu.memref_squeeze %dma_start3A_33 : memref<1x64xi32, #tpu.memory_space<vmem>> -> memref<64xi32, #tpu.memory_space<vmem>>
    %dma_start3A_35 = arith.constant 0 : i32
    %dma_start3A_36 = arith.constant 0 : i32
    %dma_start3A_37 = tpu.memref_slice %arg2[%dma_start3A_35, %dma_start3A_36] : memref<16640x384xi32, #tpu.memory_space<hbm>> -> memref<16640x384xi32, #tpu.memory_space<hbm>>
    tpu.enqueue_indirect_dma source(%dma_start3A_37 : memref<16640x384xi32, #tpu.memory_space<hbm>>) target(%dma_start3A_31 : memref<64x384xi32, #tpu.memory_space<vmem>>) offsets(%dma_start3A_34 : memref<64xi32, #tpu.memory_space<vmem>>) semaphore(%arg9 : memref<!tpu.dma_semaphore, #tpu.memory_space<semaphore_mem>>)
    %dma_wait3A = arith.constant 0 : i32
    %dma_wait3A_38 = arith.constant 0 : i32
    %dma_wait3A_39 = arith.constant 0 : i32
    %dma_wait3A_40 = arith.constant 0 : i32
    %dma_wait3A_41 = tpu.memref_slice %arg6[%dma_wait3A_38, %dma_wait3A_39, %dma_wait3A_40] : memref<4x64x384xi32, #tpu.memory_space<vmem>> -> memref<1x64x384xi32, #tpu.memory_space<vmem>>
    %dma_wait3A_42 = tpu.memref_squeeze %dma_wait3A_41 : memref<1x64x384xi32, #tpu.memory_space<vmem>> -> memref<64x384xi32, #tpu.memory_space<vmem>>
    %dma_wait3A_43 = arith.constant 0 : i32
    %dma_wait3A_44 = tpu.memref_slice %arg5[%dma_wait3A, %dma_wait3A_43] : memref<4x64xi32, #tpu.memory_space<vmem>> -> memref<1x64xi32, #tpu.memory_space<vmem>>
    %dma_wait3A_45 = tpu.memref_squeeze %dma_wait3A_44 : memref<1x64xi32, #tpu.memory_space<vmem>> -> memref<64xi32, #tpu.memory_space<vmem>>
    %dma_wait3A_46 = arith.constant 0 : i32
    %dma_wait3A_47 = arith.constant 0 : i32
    %dma_wait3A_48 = tpu.memref_slice %arg2[%dma_wait3A_46, %dma_wait3A_47] : memref<16640x384xi32, #tpu.memory_space<hbm>> -> memref<16640x384xi32, #tpu.memory_space<hbm>>
    tpu.wait_indirect_dma semaphore(%arg7 : memref<!tpu.dma_semaphore, #tpu.memory_space<semaphore_mem>>) src(%dma_wait3A_48 : memref<16640x384xi32, #tpu.memory_space<hbm>>) dst(%dma_wait3A_42 : memref<64x384xi32, #tpu.memory_space<vmem>>)
    %mul3A_49 = arith.constant 256 : i32
    %mul3A_50 = arith.muli %add3A, %mul3A_49 : i32
    %add3A_51 = arith.constant 0 : i32
    %add3A_52 = arith.addi %mul3A_50, %add3A_51 : i32
    %dma_start3A_53 = arith.constant 0 : i32
    %dma_start3A_54 = arith.constant 0 : i32
    %dma_start3A_55 = arith.constant 0 : i32
    %dma_start3A_56 = tpu.memref_slice %arg6[%dma_start3A_53, %dma_start3A_54, %dma_start3A_55] : memref<4x64x384xi32, #tpu.memory_space<vmem>> -> memref<1x64x384xi32, #tpu.memory_space<vmem>>
    %dma_start3A_57 = tpu.memref_squeeze %dma_start3A_56 : memref<1x64x384xi32, #tpu.memory_space<vmem>> -> memref<64x384xi32, #tpu.memory_space<vmem>>
    %dma_start3A_58 = arith.constant 0 : i32
    %dma_start3A_59 = tpu.memref_slice %arg4[%add3A_52, %dma_start3A_58] : memref<8192x384xi32, #tpu.memory_space<hbm>> -> memref<64x384xi32, #tpu.memory_space<hbm>>
    %dma_start3A_60 = arith.constant 0 : i32
    %dma_start3A_61 = tpu.memref_slice %arg4[%add3A_52, %dma_start3A_60] : memref<8192x384xi32, #tpu.memory_space<hbm>> -> memref<64x384xi32, #tpu.memory_space<hbm>>
    %dma_start3A_62 = arith.constant 0 : i32
    %dma_start3A_63 = arith.constant 0 : i32
    %dma_start3A_64 = tpu.memref_slice %arg6[%dma_start3A_53, %dma_start3A_62, %dma_start3A_63] : memref<4x64x384xi32, #tpu.memory_space<vmem>> -> memref<1x64x384xi32, #tpu.memory_space<vmem>>
    %dma_start3A_65 = tpu.memref_squeeze %dma_start3A_64 : memref<1x64x384xi32, #tpu.memory_space<vmem>> -> memref<64x384xi32, #tpu.memory_space<vmem>>
    tpu.enqueue_dma source(%dma_start3A_65 : memref<64x384xi32, #tpu.memory_space<vmem>>) target(%dma_start3A_61 : memref<64x384xi32, #tpu.memory_space<hbm>>) target_semaphore(%arg11 : memref<!tpu.dma_semaphore, #tpu.memory_space<semaphore_mem>>)
    %dma_start3A_66 = arith.constant 3 : i32
    %dma_start3A_67 = arith.constant 3 : i32
    %dma_start3A_68 = arith.constant 0 : i32
    %dma_start3A_69 = arith.constant 0 : i32
    %dma_start3A_70 = tpu.memref_slice %arg6[%dma_start3A_67, %dma_start3A_68, %dma_start3A_69] : memref<4x64x384xi32, #tpu.memory_space<vmem>> -> memref<1x64x384xi32, #tpu.memory_space<vmem>>
    %dma_start3A_71 = tpu.memref_squeeze %dma_start3A_70 : memref<1x64x384xi32, #tpu.memory_space<vmem>> -> memref<64x384xi32, #tpu.memory_space<vmem>>
    %dma_start3A_72 = arith.constant 0 : i32
    %dma_start3A_73 = tpu.memref_slice %arg5[%dma_start3A_66, %dma_start3A_72] : memref<4x64xi32, #tpu.memory_space<vmem>> -> memref<1x64xi32, #tpu.memory_space<vmem>>
    %dma_start3A_74 = tpu.memref_squeeze %dma_start3A_73 : memref<1x64xi32, #tpu.memory_space<vmem>> -> memref<64xi32, #tpu.memory_space<vmem>>
    %dma_start3A_75 = arith.constant 0 : i32
    %dma_start3A_76 = arith.constant 0 : i32
    %dma_start3A_77 = tpu.memref_slice %arg2[%dma_start3A_75, %dma_start3A_76] : memref<16640x384xi32, #tpu.memory_space<hbm>> -> memref<16640x384xi32, #tpu.memory_space<hbm>>
    tpu.enqueue_indirect_dma source(%dma_start3A_77 : memref<16640x384xi32, #tpu.memory_space<hbm>>) target(%dma_start3A_71 : memref<64x384xi32, #tpu.memory_space<vmem>>) offsets(%dma_start3A_74 : memref<64xi32, #tpu.memory_space<vmem>>) semaphore(%arg10 : memref<!tpu.dma_semaphore, #tpu.memory_space<semaphore_mem>>)
    %dma_wait3A_78 = arith.constant 1 : i32
    %dma_wait3A_79 = arith.constant 1 : i32
    %dma_wait3A_80 = arith.constant 0 : i32
    %dma_wait3A_81 = arith.constant 0 : i32
    %dma_wait3A_82 = tpu.memref_slice %arg6[%dma_wait3A_79, %dma_wait3A_80, %dma_wait3A_81] : memref<4x64x384xi32, #tpu.memory_space<vmem>> -> memref<1x64x384xi32, #tpu.memory_space<vmem>>
    %dma_wait3A_83 = tpu.memref_squeeze %dma_wait3A_82 : memref<1x64x384xi32, #tpu.memory_space<vmem>> -> memref<64x384xi32, #tpu.memory_space<vmem>>
    %dma_wait3A_84 = arith.constant 0 : i32
    %dma_wait3A_85 = tpu.memref_slice %arg5[%dma_wait3A_78, %dma_wait3A_84] : memref<4x64xi32, #tpu.memory_space<vmem>> -> memref<1x64xi32, #tpu.memory_space<vmem>>
    %dma_wait3A_86 = tpu.memref_squeeze %dma_wait3A_85 : memref<1x64xi32, #tpu.memory_space<vmem>> -> memref<64xi32, #tpu.memory_space<vmem>>
    %dma_wait3A_87 = arith.constant 0 : i32
    %dma_wait3A_88 = arith.constant 0 : i32
    %dma_wait3A_89 = tpu.memref_slice %arg2[%dma_wait3A_87, %dma_wait3A_88] : memref<16640x384xi32, #tpu.memory_space<hbm>> -> memref<16640x384xi32, #tpu.memory_space<hbm>>
    tpu.wait_indirect_dma semaphore(%arg8 : memref<!tpu.dma_semaphore, #tpu.memory_space<semaphore_mem>>) src(%dma_wait3A_89 : memref<16640x384xi32, #tpu.memory_space<hbm>>) dst(%dma_wait3A_83 : memref<64x384xi32, #tpu.memory_space<vmem>>)
    %mul3A_90 = arith.constant 256 : i32
    %mul3A_91 = arith.muli %add3A, %mul3A_90 : i32
    %add3A_92 = arith.constant 64 : i32
    %add3A_93 = arith.addi %mul3A_91, %add3A_92 : i32
    %dma_start3A_94 = arith.constant 1 : i32
    %dma_start3A_95 = arith.constant 0 : i32
    %dma_start3A_96 = arith.constant 0 : i32
    %dma_start3A_97 = tpu.memref_slice %arg6[%dma_start3A_94, %dma_start3A_95, %dma_start3A_96] : memref<4x64x384xi32, #tpu.memory_space<vmem>> -> memref<1x64x384xi32, #tpu.memory_space<vmem>>
    %dma_start3A_98 = tpu.memref_squeeze %dma_start3A_97 : memref<1x64x384xi32, #tpu.memory_space<vmem>> -> memref<64x384xi32, #tpu.memory_space<vmem>>
    %dma_start3A_99 = arith.constant 0 : i32
    %dma_start3A_100 = tpu.memref_slice %arg4[%add3A_93, %dma_start3A_99] : memref<8192x384xi32, #tpu.memory_space<hbm>> -> memref<64x384xi32, #tpu.memory_space<hbm>>
    %dma_start3A_101 = arith.constant 0 : i32
    %dma_start3A_102 = tpu.memref_slice %arg4[%add3A_93, %dma_start3A_101] : memref<8192x384xi32, #tpu.memory_space<hbm>> -> memref<64x384xi32, #tpu.memory_space<hbm>>
    %dma_start3A_103 = arith.constant 0 : i32
    %dma_start3A_104 = arith.constant 0 : i32
    %dma_start3A_105 = tpu.memref_slice %arg6[%dma_start3A_94, %dma_start3A_103, %dma_start3A_104] : memref<4x64x384xi32, #tpu.memory_space<vmem>> -> memref<1x64x384xi32, #tpu.memory_space<vmem>>
    %dma_start3A_106 = tpu.memref_squeeze %dma_start3A_105 : memref<1x64x384xi32, #tpu.memory_space<vmem>> -> memref<64x384xi32, #tpu.memory_space<vmem>>
    tpu.enqueue_dma source(%dma_start3A_106 : memref<64x384xi32, #tpu.memory_space<vmem>>) target(%dma_start3A_102 : memref<64x384xi32, #tpu.memory_space<hbm>>) target_semaphore(%arg12 : memref<!tpu.dma_semaphore, #tpu.memory_space<semaphore_mem>>)
    %dma_wait3A_107 = arith.constant 2 : i32
    %dma_wait3A_108 = arith.constant 2 : i32
    %dma_wait3A_109 = arith.constant 0 : i32
    %dma_wait3A_110 = arith.constant 0 : i32
    %dma_wait3A_111 = tpu.memref_slice %arg6[%dma_wait3A_108, %dma_wait3A_109, %dma_wait3A_110] : memref<4x64x384xi32, #tpu.memory_space<vmem>> -> memref<1x64x384xi32, #tpu.memory_space<vmem>>
    %dma_wait3A_112 = tpu.memref_squeeze %dma_wait3A_111 : memref<1x64x384xi32, #tpu.memory_space<vmem>> -> memref<64x384xi32, #tpu.memory_space<vmem>>
    %dma_wait3A_113 = arith.constant 0 : i32
    %dma_wait3A_114 = tpu.memref_slice %arg5[%dma_wait3A_107, %dma_wait3A_113] : memref<4x64xi32, #tpu.memory_space<vmem>> -> memref<1x64xi32, #tpu.memory_space<vmem>>
    %dma_wait3A_115 = tpu.memref_squeeze %dma_wait3A_114 : memref<1x64xi32, #tpu.memory_space<vmem>> -> memref<64xi32, #tpu.memory_space<vmem>>
    %dma_wait3A_116 = arith.constant 0 : i32
    %dma_wait3A_117 = arith.constant 0 : i32
    %dma_wait3A_118 = tpu.memref_slice %arg2[%dma_wait3A_116, %dma_wait3A_117] : memref<16640x384xi32, #tpu.memory_space<hbm>> -> memref<16640x384xi32, #tpu.memory_space<hbm>>
    tpu.wait_indirect_dma semaphore(%arg9 : memref<!tpu.dma_semaphore, #tpu.memory_space<semaphore_mem>>) src(%dma_wait3A_118 : memref<16640x384xi32, #tpu.memory_space<hbm>>) dst(%dma_wait3A_112 : memref<64x384xi32, #tpu.memory_space<vmem>>)
    %mul3A_119 = arith.constant 256 : i32
    %mul3A_120 = arith.muli %add3A, %mul3A_119 : i32
    %add3A_121 = arith.constant 128 : i32
    %add3A_122 = arith.addi %mul3A_120, %add3A_121 : i32
    %dma_start3A_123 = arith.constant 2 : i32
    %dma_start3A_124 = arith.constant 0 : i32
    %dma_start3A_125 = arith.constant 0 : i32
    %dma_start3A_126 = tpu.memref_slice %arg6[%dma_start3A_123, %dma_start3A_124, %dma_start3A_125] : memref<4x64x384xi32, #tpu.memory_space<vmem>> -> memref<1x64x384xi32, #tpu.memory_space<vmem>>
    %dma_start3A_127 = tpu.memref_squeeze %dma_start3A_126 : memref<1x64x384xi32, #tpu.memory_space<vmem>> -> memref<64x384xi32, #tpu.memory_space<vmem>>
    %dma_start3A_128 = arith.constant 0 : i32
    %dma_start3A_129 = tpu.memref_slice %arg4[%add3A_122, %dma_start3A_128] : memref<8192x384xi32, #tpu.memory_space<hbm>> -> memref<64x384xi32, #tpu.memory_space<hbm>>
    %dma_start3A_130 = arith.constant 0 : i32
    %dma_start3A_131 = tpu.memref_slice %arg4[%add3A_122, %dma_start3A_130] : memref<8192x384xi32, #tpu.memory_space<hbm>> -> memref<64x384xi32, #tpu.memory_space<hbm>>
    %dma_start3A_132 = arith.constant 0 : i32
    %dma_start3A_133 = arith.constant 0 : i32
    %dma_start3A_134 = tpu.memref_slice %arg6[%dma_start3A_123, %dma_start3A_132, %dma_start3A_133] : memref<4x64x384xi32, #tpu.memory_space<vmem>> -> memref<1x64x384xi32, #tpu.memory_space<vmem>>
    %dma_start3A_135 = tpu.memref_squeeze %dma_start3A_134 : memref<1x64x384xi32, #tpu.memory_space<vmem>> -> memref<64x384xi32, #tpu.memory_space<vmem>>
    tpu.enqueue_dma source(%dma_start3A_135 : memref<64x384xi32, #tpu.memory_space<vmem>>) target(%dma_start3A_131 : memref<64x384xi32, #tpu.memory_space<hbm>>) target_semaphore(%arg13 : memref<!tpu.dma_semaphore, #tpu.memory_space<semaphore_mem>>)
    %dma_wait3A_136 = arith.constant 3 : i32
    %dma_wait3A_137 = arith.constant 3 : i32
    %dma_wait3A_138 = arith.constant 0 : i32
    %dma_wait3A_139 = arith.constant 0 : i32
    %dma_wait3A_140 = tpu.memref_slice %arg6[%dma_wait3A_137, %dma_wait3A_138, %dma_wait3A_139] : memref<4x64x384xi32, #tpu.memory_space<vmem>> -> memref<1x64x384xi32, #tpu.memory_space<vmem>>
    %dma_wait3A_141 = tpu.memref_squeeze %dma_wait3A_140 : memref<1x64x384xi32, #tpu.memory_space<vmem>> -> memref<64x384xi32, #tpu.memory_space<vmem>>
    %dma_wait3A_142 = arith.constant 0 : i32
    %dma_wait3A_143 = tpu.memref_slice %arg5[%dma_wait3A_136, %dma_wait3A_142] : memref<4x64xi32, #tpu.memory_space<vmem>> -> memref<1x64xi32, #tpu.memory_space<vmem>>
    %dma_wait3A_144 = tpu.memref_squeeze %dma_wait3A_143 : memref<1x64xi32, #tpu.memory_space<vmem>> -> memref<64xi32, #tpu.memory_space<vmem>>
    %dma_wait3A_145 = arith.constant 0 : i32
    %dma_wait3A_146 = arith.constant 0 : i32
    %dma_wait3A_147 = tpu.memref_slice %arg2[%dma_wait3A_145, %dma_wait3A_146] : memref<16640x384xi32, #tpu.memory_space<hbm>> -> memref<16640x384xi32, #tpu.memory_space<hbm>>
    tpu.wait_indirect_dma semaphore(%arg10 : memref<!tpu.dma_semaphore, #tpu.memory_space<semaphore_mem>>) src(%dma_wait3A_147 : memref<16640x384xi32, #tpu.memory_space<hbm>>) dst(%dma_wait3A_141 : memref<64x384xi32, #tpu.memory_space<vmem>>)
    %mul3A_148 = arith.constant 256 : i32
    %mul3A_149 = arith.muli %add3A, %mul3A_148 : i32
    %add3A_150 = arith.constant 192 : i32
    %add3A_151 = arith.addi %mul3A_149, %add3A_150 : i32
    %dma_start3A_152 = arith.constant 3 : i32
    %dma_start3A_153 = arith.constant 0 : i32
    %dma_start3A_154 = arith.constant 0 : i32
    %dma_start3A_155 = tpu.memref_slice %arg6[%dma_start3A_152, %dma_start3A_153, %dma_start3A_154] : memref<4x64x384xi32, #tpu.memory_space<vmem>> -> memref<1x64x384xi32, #tpu.memory_space<vmem>>
    %dma_start3A_156 = tpu.memref_squeeze %dma_start3A_155 : memref<1x64x384xi32, #tpu.memory_space<vmem>> -> memref<64x384xi32, #tpu.memory_space<vmem>>
    %dma_start3A_157 = arith.constant 0 : i32
    %dma_start3A_158 = tpu.memref_slice %arg4[%add3A_151, %dma_start3A_157] : memref<8192x384xi32, #tpu.memory_space<hbm>> -> memref<64x384xi32, #tpu.memory_space<hbm>>
    %dma_start3A_159 = arith.constant 0 : i32
    %dma_start3A_160 = tpu.memref_slice %arg4[%add3A_151, %dma_start3A_159] : memref<8192x384xi32, #tpu.memory_space<hbm>> -> memref<64x384xi32, #tpu.memory_space<hbm>>
    %dma_start3A_161 = arith.constant 0 : i32
    %dma_start3A_162 = arith.constant 0 : i32
    %dma_start3A_163 = tpu.memref_slice %arg6[%dma_start3A_152, %dma_start3A_161, %dma_start3A_162] : memref<4x64x384xi32, #tpu.memory_space<vmem>> -> memref<1x64x384xi32, #tpu.memory_space<vmem>>
    %dma_start3A_164 = tpu.memref_squeeze %dma_start3A_163 : memref<1x64x384xi32, #tpu.memory_space<vmem>> -> memref<64x384xi32, #tpu.memory_space<vmem>>
    tpu.enqueue_dma source(%dma_start3A_164 : memref<64x384xi32, #tpu.memory_space<vmem>>) target(%dma_start3A_160 : memref<64x384xi32, #tpu.memory_space<hbm>>) target_semaphore(%arg14 : memref<!tpu.dma_semaphore, #tpu.memory_space<semaphore_mem>>)
    %dma_wait3A_165 = arith.constant 0 : i32
    %dma_wait3A_166 = arith.constant 0 : i32
    %dma_wait3A_167 = arith.constant 0 : i32
    %dma_wait3A_168 = tpu.memref_slice %arg6[%dma_wait3A_165, %dma_wait3A_166, %dma_wait3A_167] : memref<4x64x384xi32, #tpu.memory_space<vmem>> -> memref<1x64x384xi32, #tpu.memory_space<vmem>>
    %dma_wait3A_169 = tpu.memref_squeeze %dma_wait3A_168 : memref<1x64x384xi32, #tpu.memory_space<vmem>> -> memref<64x384xi32, #tpu.memory_space<vmem>>
    %dma_wait3A_170 = arith.constant 0 : i32
    %dma_wait3A_171 = tpu.memref_slice %arg4[%add3A_52, %dma_wait3A_170] : memref<8192x384xi32, #tpu.memory_space<hbm>> -> memref<64x384xi32, #tpu.memory_space<hbm>>
    %dma_wait3A_172 = arith.constant 0 : i32
    %dma_wait3A_173 = tpu.memref_slice %arg4[%add3A_52, %dma_wait3A_172] : memref<8192x384xi32, #tpu.memory_space<hbm>> -> memref<64x384xi32, #tpu.memory_space<hbm>>
    %dma_wait3A_174 = arith.constant 0 : i32
    %dma_wait3A_175 = arith.constant 0 : i32
    %dma_wait3A_176 = tpu.memref_slice %arg6[%dma_wait3A_165, %dma_wait3A_174, %dma_wait3A_175] : memref<4x64x384xi32, #tpu.memory_space<vmem>> -> memref<1x64x384xi32, #tpu.memory_space<vmem>>
    %dma_wait3A_177 = tpu.memref_squeeze %dma_wait3A_176 : memref<1x64x384xi32, #tpu.memory_space<vmem>> -> memref<64x384xi32, #tpu.memory_space<vmem>>
    tpu.wait_dma2 semaphore(%arg11 : memref<!tpu.dma_semaphore, #tpu.memory_space<semaphore_mem>>) src(%dma_wait3A_177 : memref<64x384xi32, #tpu.memory_space<vmem>>) dst(%dma_wait3A_173 : memref<64x384xi32, #tpu.memory_space<hbm>>)
    %dma_wait3A_178 = arith.constant 1 : i32
    %dma_wait3A_179 = arith.constant 0 : i32
    %dma_wait3A_180 = arith.constant 0 : i32
    %dma_wait3A_181 = tpu.memref_slice %arg6[%dma_wait3A_178, %dma_wait3A_179, %dma_wait3A_180] : memref<4x64x384xi32, #tpu.memory_space<vmem>> -> memref<1x64x384xi32, #tpu.memory_space<vmem>>
    %dma_wait3A_182 = tpu.memref_squeeze %dma_wait3A_181 : memref<1x64x384xi32, #tpu.memory_space<vmem>> -> memref<64x384xi32, #tpu.memory_space<vmem>>
    %dma_wait3A_183 = arith.constant 0 : i32
    %dma_wait3A_184 = tpu.memref_slice %arg4[%add3A_93, %dma_wait3A_183] : memref<8192x384xi32, #tpu.memory_space<hbm>> -> memref<64x384xi32, #tpu.memory_space<hbm>>
    %dma_wait3A_185 = arith.constant 0 : i32
    %dma_wait3A_186 = tpu.memref_slice %arg4[%add3A_93, %dma_wait3A_185] : memref<8192x384xi32, #tpu.memory_space<hbm>> -> memref<64x384xi32, #tpu.memory_space<hbm>>
    %dma_wait3A_187 = arith.constant 0 : i32
    %dma_wait3A_188 = arith.constant 0 : i32
    %dma_wait3A_189 = tpu.memref_slice %arg6[%dma_wait3A_178, %dma_wait3A_187, %dma_wait3A_188] : memref<4x64x384xi32, #tpu.memory_space<vmem>> -> memref<1x64x384xi32, #tpu.memory_space<vmem>>
    %dma_wait3A_190 = tpu.memref_squeeze %dma_wait3A_189 : memref<1x64x384xi32, #tpu.memory_space<vmem>> -> memref<64x384xi32, #tpu.memory_space<vmem>>
    tpu.wait_dma2 semaphore(%arg12 : memref<!tpu.dma_semaphore, #tpu.memory_space<semaphore_mem>>) src(%dma_wait3A_190 : memref<64x384xi32, #tpu.memory_space<vmem>>) dst(%dma_wait3A_186 : memref<64x384xi32, #tpu.memory_space<hbm>>)
    %dma_wait3A_191 = arith.constant 2 : i32
    %dma_wait3A_192 = arith.constant 0 : i32
    %dma_wait3A_193 = arith.constant 0 : i32
    %dma_wait3A_194 = tpu.memref_slice %arg6[%dma_wait3A_191, %dma_wait3A_192, %dma_wait3A_193] : memref<4x64x384xi32, #tpu.memory_space<vmem>> -> memref<1x64x384xi32, #tpu.memory_space<vmem>>
    %dma_wait3A_195 = tpu.memref_squeeze %dma_wait3A_194 : memref<1x64x384xi32, #tpu.memory_space<vmem>> -> memref<64x384xi32, #tpu.memory_space<vmem>>
    %dma_wait3A_196 = arith.constant 0 : i32
    %dma_wait3A_197 = tpu.memref_slice %arg4[%add3A_122, %dma_wait3A_196] : memref<8192x384xi32, #tpu.memory_space<hbm>> -> memref<64x384xi32, #tpu.memory_space<hbm>>
    %dma_wait3A_198 = arith.constant 0 : i32
    %dma_wait3A_199 = tpu.memref_slice %arg4[%add3A_122, %dma_wait3A_198] : memref<8192x384xi32, #tpu.memory_space<hbm>> -> memref<64x384xi32, #tpu.memory_space<hbm>>
    %dma_wait3A_200 = arith.constant 0 : i32
    %dma_wait3A_201 = arith.constant 0 : i32
    %dma_wait3A_202 = tpu.memref_slice %arg6[%dma_wait3A_191, %dma_wait3A_200, %dma_wait3A_201] : memref<4x64x384xi32, #tpu.memory_space<vmem>> -> memref<1x64x384xi32, #tpu.memory_space<vmem>>
    %dma_wait3A_203 = tpu.memref_squeeze %dma_wait3A_202 : memref<1x64x384xi32, #tpu.memory_space<vmem>> -> memref<64x384xi32, #tpu.memory_space<vmem>>
    tpu.wait_dma2 semaphore(%arg13 : memref<!tpu.dma_semaphore, #tpu.memory_space<semaphore_mem>>) src(%dma_wait3A_203 : memref<64x384xi32, #tpu.memory_space<vmem>>) dst(%dma_wait3A_199 : memref<64x384xi32, #tpu.memory_space<hbm>>)
    %dma_wait3A_204 = arith.constant 3 : i32
    %dma_wait3A_205 = arith.constant 0 : i32
    %dma_wait3A_206 = arith.constant 0 : i32
    %dma_wait3A_207 = tpu.memref_slice %arg6[%dma_wait3A_204, %dma_wait3A_205, %dma_wait3A_206] : memref<4x64x384xi32, #tpu.memory_space<vmem>> -> memref<1x64x384xi32, #tpu.memory_space<vmem>>
    %dma_wait3A_208 = tpu.memref_squeeze %dma_wait3A_207 : memref<1x64x384xi32, #tpu.memory_space<vmem>> -> memref<64x384xi32, #tpu.memory_space<vmem>>
    %dma_wait3A_209 = arith.constant 0 : i32
    %dma_wait3A_210 = tpu.memref_slice %arg4[%add3A_151, %dma_wait3A_209] : memref<8192x384xi32, #tpu.memory_space<hbm>> -> memref<64x384xi32, #tpu.memory_space<hbm>>
    %dma_wait3A_211 = arith.constant 0 : i32
    %dma_wait3A_212 = tpu.memref_slice %arg4[%add3A_151, %dma_wait3A_211] : memref<8192x384xi32, #tpu.memory_space<hbm>> -> memref<64x384xi32, #tpu.memory_space<hbm>>
    %dma_wait3A_213 = arith.constant 0 : i32
    %dma_wait3A_214 = arith.constant 0 : i32
    %dma_wait3A_215 = tpu.memref_slice %arg6[%dma_wait3A_204, %dma_wait3A_213, %dma_wait3A_214] : memref<4x64x384xi32, #tpu.memory_space<vmem>> -> memref<1x64x384xi32, #tpu.memory_space<vmem>>
    %dma_wait3A_216 = tpu.memref_squeeze %dma_wait3A_215 : memref<1x64x384xi32, #tpu.memory_space<vmem>> -> memref<64x384xi32, #tpu.memory_space<vmem>>
    tpu.wait_dma2 semaphore(%arg14 : memref<!tpu.dma_semaphore, #tpu.memory_space<semaphore_mem>>) src(%dma_wait3A_216 : memref<64x384xi32, #tpu.memory_space<vmem>>) dst(%dma_wait3A_212 : memref<64x384xi32, #tpu.memory_space<hbm>>)
    return
  }
}

#map = affine_map<(d0, d1) -> (0, 0)>
module attributes {stable_mosaic.version = 14 : i64} {
  func.func @comb_kernel(%arg0: i32, %arg1: i32, %arg2: memref<16640x384xi32, #tpu.memory_space<hbm>>, %arg3: memref<128x64xi32, #tpu.memory_space<hbm>>, %arg4: memref<8192x384xi32, #tpu.memory_space<hbm>>, %arg5: memref<4x64xi32, #tpu.memory_space<vmem>>, %arg6: memref<4x64x384xi32, #tpu.memory_space<vmem>>, %arg7: memref<!tpu.dma_semaphore, #tpu.memory_space<semaphore_mem>>, %arg8: memref<!tpu.dma_semaphore, #tpu.memory_space<semaphore_mem>>, %arg9: memref<!tpu.dma_semaphore, #tpu.memory_space<semaphore_mem>>, %arg10: memref<!tpu.dma_semaphore, #tpu.memory_space<semaphore_mem>>, %arg11: memref<!tpu.dma_semaphore, #tpu.memory_space<semaphore_mem>>, %arg12: memref<!tpu.dma_semaphore, #tpu.memory_space<semaphore_mem>>, %arg13: memref<!tpu.dma_semaphore, #tpu.memory_space<semaphore_mem>>, %arg14: memref<!tpu.dma_semaphore, #tpu.memory_space<semaphore_mem>>) attributes {dimension_semantics = [#tpu.dimension_semantics<core_parallel>, #tpu.dimension_semantics<subcore_parallel>], iteration_bounds = array<i64: 2, 16>, scalar_prefetch = 0 : i64, scratch_operands = 10 : i64, tpu.core_type = #tpu.core_type<sc_vector_subcore>, window_params = [{transform_indices = #map}, {transform_indices = #map}, {transform_indices = #map}]} {
    %mul3A = arith.constant 2 : i32
    %mul3A_0 = arith.muli %arg1, %mul3A : i32
    %add3A = arith.addi %mul3A_0, %arg0 : i32
    %mul3A_1 = arith.constant 4 : i32
    %mul3A_2 = arith.muli %add3A, %mul3A_1 : i32
    "tpu.region"() ({
      %run_scoped3A = tpu.sem_alloc : memref<!tpu.dma_semaphore, #tpu.memory_space<semaphore_mem>>
      %dma_start3A_217 = arith.constant 0 : i32
      %dma_start3A_218 = tpu.memref_slice %arg3[%mul3A_2, %dma_start3A_217] : memref<128x64xi32, #tpu.memory_space<hbm>> -> memref<4x64xi32, #tpu.memory_space<hbm>>
      %dma_start3A_219 = arith.constant 0 : i32
      %dma_start3A_220 = tpu.memref_slice %arg3[%mul3A_2, %dma_start3A_219] : memref<128x64xi32, #tpu.memory_space<hbm>> -> memref<4x64xi32, #tpu.memory_space<hbm>>
      tpu.enqueue_dma source(%dma_start3A_220 : memref<4x64xi32, #tpu.memory_space<hbm>>) target(%arg5 : memref<4x64xi32, #tpu.memory_space<vmem>>) target_semaphore(%run_scoped3A : memref<!tpu.dma_semaphore, #tpu.memory_space<semaphore_mem>>)
      %dma_wait3A_221 = arith.constant 0 : i32
      %dma_wait3A_222 = tpu.memref_slice %arg3[%mul3A_2, %dma_wait3A_221] : memref<128x64xi32, #tpu.memory_space<hbm>> -> memref<4x64xi32, #tpu.memory_space<hbm>>
      %dma_wait3A_223 = arith.constant 0 : i32
      %dma_wait3A_224 = tpu.memref_slice %arg3[%mul3A_2, %dma_wait3A_223] : memref<128x64xi32, #tpu.memory_space<hbm>> -> memref<4x64xi32, #tpu.memory_space<hbm>>
      tpu.wait_dma2 semaphore(%run_scoped3A : memref<!tpu.dma_semaphore, #tpu.memory_space<semaphore_mem>>) src(%dma_wait3A_224 : memref<4x64xi32, #tpu.memory_space<hbm>>) dst(%arg5 : memref<4x64xi32, #tpu.memory_space<vmem>>)
      tpu.yield
    }) : () -> ()
    %dma_start3A = arith.constant 0 : i32
    %dma_start3A_3 = arith.constant 0 : i32
    %dma_start3A_4 = arith.constant 0 : i32
    %dma_start3A_5 = arith.constant 0 : i32
    %dma_start3A_6 = tpu.memref_slice %arg6[%dma_start3A_3, %dma_start3A_4, %dma_start3A_5] : memref<4x64x384xi32, #tpu.memory_space<vmem>> -> memref<1x64x384xi32, #tpu.memory_space<vmem>>
    %dma_start3A_7 = tpu.memref_squeeze %dma_start3A_6 : memref<1x64x384xi32, #tpu.memory_space<vmem>> -> memref<64x384xi32, #tpu.memory_space<vmem>>
    %dma_start3A_8 = arith.constant 0 : i32
    %dma_start3A_9 = tpu.memref_slice %arg5[%dma_start3A, %dma_start3A_8] : memref<4x64xi32, #tpu.memory_space<vmem>> -> memref<1x64xi32, #tpu.memory_space<vmem>>
    %dma_start3A_10 = tpu.memref_squeeze %dma_start3A_9 : memref<1x64xi32, #tpu.memory_space<vmem>> -> memref<64xi32, #tpu.memory_space<vmem>>
    %dma_start3A_11 = arith.constant 0 : i32
    %dma_start3A_12 = arith.constant 0 : i32
    %dma_start3A_13 = tpu.memref_slice %arg2[%dma_start3A_11, %dma_start3A_12] : memref<16640x384xi32, #tpu.memory_space<hbm>> -> memref<16640x384xi32, #tpu.memory_space<hbm>>
    tpu.enqueue_indirect_dma source(%dma_start3A_13 : memref<16640x384xi32, #tpu.memory_space<hbm>>) target(%dma_start3A_7 : memref<64x384xi32, #tpu.memory_space<vmem>>) offsets(%dma_start3A_10 : memref<64xi32, #tpu.memory_space<vmem>>) semaphore(%arg7 : memref<!tpu.dma_semaphore, #tpu.memory_space<semaphore_mem>>)
    %dma_start3A_14 = arith.constant 1 : i32
    %dma_start3A_15 = arith.constant 1 : i32
    %dma_start3A_16 = arith.constant 0 : i32
    %dma_start3A_17 = arith.constant 0 : i32
    %dma_start3A_18 = tpu.memref_slice %arg6[%dma_start3A_15, %dma_start3A_16, %dma_start3A_17] : memref<4x64x384xi32, #tpu.memory_space<vmem>> -> memref<1x64x384xi32, #tpu.memory_space<vmem>>
    %dma_start3A_19 = tpu.memref_squeeze %dma_start3A_18 : memref<1x64x384xi32, #tpu.memory_space<vmem>> -> memref<64x384xi32, #tpu.memory_space<vmem>>
    %dma_start3A_20 = arith.constant 0 : i32
    %dma_start3A_21 = tpu.memref_slice %arg5[%dma_start3A_14, %dma_start3A_20] : memref<4x64xi32, #tpu.memory_space<vmem>> -> memref<1x64xi32, #tpu.memory_space<vmem>>
    %dma_start3A_22 = tpu.memref_squeeze %dma_start3A_21 : memref<1x64xi32, #tpu.memory_space<vmem>> -> memref<64xi32, #tpu.memory_space<vmem>>
    %dma_start3A_23 = arith.constant 0 : i32
    %dma_start3A_24 = arith.constant 0 : i32
    %dma_start3A_25 = tpu.memref_slice %arg2[%dma_start3A_23, %dma_start3A_24] : memref<16640x384xi32, #tpu.memory_space<hbm>> -> memref<16640x384xi32, #tpu.memory_space<hbm>>
    tpu.enqueue_indirect_dma source(%dma_start3A_25 : memref<16640x384xi32, #tpu.memory_space<hbm>>) target(%dma_start3A_19 : memref<64x384xi32, #tpu.memory_space<vmem>>) offsets(%dma_start3A_22 : memref<64xi32, #tpu.memory_space<vmem>>) semaphore(%arg8 : memref<!tpu.dma_semaphore, #tpu.memory_space<semaphore_mem>>)
    %dma_start3A_26 = arith.constant 2 : i32
    %dma_start3A_27 = arith.constant 2 : i32
    %dma_start3A_28 = arith.constant 0 : i32
    %dma_start3A_29 = arith.constant 0 : i32
    %dma_start3A_30 = tpu.memref_slice %arg6[%dma_start3A_27, %dma_start3A_28, %dma_start3A_29] : memref<4x64x384xi32, #tpu.memory_space<vmem>> -> memref<1x64x384xi32, #tpu.memory_space<vmem>>
    %dma_start3A_31 = tpu.memref_squeeze %dma_start3A_30 : memref<1x64x384xi32, #tpu.memory_space<vmem>> -> memref<64x384xi32, #tpu.memory_space<vmem>>
    %dma_start3A_32 = arith.constant 0 : i32
    %dma_start3A_33 = tpu.memref_slice %arg5[%dma_start3A_26, %dma_start3A_32] : memref<4x64xi32, #tpu.memory_space<vmem>> -> memref<1x64xi32, #tpu.memory_space<vmem>>
    %dma_start3A_34 = tpu.memref_squeeze %dma_start3A_33 : memref<1x64xi32, #tpu.memory_space<vmem>> -> memref<64xi32, #tpu.memory_space<vmem>>
    %dma_start3A_35 = arith.constant 0 : i32
    %dma_start3A_36 = arith.constant 0 : i32
    %dma_start3A_37 = tpu.memref_slice %arg2[%dma_start3A_35, %dma_start3A_36] : memref<16640x384xi32, #tpu.memory_space<hbm>> -> memref<16640x384xi32, #tpu.memory_space<hbm>>
    tpu.enqueue_indirect_dma source(%dma_start3A_37 : memref<16640x384xi32, #tpu.memory_space<hbm>>) target(%dma_start3A_31 : memref<64x384xi32, #tpu.memory_space<vmem>>) offsets(%dma_start3A_34 : memref<64xi32, #tpu.memory_space<vmem>>) semaphore(%arg9 : memref<!tpu.dma_semaphore, #tpu.memory_space<semaphore_mem>>)
    %dma_wait3A = arith.constant 0 : i32
    %dma_wait3A_38 = arith.constant 0 : i32
    %dma_wait3A_39 = arith.constant 0 : i32
    %dma_wait3A_40 = arith.constant 0 : i32
    %dma_wait3A_41 = tpu.memref_slice %arg6[%dma_wait3A_38, %dma_wait3A_39, %dma_wait3A_40] : memref<4x64x384xi32, #tpu.memory_space<vmem>> -> memref<1x64x384xi32, #tpu.memory_space<vmem>>
    %dma_wait3A_42 = tpu.memref_squeeze %dma_wait3A_41 : memref<1x64x384xi32, #tpu.memory_space<vmem>> -> memref<64x384xi32, #tpu.memory_space<vmem>>
    %dma_wait3A_43 = arith.constant 0 : i32
    %dma_wait3A_44 = tpu.memref_slice %arg5[%dma_wait3A, %dma_wait3A_43] : memref<4x64xi32, #tpu.memory_space<vmem>> -> memref<1x64xi32, #tpu.memory_space<vmem>>
    %dma_wait3A_45 = tpu.memref_squeeze %dma_wait3A_44 : memref<1x64xi32, #tpu.memory_space<vmem>> -> memref<64xi32, #tpu.memory_space<vmem>>
    %dma_wait3A_46 = arith.constant 0 : i32
    %dma_wait3A_47 = arith.constant 0 : i32
    %dma_wait3A_48 = tpu.memref_slice %arg2[%dma_wait3A_46, %dma_wait3A_47] : memref<16640x384xi32, #tpu.memory_space<hbm>> -> memref<16640x384xi32, #tpu.memory_space<hbm>>
    tpu.wait_indirect_dma semaphore(%arg7 : memref<!tpu.dma_semaphore, #tpu.memory_space<semaphore_mem>>) src(%dma_wait3A_48 : memref<16640x384xi32, #tpu.memory_space<hbm>>) dst(%dma_wait3A_42 : memref<64x384xi32, #tpu.memory_space<vmem>>)
    %mul3A_49 = arith.constant 256 : i32
    %mul3A_50 = arith.muli %add3A, %mul3A_49 : i32
    %add3A_51 = arith.constant 0 : i32
    %add3A_52 = arith.addi %mul3A_50, %add3A_51 : i32
    %dma_start3A_53 = arith.constant 0 : i32
    %dma_start3A_54 = arith.constant 0 : i32
    %dma_start3A_55 = arith.constant 0 : i32
    %dma_start3A_56 = tpu.memref_slice %arg6[%dma_start3A_53, %dma_start3A_54, %dma_start3A_55] : memref<4x64x384xi32, #tpu.memory_space<vmem>> -> memref<1x64x384xi32, #tpu.memory_space<vmem>>
    %dma_start3A_57 = tpu.memref_squeeze %dma_start3A_56 : memref<1x64x384xi32, #tpu.memory_space<vmem>> -> memref<64x384xi32, #tpu.memory_space<vmem>>
    %dma_start3A_58 = arith.constant 0 : i32
    %dma_start3A_59 = tpu.memref_slice %arg4[%add3A_52, %dma_start3A_58] : memref<8192x384xi32, #tpu.memory_space<hbm>> -> memref<64x384xi32, #tpu.memory_space<hbm>>
    %dma_start3A_60 = arith.constant 0 : i32
    %dma_start3A_61 = tpu.memref_slice %arg4[%add3A_52, %dma_start3A_60] : memref<8192x384xi32, #tpu.memory_space<hbm>> -> memref<64x384xi32, #tpu.memory_space<hbm>>
    %dma_start3A_62 = arith.constant 0 : i32
    %dma_start3A_63 = arith.constant 0 : i32
    %dma_start3A_64 = tpu.memref_slice %arg6[%dma_start3A_53, %dma_start3A_62, %dma_start3A_63] : memref<4x64x384xi32, #tpu.memory_space<vmem>> -> memref<1x64x384xi32, #tpu.memory_space<vmem>>
    %dma_start3A_65 = tpu.memref_squeeze %dma_start3A_64 : memref<1x64x384xi32, #tpu.memory_space<vmem>> -> memref<64x384xi32, #tpu.memory_space<vmem>>
    tpu.enqueue_dma source(%dma_start3A_65 : memref<64x384xi32, #tpu.memory_space<vmem>>) target(%dma_start3A_61 : memref<64x384xi32, #tpu.memory_space<hbm>>) target_semaphore(%arg11 : memref<!tpu.dma_semaphore, #tpu.memory_space<semaphore_mem>>)
    %dma_start3A_66 = arith.constant 3 : i32
    %dma_start3A_67 = arith.constant 3 : i32
    %dma_start3A_68 = arith.constant 0 : i32
    %dma_start3A_69 = arith.constant 0 : i32
    %dma_start3A_70 = tpu.memref_slice %arg6[%dma_start3A_67, %dma_start3A_68, %dma_start3A_69] : memref<4x64x384xi32, #tpu.memory_space<vmem>> -> memref<1x64x384xi32, #tpu.memory_space<vmem>>
    %dma_start3A_71 = tpu.memref_squeeze %dma_start3A_70 : memref<1x64x384xi32, #tpu.memory_space<vmem>> -> memref<64x384xi32, #tpu.memory_space<vmem>>
    %dma_start3A_72 = arith.constant 0 : i32
    %dma_start3A_73 = tpu.memref_slice %arg5[%dma_start3A_66, %dma_start3A_72] : memref<4x64xi32, #tpu.memory_space<vmem>> -> memref<1x64xi32, #tpu.memory_space<vmem>>
    %dma_start3A_74 = tpu.memref_squeeze %dma_start3A_73 : memref<1x64xi32, #tpu.memory_space<vmem>> -> memref<64xi32, #tpu.memory_space<vmem>>
    %dma_start3A_75 = arith.constant 0 : i32
    %dma_start3A_76 = arith.constant 0 : i32
    %dma_start3A_77 = tpu.memref_slice %arg2[%dma_start3A_75, %dma_start3A_76] : memref<16640x384xi32, #tpu.memory_space<hbm>> -> memref<16640x384xi32, #tpu.memory_space<hbm>>
    tpu.enqueue_indirect_dma source(%dma_start3A_77 : memref<16640x384xi32, #tpu.memory_space<hbm>>) target(%dma_start3A_71 : memref<64x384xi32, #tpu.memory_space<vmem>>) offsets(%dma_start3A_74 : memref<64xi32, #tpu.memory_space<vmem>>) semaphore(%arg10 : memref<!tpu.dma_semaphore, #tpu.memory_space<semaphore_mem>>)
    %dma_wait3A_78 = arith.constant 1 : i32
    %dma_wait3A_79 = arith.constant 1 : i32
    %dma_wait3A_80 = arith.constant 0 : i32
    %dma_wait3A_81 = arith.constant 0 : i32
    %dma_wait3A_82 = tpu.memref_slice %arg6[%dma_wait3A_79, %dma_wait3A_80, %dma_wait3A_81] : memref<4x64x384xi32, #tpu.memory_space<vmem>> -> memref<1x64x384xi32, #tpu.memory_space<vmem>>
    %dma_wait3A_83 = tpu.memref_squeeze %dma_wait3A_82 : memref<1x64x384xi32, #tpu.memory_space<vmem>> -> memref<64x384xi32, #tpu.memory_space<vmem>>
    %dma_wait3A_84 = arith.constant 0 : i32
    %dma_wait3A_85 = tpu.memref_slice %arg5[%dma_wait3A_78, %dma_wait3A_84] : memref<4x64xi32, #tpu.memory_space<vmem>> -> memref<1x64xi32, #tpu.memory_space<vmem>>
    %dma_wait3A_86 = tpu.memref_squeeze %dma_wait3A_85 : memref<1x64xi32, #tpu.memory_space<vmem>> -> memref<64xi32, #tpu.memory_space<vmem>>
    %dma_wait3A_87 = arith.constant 0 : i32
    %dma_wait3A_88 = arith.constant 0 : i32
    %dma_wait3A_89 = tpu.memref_slice %arg2[%dma_wait3A_87, %dma_wait3A_88] : memref<16640x384xi32, #tpu.memory_space<hbm>> -> memref<16640x384xi32, #tpu.memory_space<hbm>>
    tpu.wait_indirect_dma semaphore(%arg8 : memref<!tpu.dma_semaphore, #tpu.memory_space<semaphore_mem>>) src(%dma_wait3A_89 : memref<16640x384xi32, #tpu.memory_space<hbm>>) dst(%dma_wait3A_83 : memref<64x384xi32, #tpu.memory_space<vmem>>)
    %mul3A_90 = arith.constant 256 : i32
    %mul3A_91 = arith.muli %add3A, %mul3A_90 : i32
    %add3A_92 = arith.constant 64 : i32
    %add3A_93 = arith.addi %mul3A_91, %add3A_92 : i32
    %dma_start3A_94 = arith.constant 1 : i32
    %dma_start3A_95 = arith.constant 0 : i32
    %dma_start3A_96 = arith.constant 0 : i32
    %dma_start3A_97 = tpu.memref_slice %arg6[%dma_start3A_94, %dma_start3A_95, %dma_start3A_96] : memref<4x64x384xi32, #tpu.memory_space<vmem>> -> memref<1x64x384xi32, #tpu.memory_space<vmem>>
    %dma_start3A_98 = tpu.memref_squeeze %dma_start3A_97 : memref<1x64x384xi32, #tpu.memory_space<vmem>> -> memref<64x384xi32, #tpu.memory_space<vmem>>
    %dma_start3A_99 = arith.constant 0 : i32
    %dma_start3A_100 = tpu.memref_slice %arg4[%add3A_93, %dma_start3A_99] : memref<8192x384xi32, #tpu.memory_space<hbm>> -> memref<64x384xi32, #tpu.memory_space<hbm>>
    %dma_start3A_101 = arith.constant 0 : i32
    %dma_start3A_102 = tpu.memref_slice %arg4[%add3A_93, %dma_start3A_101] : memref<8192x384xi32, #tpu.memory_space<hbm>> -> memref<64x384xi32, #tpu.memory_space<hbm>>
    %dma_start3A_103 = arith.constant 0 : i32
    %dma_start3A_104 = arith.constant 0 : i32
    %dma_start3A_105 = tpu.memref_slice %arg6[%dma_start3A_94, %dma_start3A_103, %dma_start3A_104] : memref<4x64x384xi32, #tpu.memory_space<vmem>> -> memref<1x64x384xi32, #tpu.memory_space<vmem>>
    %dma_start3A_106 = tpu.memref_squeeze %dma_start3A_105 : memref<1x64x384xi32, #tpu.memory_space<vmem>> -> memref<64x384xi32, #tpu.memory_space<vmem>>
    tpu.enqueue_dma source(%dma_start3A_106 : memref<64x384xi32, #tpu.memory_space<vmem>>) target(%dma_start3A_102 : memref<64x384xi32, #tpu.memory_space<hbm>>) target_semaphore(%arg12 : memref<!tpu.dma_semaphore, #tpu.memory_space<semaphore_mem>>)
    %dma_wait3A_107 = arith.constant 2 : i32
    %dma_wait3A_108 = arith.constant 2 : i32
    %dma_wait3A_109 = arith.constant 0 : i32
    %dma_wait3A_110 = arith.constant 0 : i32
    %dma_wait3A_111 = tpu.memref_slice %arg6[%dma_wait3A_108, %dma_wait3A_109, %dma_wait3A_110] : memref<4x64x384xi32, #tpu.memory_space<vmem>> -> memref<1x64x384xi32, #tpu.memory_space<vmem>>
    %dma_wait3A_112 = tpu.memref_squeeze %dma_wait3A_111 : memref<1x64x384xi32, #tpu.memory_space<vmem>> -> memref<64x384xi32, #tpu.memory_space<vmem>>
    %dma_wait3A_113 = arith.constant 0 : i32
    %dma_wait3A_114 = tpu.memref_slice %arg5[%dma_wait3A_107, %dma_wait3A_113] : memref<4x64xi32, #tpu.memory_space<vmem>> -> memref<1x64xi32, #tpu.memory_space<vmem>>
    %dma_wait3A_115 = tpu.memref_squeeze %dma_wait3A_114 : memref<1x64xi32, #tpu.memory_space<vmem>> -> memref<64xi32, #tpu.memory_space<vmem>>
    %dma_wait3A_116 = arith.constant 0 : i32
    %dma_wait3A_117 = arith.constant 0 : i32
    %dma_wait3A_118 = tpu.memref_slice %arg2[%dma_wait3A_116, %dma_wait3A_117] : memref<16640x384xi32, #tpu.memory_space<hbm>> -> memref<16640x384xi32, #tpu.memory_space<hbm>>
    tpu.wait_indirect_dma semaphore(%arg9 : memref<!tpu.dma_semaphore, #tpu.memory_space<semaphore_mem>>) src(%dma_wait3A_118 : memref<16640x384xi32, #tpu.memory_space<hbm>>) dst(%dma_wait3A_112 : memref<64x384xi32, #tpu.memory_space<vmem>>)
    %mul3A_119 = arith.constant 256 : i32
    %mul3A_120 = arith.muli %add3A, %mul3A_119 : i32
    %add3A_121 = arith.constant 128 : i32
    %add3A_122 = arith.addi %mul3A_120, %add3A_121 : i32
    %dma_start3A_123 = arith.constant 2 : i32
    %dma_start3A_124 = arith.constant 0 : i32
    %dma_start3A_125 = arith.constant 0 : i32
    %dma_start3A_126 = tpu.memref_slice %arg6[%dma_start3A_123, %dma_start3A_124, %dma_start3A_125] : memref<4x64x384xi32, #tpu.memory_space<vmem>> -> memref<1x64x384xi32, #tpu.memory_space<vmem>>
    %dma_start3A_127 = tpu.memref_squeeze %dma_start3A_126 : memref<1x64x384xi32, #tpu.memory_space<vmem>> -> memref<64x384xi32, #tpu.memory_space<vmem>>
    %dma_start3A_128 = arith.constant 0 : i32
    %dma_start3A_129 = tpu.memref_slice %arg4[%add3A_122, %dma_start3A_128] : memref<8192x384xi32, #tpu.memory_space<hbm>> -> memref<64x384xi32, #tpu.memory_space<hbm>>
    %dma_start3A_130 = arith.constant 0 : i32
    %dma_start3A_131 = tpu.memref_slice %arg4[%add3A_122, %dma_start3A_130] : memref<8192x384xi32, #tpu.memory_space<hbm>> -> memref<64x384xi32, #tpu.memory_space<hbm>>
    %dma_start3A_132 = arith.constant 0 : i32
    %dma_start3A_133 = arith.constant 0 : i32
    %dma_start3A_134 = tpu.memref_slice %arg6[%dma_start3A_123, %dma_start3A_132, %dma_start3A_133] : memref<4x64x384xi32, #tpu.memory_space<vmem>> -> memref<1x64x384xi32, #tpu.memory_space<vmem>>
    %dma_start3A_135 = tpu.memref_squeeze %dma_start3A_134 : memref<1x64x384xi32, #tpu.memory_space<vmem>> -> memref<64x384xi32, #tpu.memory_space<vmem>>
    tpu.enqueue_dma source(%dma_start3A_135 : memref<64x384xi32, #tpu.memory_space<vmem>>) target(%dma_start3A_131 : memref<64x384xi32, #tpu.memory_space<hbm>>) target_semaphore(%arg13 : memref<!tpu.dma_semaphore, #tpu.memory_space<semaphore_mem>>)
    %dma_wait3A_136 = arith.constant 3 : i32
    %dma_wait3A_137 = arith.constant 3 : i32
    %dma_wait3A_138 = arith.constant 0 : i32
    %dma_wait3A_139 = arith.constant 0 : i32
    %dma_wait3A_140 = tpu.memref_slice %arg6[%dma_wait3A_137, %dma_wait3A_138, %dma_wait3A_139] : memref<4x64x384xi32, #tpu.memory_space<vmem>> -> memref<1x64x384xi32, #tpu.memory_space<vmem>>
    %dma_wait3A_141 = tpu.memref_squeeze %dma_wait3A_140 : memref<1x64x384xi32, #tpu.memory_space<vmem>> -> memref<64x384xi32, #tpu.memory_space<vmem>>
    %dma_wait3A_142 = arith.constant 0 : i32
    %dma_wait3A_143 = tpu.memref_slice %arg5[%dma_wait3A_136, %dma_wait3A_142] : memref<4x64xi32, #tpu.memory_space<vmem>> -> memref<1x64xi32, #tpu.memory_space<vmem>>
    %dma_wait3A_144 = tpu.memref_squeeze %dma_wait3A_143 : memref<1x64xi32, #tpu.memory_space<vmem>> -> memref<64xi32, #tpu.memory_space<vmem>>
    %dma_wait3A_145 = arith.constant 0 : i32
    %dma_wait3A_146 = arith.constant 0 : i32
    %dma_wait3A_147 = tpu.memref_slice %arg2[%dma_wait3A_145, %dma_wait3A_146] : memref<16640x384xi32, #tpu.memory_space<hbm>> -> memref<16640x384xi32, #tpu.memory_space<hbm>>
    tpu.wait_indirect_dma semaphore(%arg10 : memref<!tpu.dma_semaphore, #tpu.memory_space<semaphore_mem>>) src(%dma_wait3A_147 : memref<16640x384xi32, #tpu.memory_space<hbm>>) dst(%dma_wait3A_141 : memref<64x384xi32, #tpu.memory_space<vmem>>)
    %mul3A_148 = arith.constant 256 : i32
    %mul3A_149 = arith.muli %add3A, %mul3A_148 : i32
    %add3A_150 = arith.constant 192 : i32
    %add3A_151 = arith.addi %mul3A_149, %add3A_150 : i32
    %dma_start3A_152 = arith.constant 3 : i32
    %dma_start3A_153 = arith.constant 0 : i32
    %dma_start3A_154 = arith.constant 0 : i32
    %dma_start3A_155 = tpu.memref_slice %arg6[%dma_start3A_152, %dma_start3A_153, %dma_start3A_154] : memref<4x64x384xi32, #tpu.memory_space<vmem>> -> memref<1x64x384xi32, #tpu.memory_space<vmem>>
    %dma_start3A_156 = tpu.memref_squeeze %dma_start3A_155 : memref<1x64x384xi32, #tpu.memory_space<vmem>> -> memref<64x384xi32, #tpu.memory_space<vmem>>
    %dma_start3A_157 = arith.constant 0 : i32
    %dma_start3A_158 = tpu.memref_slice %arg4[%add3A_151, %dma_start3A_157] : memref<8192x384xi32, #tpu.memory_space<hbm>> -> memref<64x384xi32, #tpu.memory_space<hbm>>
    %dma_start3A_159 = arith.constant 0 : i32
    %dma_start3A_160 = tpu.memref_slice %arg4[%add3A_151, %dma_start3A_159] : memref<8192x384xi32, #tpu.memory_space<hbm>> -> memref<64x384xi32, #tpu.memory_space<hbm>>
    %dma_start3A_161 = arith.constant 0 : i32
    %dma_start3A_162 = arith.constant 0 : i32
    %dma_start3A_163 = tpu.memref_slice %arg6[%dma_start3A_152, %dma_start3A_161, %dma_start3A_162] : memref<4x64x384xi32, #tpu.memory_space<vmem>> -> memref<1x64x384xi32, #tpu.memory_space<vmem>>
    %dma_start3A_164 = tpu.memref_squeeze %dma_start3A_163 : memref<1x64x384xi32, #tpu.memory_space<vmem>> -> memref<64x384xi32, #tpu.memory_space<vmem>>
    tpu.enqueue_dma source(%dma_start3A_164 : memref<64x384xi32, #tpu.memory_space<vmem>>) target(%dma_start3A_160 : memref<64x384xi32, #tpu.memory_space<hbm>>) target_semaphore(%arg14 : memref<!tpu.dma_semaphore, #tpu.memory_space<semaphore_mem>>)
    %dma_wait3A_165 = arith.constant 0 : i32
    %dma_wait3A_166 = arith.constant 0 : i32
    %dma_wait3A_167 = arith.constant 0 : i32
    %dma_wait3A_168 = tpu.memref_slice %arg6[%dma_wait3A_165, %dma_wait3A_166, %dma_wait3A_167] : memref<4x64x384xi32, #tpu.memory_space<vmem>> -> memref<1x64x384xi32, #tpu.memory_space<vmem>>
    %dma_wait3A_169 = tpu.memref_squeeze %dma_wait3A_168 : memref<1x64x384xi32, #tpu.memory_space<vmem>> -> memref<64x384xi32, #tpu.memory_space<vmem>>
    %dma_wait3A_170 = arith.constant 0 : i32
    %dma_wait3A_171 = tpu.memref_slice %arg4[%add3A_52, %dma_wait3A_170] : memref<8192x384xi32, #tpu.memory_space<hbm>> -> memref<64x384xi32, #tpu.memory_space<hbm>>
    %dma_wait3A_172 = arith.constant 0 : i32
    %dma_wait3A_173 = tpu.memref_slice %arg4[%add3A_52, %dma_wait3A_172] : memref<8192x384xi32, #tpu.memory_space<hbm>> -> memref<64x384xi32, #tpu.memory_space<hbm>>
    %dma_wait3A_174 = arith.constant 0 : i32
    %dma_wait3A_175 = arith.constant 0 : i32
    %dma_wait3A_176 = tpu.memref_slice %arg6[%dma_wait3A_165, %dma_wait3A_174, %dma_wait3A_175] : memref<4x64x384xi32, #tpu.memory_space<vmem>> -> memref<1x64x384xi32, #tpu.memory_space<vmem>>
    %dma_wait3A_177 = tpu.memref_squeeze %dma_wait3A_176 : memref<1x64x384xi32, #tpu.memory_space<vmem>> -> memref<64x384xi32, #tpu.memory_space<vmem>>
    tpu.wait_dma2 semaphore(%arg11 : memref<!tpu.dma_semaphore, #tpu.memory_space<semaphore_mem>>) src(%dma_wait3A_177 : memref<64x384xi32, #tpu.memory_space<vmem>>) dst(%dma_wait3A_173 : memref<64x384xi32, #tpu.memory_space<hbm>>)
    %dma_wait3A_178 = arith.constant 1 : i32
    %dma_wait3A_179 = arith.constant 0 : i32
    %dma_wait3A_180 = arith.constant 0 : i32
    %dma_wait3A_181 = tpu.memref_slice %arg6[%dma_wait3A_178, %dma_wait3A_179, %dma_wait3A_180] : memref<4x64x384xi32, #tpu.memory_space<vmem>> -> memref<1x64x384xi32, #tpu.memory_space<vmem>>
    %dma_wait3A_182 = tpu.memref_squeeze %dma_wait3A_181 : memref<1x64x384xi32, #tpu.memory_space<vmem>> -> memref<64x384xi32, #tpu.memory_space<vmem>>
    %dma_wait3A_183 = arith.constant 0 : i32
    %dma_wait3A_184 = tpu.memref_slice %arg4[%add3A_93, %dma_wait3A_183] : memref<8192x384xi32, #tpu.memory_space<hbm>> -> memref<64x384xi32, #tpu.memory_space<hbm>>
    %dma_wait3A_185 = arith.constant 0 : i32
    %dma_wait3A_186 = tpu.memref_slice %arg4[%add3A_93, %dma_wait3A_185] : memref<8192x384xi32, #tpu.memory_space<hbm>> -> memref<64x384xi32, #tpu.memory_space<hbm>>
    %dma_wait3A_187 = arith.constant 0 : i32
    %dma_wait3A_188 = arith.constant 0 : i32
    %dma_wait3A_189 = tpu.memref_slice %arg6[%dma_wait3A_178, %dma_wait3A_187, %dma_wait3A_188] : memref<4x64x384xi32, #tpu.memory_space<vmem>> -> memref<1x64x384xi32, #tpu.memory_space<vmem>>
    %dma_wait3A_190 = tpu.memref_squeeze %dma_wait3A_189 : memref<1x64x384xi32, #tpu.memory_space<vmem>> -> memref<64x384xi32, #tpu.memory_space<vmem>>
    tpu.wait_dma2 semaphore(%arg12 : memref<!tpu.dma_semaphore, #tpu.memory_space<semaphore_mem>>) src(%dma_wait3A_190 : memref<64x384xi32, #tpu.memory_space<vmem>>) dst(%dma_wait3A_186 : memref<64x384xi32, #tpu.memory_space<hbm>>)
    %dma_wait3A_191 = arith.constant 2 : i32
    %dma_wait3A_192 = arith.constant 0 : i32
    %dma_wait3A_193 = arith.constant 0 : i32
    %dma_wait3A_194 = tpu.memref_slice %arg6[%dma_wait3A_191, %dma_wait3A_192, %dma_wait3A_193] : memref<4x64x384xi32, #tpu.memory_space<vmem>> -> memref<1x64x384xi32, #tpu.memory_space<vmem>>
    %dma_wait3A_195 = tpu.memref_squeeze %dma_wait3A_194 : memref<1x64x384xi32, #tpu.memory_space<vmem>> -> memref<64x384xi32, #tpu.memory_space<vmem>>
    %dma_wait3A_196 = arith.constant 0 : i32
    %dma_wait3A_197 = tpu.memref_slice %arg4[%add3A_122, %dma_wait3A_196] : memref<8192x384xi32, #tpu.memory_space<hbm>> -> memref<64x384xi32, #tpu.memory_space<hbm>>
    %dma_wait3A_198 = arith.constant 0 : i32
    %dma_wait3A_199 = tpu.memref_slice %arg4[%add3A_122, %dma_wait3A_198] : memref<8192x384xi32, #tpu.memory_space<hbm>> -> memref<64x384xi32, #tpu.memory_space<hbm>>
    %dma_wait3A_200 = arith.constant 0 : i32
    %dma_wait3A_201 = arith.constant 0 : i32
    %dma_wait3A_202 = tpu.memref_slice %arg6[%dma_wait3A_191, %dma_wait3A_200, %dma_wait3A_201] : memref<4x64x384xi32, #tpu.memory_space<vmem>> -> memref<1x64x384xi32, #tpu.memory_space<vmem>>
    %dma_wait3A_203 = tpu.memref_squeeze %dma_wait3A_202 : memref<1x64x384xi32, #tpu.memory_space<vmem>> -> memref<64x384xi32, #tpu.memory_space<vmem>>
    tpu.wait_dma2 semaphore(%arg13 : memref<!tpu.dma_semaphore, #tpu.memory_space<semaphore_mem>>) src(%dma_wait3A_203 : memref<64x384xi32, #tpu.memory_space<vmem>>) dst(%dma_wait3A_199 : memref<64x384xi32, #tpu.memory_space<hbm>>)
    %dma_wait3A_204 = arith.constant 3 : i32
    %dma_wait3A_205 = arith.constant 0 : i32
    %dma_wait3A_206 = arith.constant 0 : i32
    %dma_wait3A_207 = tpu.memref_slice %arg6[%dma_wait3A_204, %dma_wait3A_205, %dma_wait3A_206] : memref<4x64x384xi32, #tpu.memory_space<vmem>> -> memref<1x64x384xi32, #tpu.memory_space<vmem>>
    %dma_wait3A_208 = tpu.memref_squeeze %dma_wait3A_207 : memref<1x64x384xi32, #tpu.memory_space<vmem>> -> memref<64x384xi32, #tpu.memory_space<vmem>>
    %dma_wait3A_209 = arith.constant 0 : i32
    %dma_wait3A_210 = tpu.memref_slice %arg4[%add3A_151, %dma_wait3A_209] : memref<8192x384xi32, #tpu.memory_space<hbm>> -> memref<64x384xi32, #tpu.memory_space<hbm>>
    %dma_wait3A_211 = arith.constant 0 : i32
    %dma_wait3A_212 = tpu.memref_slice %arg4[%add3A_151, %dma_wait3A_211] : memref<8192x384xi32, #tpu.memory_space<hbm>> -> memref<64x384xi32, #tpu.memory_space<hbm>>
    %dma_wait3A_213 = arith.constant 0 : i32
    %dma_wait3A_214 = arith.constant 0 : i32
    %dma_wait3A_215 = tpu.memref_slice %arg6[%dma_wait3A_204, %dma_wait3A_213, %dma_wait3A_214] : memref<4x64x384xi32, #tpu.memory_space<vmem>> -> memref<1x64x384xi32, #tpu.memory_space<vmem>>
    %dma_wait3A_216 = tpu.memref_squeeze %dma_wait3A_215 : memref<1x64x384xi32, #tpu.memory_space<vmem>> -> memref<64x384xi32, #tpu.memory_space<vmem>>
    tpu.wait_dma2 semaphore(%arg14 : memref<!tpu.dma_semaphore, #tpu.memory_space<semaphore_mem>>) src(%dma_wait3A_216 : memref<64x384xi32, #tpu.memory_space<vmem>>) dst(%dma_wait3A_212 : memref<64x384xi32, #tpu.memory_space<hbm>>)
    return
  }
}

#map = affine_map<(d0, d1) -> (0, 0)>
module attributes {stable_mosaic.version = 14 : i64} {
  func.func @disp_kernel(%arg0: i32, %arg1: i32, %arg2: memref<16384x384xi32, #tpu.memory_space<hbm>>, %arg3: memref<256x64xi32, #tpu.memory_space<hbm>>, %arg4: memref<16640x384xi32, #tpu.memory_space<hbm>>, %arg5: memref<8x64xi32, #tpu.memory_space<vmem>>, %arg6: memref<4x64x384xi32, #tpu.memory_space<vmem>>, %arg7: memref<!tpu.dma_semaphore, #tpu.memory_space<semaphore_mem>>, %arg8: memref<!tpu.dma_semaphore, #tpu.memory_space<semaphore_mem>>, %arg9: memref<!tpu.dma_semaphore, #tpu.memory_space<semaphore_mem>>, %arg10: memref<!tpu.dma_semaphore, #tpu.memory_space<semaphore_mem>>, %arg11: memref<!tpu.dma_semaphore, #tpu.memory_space<semaphore_mem>>, %arg12: memref<!tpu.dma_semaphore, #tpu.memory_space<semaphore_mem>>, %arg13: memref<!tpu.dma_semaphore, #tpu.memory_space<semaphore_mem>>, %arg14: memref<!tpu.dma_semaphore, #tpu.memory_space<semaphore_mem>>) attributes {dimension_semantics = [#tpu.dimension_semantics<core_parallel>, #tpu.dimension_semantics<subcore_parallel>], iteration_bounds = array<i64: 2, 16>, scalar_prefetch = 0 : i64, scratch_operands = 10 : i64, tpu.core_type = #tpu.core_type<sc_vector_subcore>, window_params = [{transform_indices = #map}, {transform_indices = #map}, {transform_indices = #map}]} {
    %mul3A = arith.constant 2 : i32
    %mul3A_0 = arith.muli %arg1, %mul3A : i32
    %add3A = arith.addi %mul3A_0, %arg0 : i32
    %mul3A_1 = arith.constant 8 : i32
    %mul3A_2 = arith.muli %add3A, %mul3A_1 : i32
    "tpu.region"() ({
      %run_scoped3A = tpu.sem_alloc : memref<!tpu.dma_semaphore, #tpu.memory_space<semaphore_mem>>
      %dma_start3A_433 = arith.constant 0 : i32
      %dma_start3A_434 = tpu.memref_slice %arg3[%mul3A_2, %dma_start3A_433] : memref<256x64xi32, #tpu.memory_space<hbm>> -> memref<8x64xi32, #tpu.memory_space<hbm>>
      %dma_start3A_435 = arith.constant 0 : i32
      %dma_start3A_436 = tpu.memref_slice %arg3[%mul3A_2, %dma_start3A_435] : memref<256x64xi32, #tpu.memory_space<hbm>> -> memref<8x64xi32, #tpu.memory_space<hbm>>
      tpu.enqueue_dma source(%dma_start3A_436 : memref<8x64xi32, #tpu.memory_space<hbm>>) target(%arg5 : memref<8x64xi32, #tpu.memory_space<vmem>>) target_semaphore(%run_scoped3A : memref<!tpu.dma_semaphore, #tpu.memory_space<semaphore_mem>>)
      %dma_wait3A_437 = arith.constant 0 : i32
      %dma_wait3A_438 = tpu.memref_slice %arg3[%mul3A_2, %dma_wait3A_437] : memref<256x64xi32, #tpu.memory_space<hbm>> -> memref<8x64xi32, #tpu.memory_space<hbm>>
      %dma_wait3A_439 = arith.constant 0 : i32
      %dma_wait3A_440 = tpu.memref_slice %arg3[%mul3A_2, %dma_wait3A_439] : memref<256x64xi32, #tpu.memory_space<hbm>> -> memref<8x64xi32, #tpu.memory_space<hbm>>
      tpu.wait_dma2 semaphore(%run_scoped3A : memref<!tpu.dma_semaphore, #tpu.memory_space<semaphore_mem>>) src(%dma_wait3A_440 : memref<8x64xi32, #tpu.memory_space<hbm>>) dst(%arg5 : memref<8x64xi32, #tpu.memory_space<vmem>>)
      tpu.yield
    }) : () -> ()
    %mul3A_3 = arith.constant 512 : i32
    %mul3A_4 = arith.muli %add3A, %mul3A_3 : i32
    %add3A_5 = arith.constant 0 : i32
    %add3A_6 = arith.addi %mul3A_4, %add3A_5 : i32
    %dma_start3A = arith.constant 0 : i32
    %dma_start3A_7 = arith.constant 0 : i32
    %dma_start3A_8 = arith.constant 0 : i32
    %dma_start3A_9 = tpu.memref_slice %arg6[%dma_start3A, %dma_start3A_7, %dma_start3A_8] : memref<4x64x384xi32, #tpu.memory_space<vmem>> -> memref<1x64x384xi32, #tpu.memory_space<vmem>>
    %dma_start3A_10 = tpu.memref_squeeze %dma_start3A_9 : memref<1x64x384xi32, #tpu.memory_space<vmem>> -> memref<64x384xi32, #tpu.memory_space<vmem>>
    %dma_start3A_11 = arith.constant 0 : i32
    %dma_start3A_12 = tpu.memref_slice %arg2[%add3A_6, %dma_start3A_11] : memref<16384x384xi32, #tpu.memory_space<hbm>> -> memref<64x384xi32, #tpu.memory_space<hbm>>
    %dma_start3A_13 = arith.constant 0 : i32
    %dma_start3A_14 = arith.constant 0 : i32
    %dma_start3A_15 = tpu.memref_slice %arg6[%dma_start3A, %dma_start3A_13, %dma_start3A_14] : memref<4x64x384xi32, #tpu.memory_space<vmem>> -> memref<1x64x384xi32, #tpu.memory_space<vmem>>
    %dma_start3A_16 = tpu.memref_squeeze %dma_start3A_15 : memref<1x64x384xi32, #tpu.memory_space<vmem>> -> memref<64x384xi32, #tpu.memory_space<vmem>>
    %dma_start3A_17 = arith.constant 0 : i32
    %dma_start3A_18 = tpu.memref_slice %arg2[%add3A_6, %dma_start3A_17] : memref<16384x384xi32, #tpu.memory_space<hbm>> -> memref<64x384xi32, #tpu.memory_space<hbm>>
    tpu.enqueue_dma source(%dma_start3A_18 : memref<64x384xi32, #tpu.memory_space<hbm>>) target(%dma_start3A_16 : memref<64x384xi32, #tpu.memory_space<vmem>>) target_semaphore(%arg7 : memref<!tpu.dma_semaphore, #tpu.memory_space<semaphore_mem>>)
    %mul3A_19 = arith.constant 512 : i32
    %mul3A_20 = arith.muli %add3A, %mul3A_19 : i32
    %add3A_21 = arith.constant 64 : i32
    %add3A_22 = arith.addi %mul3A_20, %add3A_21 : i32
    %dma_start3A_23 = arith.constant 1 : i32
    %dma_start3A_24 = arith.constant 0 : i32
    %dma_start3A_25 = arith.constant 0 : i32
    %dma_start3A_26 = tpu.memref_slice %arg6[%dma_start3A_23, %dma_start3A_24, %dma_start3A_25] : memref<4x64x384xi32, #tpu.memory_space<vmem>> -> memref<1x64x384xi32, #tpu.memory_space<vmem>>
    %dma_start3A_27 = tpu.memref_squeeze %dma_start3A_26 : memref<1x64x384xi32, #tpu.memory_space<vmem>> -> memref<64x384xi32, #tpu.memory_space<vmem>>
    %dma_start3A_28 = arith.constant 0 : i32
    %dma_start3A_29 = tpu.memref_slice %arg2[%add3A_22, %dma_start3A_28] : memref<16384x384xi32, #tpu.memory_space<hbm>> -> memref<64x384xi32, #tpu.memory_space<hbm>>
    %dma_start3A_30 = arith.constant 0 : i32
    %dma_start3A_31 = arith.constant 0 : i32
    %dma_start3A_32 = tpu.memref_slice %arg6[%dma_start3A_23, %dma_start3A_30, %dma_start3A_31] : memref<4x64x384xi32, #tpu.memory_space<vmem>> -> memref<1x64x384xi32, #tpu.memory_space<vmem>>
    %dma_start3A_33 = tpu.memref_squeeze %dma_start3A_32 : memref<1x64x384xi32, #tpu.memory_space<vmem>> -> memref<64x384xi32, #tpu.memory_space<vmem>>
    %dma_start3A_34 = arith.constant 0 : i32
    %dma_start3A_35 = tpu.memref_slice %arg2[%add3A_22, %dma_start3A_34] : memref<16384x384xi32, #tpu.memory_space<hbm>> -> memref<64x384xi32, #tpu.memory_space<hbm>>
    tpu.enqueue_dma source(%dma_start3A_35 : memref<64x384xi32, #tpu.memory_space<hbm>>) target(%dma_start3A_33 : memref<64x384xi32, #tpu.memory_space<vmem>>) target_semaphore(%arg8 : memref<!tpu.dma_semaphore, #tpu.memory_space<semaphore_mem>>)
    %mul3A_36 = arith.constant 512 : i32
    %mul3A_37 = arith.muli %add3A, %mul3A_36 : i32
    %add3A_38 = arith.constant 128 : i32
    %add3A_39 = arith.addi %mul3A_37, %add3A_38 : i32
    %dma_start3A_40 = arith.constant 2 : i32
    %dma_start3A_41 = arith.constant 0 : i32
    %dma_start3A_42 = arith.constant 0 : i32
    %dma_start3A_43 = tpu.memref_slice %arg6[%dma_start3A_40, %dma_start3A_41, %dma_start3A_42] : memref<4x64x384xi32, #tpu.memory_space<vmem>> -> memref<1x64x384xi32, #tpu.memory_space<vmem>>
    %dma_start3A_44 = tpu.memref_squeeze %dma_start3A_43 : memref<1x64x384xi32, #tpu.memory_space<vmem>> -> memref<64x384xi32, #tpu.memory_space<vmem>>
    %dma_start3A_45 = arith.constant 0 : i32
    %dma_start3A_46 = tpu.memref_slice %arg2[%add3A_39, %dma_start3A_45] : memref<16384x384xi32, #tpu.memory_space<hbm>> -> memref<64x384xi32, #tpu.memory_space<hbm>>
    %dma_start3A_47 = arith.constant 0 : i32
    %dma_start3A_48 = arith.constant 0 : i32
    %dma_start3A_49 = tpu.memref_slice %arg6[%dma_start3A_40, %dma_start3A_47, %dma_start3A_48] : memref<4x64x384xi32, #tpu.memory_space<vmem>> -> memref<1x64x384xi32, #tpu.memory_space<vmem>>
    %dma_start3A_50 = tpu.memref_squeeze %dma_start3A_49 : memref<1x64x384xi32, #tpu.memory_space<vmem>> -> memref<64x384xi32, #tpu.memory_space<vmem>>
    %dma_start3A_51 = arith.constant 0 : i32
    %dma_start3A_52 = tpu.memref_slice %arg2[%add3A_39, %dma_start3A_51] : memref<16384x384xi32, #tpu.memory_space<hbm>> -> memref<64x384xi32, #tpu.memory_space<hbm>>
    tpu.enqueue_dma source(%dma_start3A_52 : memref<64x384xi32, #tpu.memory_space<hbm>>) target(%dma_start3A_50 : memref<64x384xi32, #tpu.memory_space<vmem>>) target_semaphore(%arg9 : memref<!tpu.dma_semaphore, #tpu.memory_space<semaphore_mem>>)
    %dma_wait3A = arith.constant 0 : i32
    %dma_wait3A_53 = arith.constant 0 : i32
    %dma_wait3A_54 = arith.constant 0 : i32
    %dma_wait3A_55 = tpu.memref_slice %arg6[%dma_wait3A, %dma_wait3A_53, %dma_wait3A_54] : memref<4x64x384xi32, #tpu.memory_space<vmem>> -> memref<1x64x384xi32, #tpu.memory_space<vmem>>
    %dma_wait3A_56 = tpu.memref_squeeze %dma_wait3A_55 : memref<1x64x384xi32, #tpu.memory_space<vmem>> -> memref<64x384xi32, #tpu.memory_space<vmem>>
    %dma_wait3A_57 = arith.constant 0 : i32
    %dma_wait3A_58 = tpu.memref_slice %arg2[%add3A_6, %dma_wait3A_57] : memref<16384x384xi32, #tpu.memory_space<hbm>> -> memref<64x384xi32, #tpu.memory_space<hbm>>
    %dma_wait3A_59 = arith.constant 0 : i32
    %dma_wait3A_60 = arith.constant 0 : i32
    %dma_wait3A_61 = tpu.memref_slice %arg6[%dma_wait3A, %dma_wait3A_59, %dma_wait3A_60] : memref<4x64x384xi32, #tpu.memory_space<vmem>> -> memref<1x64x384xi32, #tpu.memory_space<vmem>>
    %dma_wait3A_62 = tpu.memref_squeeze %dma_wait3A_61 : memref<1x64x384xi32, #tpu.memory_space<vmem>> -> memref<64x384xi32, #tpu.memory_space<vmem>>
    %dma_wait3A_63 = arith.constant 0 : i32
    %dma_wait3A_64 = tpu.memref_slice %arg2[%add3A_6, %dma_wait3A_63] : memref<16384x384xi32, #tpu.memory_space<hbm>> -> memref<64x384xi32, #tpu.memory_space<hbm>>
    tpu.wait_dma2 semaphore(%arg7 : memref<!tpu.dma_semaphore, #tpu.memory_space<semaphore_mem>>) src(%dma_wait3A_64 : memref<64x384xi32, #tpu.memory_space<hbm>>) dst(%dma_wait3A_62 : memref<64x384xi32, #tpu.memory_space<vmem>>)
    %dma_start3A_65 = arith.constant 0 : i32
    %dma_start3A_66 = arith.constant 0 : i32
    %dma_start3A_67 = arith.constant 0 : i32
    %dma_start3A_68 = arith.constant 0 : i32
    %dma_start3A_69 = tpu.memref_slice %arg6[%dma_start3A_65, %dma_start3A_67, %dma_start3A_68] : memref<4x64x384xi32, #tpu.memory_space<vmem>> -> memref<1x64x384xi32, #tpu.memory_space<vmem>>
    %dma_start3A_70 = tpu.memref_squeeze %dma_start3A_69 : memref<1x64x384xi32, #tpu.memory_space<vmem>> -> memref<64x384xi32, #tpu.memory_space<vmem>>
    %dma_start3A_71 = arith.constant 0 : i32
    %dma_start3A_72 = tpu.memref_slice %arg5[%dma_start3A_66, %dma_start3A_71] : memref<8x64xi32, #tpu.memory_space<vmem>> -> memref<1x64xi32, #tpu.memory_space<vmem>>
    %dma_start3A_73 = tpu.memref_squeeze %dma_start3A_72 : memref<1x64xi32, #tpu.memory_space<vmem>> -> memref<64xi32, #tpu.memory_space<vmem>>
    %dma_start3A_74 = arith.constant 0 : i32
    %dma_start3A_75 = arith.constant 0 : i32
    %dma_start3A_76 = tpu.memref_slice %arg4[%dma_start3A_74, %dma_start3A_75] : memref<16640x384xi32, #tpu.memory_space<hbm>> -> memref<16640x384xi32, #tpu.memory_space<hbm>>
    tpu.enqueue_indirect_dma source(%dma_start3A_70 : memref<64x384xi32, #tpu.memory_space<vmem>>) target(%dma_start3A_76 : memref<16640x384xi32, #tpu.memory_space<hbm>>) offsets(%dma_start3A_73 : memref<64xi32, #tpu.memory_space<vmem>>) semaphore(%arg11 : memref<!tpu.dma_semaphore, #tpu.memory_space<semaphore_mem>>)
    %mul3A_77 = arith.constant 512 : i32
    %mul3A_78 = arith.muli %add3A, %mul3A_77 : i32
    %add3A_79 = arith.constant 192 : i32
    %add3A_80 = arith.addi %mul3A_78, %add3A_79 : i32
    %dma_start3A_81 = arith.constant 3 : i32
    %dma_start3A_82 = arith.constant 0 : i32
    %dma_start3A_83 = arith.constant 0 : i32
    %dma_start3A_84 = tpu.memref_slice %arg6[%dma_start3A_81, %dma_start3A_82, %dma_start3A_83] : memref<4x64x384xi32, #tpu.memory_space<vmem>> -> memref<1x64x384xi32, #tpu.memory_space<vmem>>
    %dma_start3A_85 = tpu.memref_squeeze %dma_start3A_84 : memref<1x64x384xi32, #tpu.memory_space<vmem>> -> memref<64x384xi32, #tpu.memory_space<vmem>>
    %dma_start3A_86 = arith.constant 0 : i32
    %dma_start3A_87 = tpu.memref_slice %arg2[%add3A_80, %dma_start3A_86] : memref<16384x384xi32, #tpu.memory_space<hbm>> -> memref<64x384xi32, #tpu.memory_space<hbm>>
    %dma_start3A_88 = arith.constant 0 : i32
    %dma_start3A_89 = arith.constant 0 : i32
    %dma_start3A_90 = tpu.memref_slice %arg6[%dma_start3A_81, %dma_start3A_88, %dma_start3A_89] : memref<4x64x384xi32, #tpu.memory_space<vmem>> -> memref<1x64x384xi32, #tpu.memory_space<vmem>>
    %dma_start3A_91 = tpu.memref_squeeze %dma_start3A_90 : memref<1x64x384xi32, #tpu.memory_space<vmem>> -> memref<64x384xi32, #tpu.memory_space<vmem>>
    %dma_start3A_92 = arith.constant 0 : i32
    %dma_start3A_93 = tpu.memref_slice %arg2[%add3A_80, %dma_start3A_92] : memref<16384x384xi32, #tpu.memory_space<hbm>> -> memref<64x384xi32, #tpu.memory_space<hbm>>
    tpu.enqueue_dma source(%dma_start3A_93 : memref<64x384xi32, #tpu.memory_space<hbm>>) target(%dma_start3A_91 : memref<64x384xi32, #tpu.memory_space<vmem>>) target_semaphore(%arg10 : memref<!tpu.dma_semaphore, #tpu.memory_space<semaphore_mem>>)
    %dma_wait3A_94 = arith.constant 1 : i32
    %dma_wait3A_95 = arith.constant 0 : i32
    %dma_wait3A_96 = arith.constant 0 : i32
    %dma_wait3A_97 = tpu.memref_slice %arg6[%dma_wait3A_94, %dma_wait3A_95, %dma_wait3A_96] : memref<4x64x384xi32, #tpu.memory_space<vmem>> -> memref<1x64x384xi32, #tpu.memory_space<vmem>>
    %dma_wait3A_98 = tpu.memref_squeeze %dma_wait3A_97 : memref<1x64x384xi32, #tpu.memory_space<vmem>> -> memref<64x384xi32, #tpu.memory_space<vmem>>
    %dma_wait3A_99 = arith.constant 0 : i32
    %dma_wait3A_100 = tpu.memref_slice %arg2[%add3A_22, %dma_wait3A_99] : memref<16384x384xi32, #tpu.memory_space<hbm>> -> memref<64x384xi32, #tpu.memory_space<hbm>>
    %dma_wait3A_101 = arith.constant 0 : i32
    %dma_wait3A_102 = arith.constant 0 : i32
    %dma_wait3A_103 = tpu.memref_slice %arg6[%dma_wait3A_94, %dma_wait3A_101, %dma_wait3A_102] : memref<4x64x384xi32, #tpu.memory_space<vmem>> -> memref<1x64x384xi32, #tpu.memory_space<vmem>>
    %dma_wait3A_104 = tpu.memref_squeeze %dma_wait3A_103 : memref<1x64x384xi32, #tpu.memory_space<vmem>> -> memref<64x384xi32, #tpu.memory_space<vmem>>
    %dma_wait3A_105 = arith.constant 0 : i32
    %dma_wait3A_106 = tpu.memref_slice %arg2[%add3A_22, %dma_wait3A_105] : memref<16384x384xi32, #tpu.memory_space<hbm>> -> memref<64x384xi32, #tpu.memory_space<hbm>>
    tpu.wait_dma2 semaphore(%arg8 : memref<!tpu.dma_semaphore, #tpu.memory_space<semaphore_mem>>) src(%dma_wait3A_106 : memref<64x384xi32, #tpu.memory_space<hbm>>) dst(%dma_wait3A_104 : memref<64x384xi32, #tpu.memory_space<vmem>>)
    %dma_start3A_107 = arith.constant 1 : i32
    %dma_start3A_108 = arith.constant 1 : i32
    %dma_start3A_109 = arith.constant 0 : i32
    %dma_start3A_110 = arith.constant 0 : i32
    %dma_start3A_111 = tpu.memref_slice %arg6[%dma_start3A_107, %dma_start3A_109, %dma_start3A_110] : memref<4x64x384xi32, #tpu.memory_space<vmem>> -> memref<1x64x384xi32, #tpu.memory_space<vmem>>
    %dma_start3A_112 = tpu.memref_squeeze %dma_start3A_111 : memref<1x64x384xi32, #tpu.memory_space<vmem>> -> memref<64x384xi32, #tpu.memory_space<vmem>>
    %dma_start3A_113 = arith.constant 0 : i32
    %dma_start3A_114 = tpu.memref_slice %arg5[%dma_start3A_108, %dma_start3A_113] : memref<8x64xi32, #tpu.memory_space<vmem>> -> memref<1x64xi32, #tpu.memory_space<vmem>>
    %dma_start3A_115 = tpu.memref_squeeze %dma_start3A_114 : memref<1x64xi32, #tpu.memory_space<vmem>> -> memref<64xi32, #tpu.memory_space<vmem>>
    %dma_start3A_116 = arith.constant 0 : i32
    %dma_start3A_117 = arith.constant 0 : i32
    %dma_start3A_118 = tpu.memref_slice %arg4[%dma_start3A_116, %dma_start3A_117] : memref<16640x384xi32, #tpu.memory_space<hbm>> -> memref<16640x384xi32, #tpu.memory_space<hbm>>
    tpu.enqueue_indirect_dma source(%dma_start3A_112 : memref<64x384xi32, #tpu.memory_space<vmem>>) target(%dma_start3A_118 : memref<16640x384xi32, #tpu.memory_space<hbm>>) offsets(%dma_start3A_115 : memref<64xi32, #tpu.memory_space<vmem>>) semaphore(%arg12 : memref<!tpu.dma_semaphore, #tpu.memory_space<semaphore_mem>>)
    %dma_wait3A_119 = arith.constant 0 : i32
    %dma_wait3A_120 = arith.constant 0 : i32
    %dma_wait3A_121 = arith.constant 0 : i32
    %dma_wait3A_122 = arith.constant 0 : i32
    %dma_wait3A_123 = tpu.memref_slice %arg6[%dma_wait3A_119, %dma_wait3A_121, %dma_wait3A_122] : memref<4x64x384xi32, #tpu.memory_space<vmem>> -> memref<1x64x384xi32, #tpu.memory_space<vmem>>
    %dma_wait3A_124 = tpu.memref_squeeze %dma_wait3A_123 : memref<1x64x384xi32, #tpu.memory_space<vmem>> -> memref<64x384xi32, #tpu.memory_space<vmem>>
    %dma_wait3A_125 = arith.constant 0 : i32
    %dma_wait3A_126 = tpu.memref_slice %arg5[%dma_wait3A_120, %dma_wait3A_125] : memref<8x64xi32, #tpu.memory_space<vmem>> -> memref<1x64xi32, #tpu.memory_space<vmem>>
    %dma_wait3A_127 = tpu.memref_squeeze %dma_wait3A_126 : memref<1x64xi32, #tpu.memory_space<vmem>> -> memref<64xi32, #tpu.memory_space<vmem>>
    %dma_wait3A_128 = arith.constant 0 : i32
    %dma_wait3A_129 = arith.constant 0 : i32
    %dma_wait3A_130 = tpu.memref_slice %arg4[%dma_wait3A_128, %dma_wait3A_129] : memref<16640x384xi32, #tpu.memory_space<hbm>> -> memref<16640x384xi32, #tpu.memory_space<hbm>>
    tpu.wait_indirect_dma semaphore(%arg11 : memref<!tpu.dma_semaphore, #tpu.memory_space<semaphore_mem>>) src(%dma_wait3A_124 : memref<64x384xi32, #tpu.memory_space<vmem>>) dst(%dma_wait3A_130 : memref<16640x384xi32, #tpu.memory_space<hbm>>)
    %mul3A_131 = arith.constant 512 : i32
    %mul3A_132 = arith.muli %add3A, %mul3A_131 : i32
    %add3A_133 = arith.constant 256 : i32
    %add3A_134 = arith.addi %mul3A_132, %add3A_133 : i32
    %dma_start3A_135 = arith.constant 0 : i32
    %dma_start3A_136 = arith.constant 0 : i32
    %dma_start3A_137 = arith.constant 0 : i32
    %dma_start3A_138 = tpu.memref_slice %arg6[%dma_start3A_135, %dma_start3A_136, %dma_start3A_137] : memref<4x64x384xi32, #tpu.memory_space<vmem>> -> memref<1x64x384xi32, #tpu.memory_space<vmem>>
    %dma_start3A_139 = tpu.memref_squeeze %dma_start3A_138 : memref<1x64x384xi32, #tpu.memory_space<vmem>> -> memref<64x384xi32, #tpu.memory_space<vmem>>
    %dma_start3A_140 = arith.constant 0 : i32
    %dma_start3A_141 = tpu.memref_slice %arg2[%add3A_134, %dma_start3A_140] : memref<16384x384xi32, #tpu.memory_space<hbm>> -> memref<64x384xi32, #tpu.memory_space<hbm>>
    %dma_start3A_142 = arith.constant 0 : i32
    %dma_start3A_143 = arith.constant 0 : i32
    %dma_start3A_144 = tpu.memref_slice %arg6[%dma_start3A_135, %dma_start3A_142, %dma_start3A_143] : memref<4x64x384xi32, #tpu.memory_space<vmem>> -> memref<1x64x384xi32, #tpu.memory_space<vmem>>
    %dma_start3A_145 = tpu.memref_squeeze %dma_start3A_144 : memref<1x64x384xi32, #tpu.memory_space<vmem>> -> memref<64x384xi32, #tpu.memory_space<vmem>>
    %dma_start3A_146 = arith.constant 0 : i32
    %dma_start3A_147 = tpu.memref_slice %arg2[%add3A_134, %dma_start3A_146] : memref<16384x384xi32, #tpu.memory_space<hbm>> -> memref<64x384xi32, #tpu.memory_space<hbm>>
    tpu.enqueue_dma source(%dma_start3A_147 : memref<64x384xi32, #tpu.memory_space<hbm>>) target(%dma_start3A_145 : memref<64x384xi32, #tpu.memory_space<vmem>>) target_semaphore(%arg7 : memref<!tpu.dma_semaphore, #tpu.memory_space<semaphore_mem>>)
    %dma_wait3A_148 = arith.constant 2 : i32
    %dma_wait3A_149 = arith.constant 0 : i32
    %dma_wait3A_150 = arith.constant 0 : i32
    %dma_wait3A_151 = tpu.memref_slice %arg6[%dma_wait3A_148, %dma_wait3A_149, %dma_wait3A_150] : memref<4x64x384xi32, #tpu.memory_space<vmem>> -> memref<1x64x384xi32, #tpu.memory_space<vmem>>
    %dma_wait3A_152 = tpu.memref_squeeze %dma_wait3A_151 : memref<1x64x384xi32, #tpu.memory_space<vmem>> -> memref<64x384xi32, #tpu.memory_space<vmem>>
    %dma_wait3A_153 = arith.constant 0 : i32
    %dma_wait3A_154 = tpu.memref_slice %arg2[%add3A_39, %dma_wait3A_153] : memref<16384x384xi32, #tpu.memory_space<hbm>> -> memref<64x384xi32, #tpu.memory_space<hbm>>
    %dma_wait3A_155 = arith.constant 0 : i32
    %dma_wait3A_156 = arith.constant 0 : i32
    %dma_wait3A_157 = tpu.memref_slice %arg6[%dma_wait3A_148, %dma_wait3A_155, %dma_wait3A_156] : memref<4x64x384xi32, #tpu.memory_space<vmem>> -> memref<1x64x384xi32, #tpu.memory_space<vmem>>
    %dma_wait3A_158 = tpu.memref_squeeze %dma_wait3A_157 : memref<1x64x384xi32, #tpu.memory_space<vmem>> -> memref<64x384xi32, #tpu.memory_space<vmem>>
    %dma_wait3A_159 = arith.constant 0 : i32
    %dma_wait3A_160 = tpu.memref_slice %arg2[%add3A_39, %dma_wait3A_159] : memref<16384x384xi32, #tpu.memory_space<hbm>> -> memref<64x384xi32, #tpu.memory_space<hbm>>
    tpu.wait_dma2 semaphore(%arg9 : memref<!tpu.dma_semaphore, #tpu.memory_space<semaphore_mem>>) src(%dma_wait3A_160 : memref<64x384xi32, #tpu.memory_space<hbm>>) dst(%dma_wait3A_158 : memref<64x384xi32, #tpu.memory_space<vmem>>)
    %dma_start3A_161 = arith.constant 2 : i32
    %dma_start3A_162 = arith.constant 2 : i32
    %dma_start3A_163 = arith.constant 0 : i32
    %dma_start3A_164 = arith.constant 0 : i32
    %dma_start3A_165 = tpu.memref_slice %arg6[%dma_start3A_161, %dma_start3A_163, %dma_start3A_164] : memref<4x64x384xi32, #tpu.memory_space<vmem>> -> memref<1x64x384xi32, #tpu.memory_space<vmem>>
    %dma_start3A_166 = tpu.memref_squeeze %dma_start3A_165 : memref<1x64x384xi32, #tpu.memory_space<vmem>> -> memref<64x384xi32, #tpu.memory_space<vmem>>
    %dma_start3A_167 = arith.constant 0 : i32
    %dma_start3A_168 = tpu.memref_slice %arg5[%dma_start3A_162, %dma_start3A_167] : memref<8x64xi32, #tpu.memory_space<vmem>> -> memref<1x64xi32, #tpu.memory_space<vmem>>
    %dma_start3A_169 = tpu.memref_squeeze %dma_start3A_168 : memref<1x64xi32, #tpu.memory_space<vmem>> -> memref<64xi32, #tpu.memory_space<vmem>>
    %dma_start3A_170 = arith.constant 0 : i32
    %dma_start3A_171 = arith.constant 0 : i32
    %dma_start3A_172 = tpu.memref_slice %arg4[%dma_start3A_170, %dma_start3A_171] : memref<16640x384xi32, #tpu.memory_space<hbm>> -> memref<16640x384xi32, #tpu.memory_space<hbm>>
    tpu.enqueue_indirect_dma source(%dma_start3A_166 : memref<64x384xi32, #tpu.memory_space<vmem>>) target(%dma_start3A_172 : memref<16640x384xi32, #tpu.memory_space<hbm>>) offsets(%dma_start3A_169 : memref<64xi32, #tpu.memory_space<vmem>>) semaphore(%arg13 : memref<!tpu.dma_semaphore, #tpu.memory_space<semaphore_mem>>)
    %dma_wait3A_173 = arith.constant 1 : i32
    %dma_wait3A_174 = arith.constant 1 : i32
    %dma_wait3A_175 = arith.constant 0 : i32
    %dma_wait3A_176 = arith.constant 0 : i32
    %dma_wait3A_177 = tpu.memref_slice %arg6[%dma_wait3A_173, %dma_wait3A_175, %dma_wait3A_176] : memref<4x64x384xi32, #tpu.memory_space<vmem>> -> memref<1x64x384xi32, #tpu.memory_space<vmem>>
    %dma_wait3A_178 = tpu.memref_squeeze %dma_wait3A_177 : memref<1x64x384xi32, #tpu.memory_space<vmem>> -> memref<64x384xi32, #tpu.memory_space<vmem>>
    %dma_wait3A_179 = arith.constant 0 : i32
    %dma_wait3A_180 = tpu.memref_slice %arg5[%dma_wait3A_174, %dma_wait3A_179] : memref<8x64xi32, #tpu.memory_space<vmem>> -> memref<1x64xi32, #tpu.memory_space<vmem>>
    %dma_wait3A_181 = tpu.memref_squeeze %dma_wait3A_180 : memref<1x64xi32, #tpu.memory_space<vmem>> -> memref<64xi32, #tpu.memory_space<vmem>>
    %dma_wait3A_182 = arith.constant 0 : i32
    %dma_wait3A_183 = arith.constant 0 : i32
    %dma_wait3A_184 = tpu.memref_slice %arg4[%dma_wait3A_182, %dma_wait3A_183] : memref<16640x384xi32, #tpu.memory_space<hbm>> -> memref<16640x384xi32, #tpu.memory_space<hbm>>
    tpu.wait_indirect_dma semaphore(%arg12 : memref<!tpu.dma_semaphore, #tpu.memory_space<semaphore_mem>>) src(%dma_wait3A_178 : memref<64x384xi32, #tpu.memory_space<vmem>>) dst(%dma_wait3A_184 : memref<16640x384xi32, #tpu.memory_space<hbm>>)
    %mul3A_185 = arith.constant 512 : i32
    %mul3A_186 = arith.muli %add3A, %mul3A_185 : i32
    %add3A_187 = arith.constant 320 : i32
    %add3A_188 = arith.addi %mul3A_186, %add3A_187 : i32
    %dma_start3A_189 = arith.constant 1 : i32
    %dma_start3A_190 = arith.constant 0 : i32
    %dma_start3A_191 = arith.constant 0 : i32
    %dma_start3A_192 = tpu.memref_slice %arg6[%dma_start3A_189, %dma_start3A_190, %dma_start3A_191] : memref<4x64x384xi32, #tpu.memory_space<vmem>> -> memref<1x64x384xi32, #tpu.memory_space<vmem>>
    %dma_start3A_193 = tpu.memref_squeeze %dma_start3A_192 : memref<1x64x384xi32, #tpu.memory_space<vmem>> -> memref<64x384xi32, #tpu.memory_space<vmem>>
    %dma_start3A_194 = arith.constant 0 : i32
    %dma_start3A_195 = tpu.memref_slice %arg2[%add3A_188, %dma_start3A_194] : memref<16384x384xi32, #tpu.memory_space<hbm>> -> memref<64x384xi32, #tpu.memory_space<hbm>>
    %dma_start3A_196 = arith.constant 0 : i32
    %dma_start3A_197 = arith.constant 0 : i32
    %dma_start3A_198 = tpu.memref_slice %arg6[%dma_start3A_189, %dma_start3A_196, %dma_start3A_197] : memref<4x64x384xi32, #tpu.memory_space<vmem>> -> memref<1x64x384xi32, #tpu.memory_space<vmem>>
    %dma_start3A_199 = tpu.memref_squeeze %dma_start3A_198 : memref<1x64x384xi32, #tpu.memory_space<vmem>> -> memref<64x384xi32, #tpu.memory_space<vmem>>
    %dma_start3A_200 = arith.constant 0 : i32
    %dma_start3A_201 = tpu.memref_slice %arg2[%add3A_188, %dma_start3A_200] : memref<16384x384xi32, #tpu.memory_space<hbm>> -> memref<64x384xi32, #tpu.memory_space<hbm>>
    tpu.enqueue_dma source(%dma_start3A_201 : memref<64x384xi32, #tpu.memory_space<hbm>>) target(%dma_start3A_199 : memref<64x384xi32, #tpu.memory_space<vmem>>) target_semaphore(%arg8 : memref<!tpu.dma_semaphore, #tpu.memory_space<semaphore_mem>>)
    %dma_wait3A_202 = arith.constant 3 : i32
    %dma_wait3A_203 = arith.constant 0 : i32
    %dma_wait3A_204 = arith.constant 0 : i32
    %dma_wait3A_205 = tpu.memref_slice %arg6[%dma_wait3A_202, %dma_wait3A_203, %dma_wait3A_204] : memref<4x64x384xi32, #tpu.memory_space<vmem>> -> memref<1x64x384xi32, #tpu.memory_space<vmem>>
    %dma_wait3A_206 = tpu.memref_squeeze %dma_wait3A_205 : memref<1x64x384xi32, #tpu.memory_space<vmem>> -> memref<64x384xi32, #tpu.memory_space<vmem>>
    %dma_wait3A_207 = arith.constant 0 : i32
    %dma_wait3A_208 = tpu.memref_slice %arg2[%add3A_80, %dma_wait3A_207] : memref<16384x384xi32, #tpu.memory_space<hbm>> -> memref<64x384xi32, #tpu.memory_space<hbm>>
    %dma_wait3A_209 = arith.constant 0 : i32
    %dma_wait3A_210 = arith.constant 0 : i32
    %dma_wait3A_211 = tpu.memref_slice %arg6[%dma_wait3A_202, %dma_wait3A_209, %dma_wait3A_210] : memref<4x64x384xi32, #tpu.memory_space<vmem>> -> memref<1x64x384xi32, #tpu.memory_space<vmem>>
    %dma_wait3A_212 = tpu.memref_squeeze %dma_wait3A_211 : memref<1x64x384xi32, #tpu.memory_space<vmem>> -> memref<64x384xi32, #tpu.memory_space<vmem>>
    %dma_wait3A_213 = arith.constant 0 : i32
    %dma_wait3A_214 = tpu.memref_slice %arg2[%add3A_80, %dma_wait3A_213] : memref<16384x384xi32, #tpu.memory_space<hbm>> -> memref<64x384xi32, #tpu.memory_space<hbm>>
    tpu.wait_dma2 semaphore(%arg10 : memref<!tpu.dma_semaphore, #tpu.memory_space<semaphore_mem>>) src(%dma_wait3A_214 : memref<64x384xi32, #tpu.memory_space<hbm>>) dst(%dma_wait3A_212 : memref<64x384xi32, #tpu.memory_space<vmem>>)
    %dma_start3A_215 = arith.constant 3 : i32
    %dma_start3A_216 = arith.constant 3 : i32
    %dma_start3A_217 = arith.constant 0 : i32
    %dma_start3A_218 = arith.constant 0 : i32
    %dma_start3A_219 = tpu.memref_slice %arg6[%dma_start3A_215, %dma_start3A_217, %dma_start3A_218] : memref<4x64x384xi32, #tpu.memory_space<vmem>> -> memref<1x64x384xi32, #tpu.memory_space<vmem>>
    %dma_start3A_220 = tpu.memref_squeeze %dma_start3A_219 : memref<1x64x384xi32, #tpu.memory_space<vmem>> -> memref<64x384xi32, #tpu.memory_space<vmem>>
    %dma_start3A_221 = arith.constant 0 : i32
    %dma_start3A_222 = tpu.memref_slice %arg5[%dma_start3A_216, %dma_start3A_221] : memref<8x64xi32, #tpu.memory_space<vmem>> -> memref<1x64xi32, #tpu.memory_space<vmem>>
    %dma_start3A_223 = tpu.memref_squeeze %dma_start3A_222 : memref<1x64xi32, #tpu.memory_space<vmem>> -> memref<64xi32, #tpu.memory_space<vmem>>
    %dma_start3A_224 = arith.constant 0 : i32
    %dma_start3A_225 = arith.constant 0 : i32
    %dma_start3A_226 = tpu.memref_slice %arg4[%dma_start3A_224, %dma_start3A_225] : memref<16640x384xi32, #tpu.memory_space<hbm>> -> memref<16640x384xi32, #tpu.memory_space<hbm>>
    tpu.enqueue_indirect_dma source(%dma_start3A_220 : memref<64x384xi32, #tpu.memory_space<vmem>>) target(%dma_start3A_226 : memref<16640x384xi32, #tpu.memory_space<hbm>>) offsets(%dma_start3A_223 : memref<64xi32, #tpu.memory_space<vmem>>) semaphore(%arg14 : memref<!tpu.dma_semaphore, #tpu.memory_space<semaphore_mem>>)
    %dma_wait3A_227 = arith.constant 2 : i32
    %dma_wait3A_228 = arith.constant 2 : i32
    %dma_wait3A_229 = arith.constant 0 : i32
    %dma_wait3A_230 = arith.constant 0 : i32
    %dma_wait3A_231 = tpu.memref_slice %arg6[%dma_wait3A_227, %dma_wait3A_229, %dma_wait3A_230] : memref<4x64x384xi32, #tpu.memory_space<vmem>> -> memref<1x64x384xi32, #tpu.memory_space<vmem>>
    %dma_wait3A_232 = tpu.memref_squeeze %dma_wait3A_231 : memref<1x64x384xi32, #tpu.memory_space<vmem>> -> memref<64x384xi32, #tpu.memory_space<vmem>>
    %dma_wait3A_233 = arith.constant 0 : i32
    %dma_wait3A_234 = tpu.memref_slice %arg5[%dma_wait3A_228, %dma_wait3A_233] : memref<8x64xi32, #tpu.memory_space<vmem>> -> memref<1x64xi32, #tpu.memory_space<vmem>>
    %dma_wait3A_235 = tpu.memref_squeeze %dma_wait3A_234 : memref<1x64xi32, #tpu.memory_space<vmem>> -> memref<64xi32, #tpu.memory_space<vmem>>
    %dma_wait3A_236 = arith.constant 0 : i32
    %dma_wait3A_237 = arith.constant 0 : i32
    %dma_wait3A_238 = tpu.memref_slice %arg4[%dma_wait3A_236, %dma_wait3A_237] : memref<16640x384xi32, #tpu.memory_space<hbm>> -> memref<16640x384xi32, #tpu.memory_space<hbm>>
    tpu.wait_indirect_dma semaphore(%arg13 : memref<!tpu.dma_semaphore, #tpu.memory_space<semaphore_mem>>) src(%dma_wait3A_232 : memref<64x384xi32, #tpu.memory_space<vmem>>) dst(%dma_wait3A_238 : memref<16640x384xi32, #tpu.memory_space<hbm>>)
    %mul3A_239 = arith.constant 512 : i32
    %mul3A_240 = arith.muli %add3A, %mul3A_239 : i32
    %add3A_241 = arith.constant 384 : i32
    %add3A_242 = arith.addi %mul3A_240, %add3A_241 : i32
    %dma_start3A_243 = arith.constant 2 : i32
    %dma_start3A_244 = arith.constant 0 : i32
    %dma_start3A_245 = arith.constant 0 : i32
    %dma_start3A_246 = tpu.memref_slice %arg6[%dma_start3A_243, %dma_start3A_244, %dma_start3A_245] : memref<4x64x384xi32, #tpu.memory_space<vmem>> -> memref<1x64x384xi32, #tpu.memory_space<vmem>>
    %dma_start3A_247 = tpu.memref_squeeze %dma_start3A_246 : memref<1x64x384xi32, #tpu.memory_space<vmem>> -> memref<64x384xi32, #tpu.memory_space<vmem>>
    %dma_start3A_248 = arith.constant 0 : i32
    %dma_start3A_249 = tpu.memref_slice %arg2[%add3A_242, %dma_start3A_248] : memref<16384x384xi32, #tpu.memory_space<hbm>> -> memref<64x384xi32, #tpu.memory_space<hbm>>
    %dma_start3A_250 = arith.constant 0 : i32
    %dma_start3A_251 = arith.constant 0 : i32
    %dma_start3A_252 = tpu.memref_slice %arg6[%dma_start3A_243, %dma_start3A_250, %dma_start3A_251] : memref<4x64x384xi32, #tpu.memory_space<vmem>> -> memref<1x64x384xi32, #tpu.memory_space<vmem>>
    %dma_start3A_253 = tpu.memref_squeeze %dma_start3A_252 : memref<1x64x384xi32, #tpu.memory_space<vmem>> -> memref<64x384xi32, #tpu.memory_space<vmem>>
    %dma_start3A_254 = arith.constant 0 : i32
    %dma_start3A_255 = tpu.memref_slice %arg2[%add3A_242, %dma_start3A_254] : memref<16384x384xi32, #tpu.memory_space<hbm>> -> memref<64x384xi32, #tpu.memory_space<hbm>>
    tpu.enqueue_dma source(%dma_start3A_255 : memref<64x384xi32, #tpu.memory_space<hbm>>) target(%dma_start3A_253 : memref<64x384xi32, #tpu.memory_space<vmem>>) target_semaphore(%arg9 : memref<!tpu.dma_semaphore, #tpu.memory_space<semaphore_mem>>)
    %dma_wait3A_256 = arith.constant 0 : i32
    %dma_wait3A_257 = arith.constant 0 : i32
    %dma_wait3A_258 = arith.constant 0 : i32
    %dma_wait3A_259 = tpu.memref_slice %arg6[%dma_wait3A_256, %dma_wait3A_257, %dma_wait3A_258] : memref<4x64x384xi32, #tpu.memory_space<vmem>> -> memref<1x64x384xi32, #tpu.memory_space<vmem>>
    %dma_wait3A_260 = tpu.memref_squeeze %dma_wait3A_259 : memref<1x64x384xi32, #tpu.memory_space<vmem>> -> memref<64x384xi32, #tpu.memory_space<vmem>>
    %dma_wait3A_261 = arith.constant 0 : i32
    %dma_wait3A_262 = tpu.memref_slice %arg2[%add3A_134, %dma_wait3A_261] : memref<16384x384xi32, #tpu.memory_space<hbm>> -> memref<64x384xi32, #tpu.memory_space<hbm>>
    %dma_wait3A_263 = arith.constant 0 : i32
    %dma_wait3A_264 = arith.constant 0 : i32
    %dma_wait3A_265 = tpu.memref_slice %arg6[%dma_wait3A_256, %dma_wait3A_263, %dma_wait3A_264] : memref<4x64x384xi32, #tpu.memory_space<vmem>> -> memref<1x64x384xi32, #tpu.memory_space<vmem>>
    %dma_wait3A_266 = tpu.memref_squeeze %dma_wait3A_265 : memref<1x64x384xi32, #tpu.memory_space<vmem>> -> memref<64x384xi32, #tpu.memory_space<vmem>>
    %dma_wait3A_267 = arith.constant 0 : i32
    %dma_wait3A_268 = tpu.memref_slice %arg2[%add3A_134, %dma_wait3A_267] : memref<16384x384xi32, #tpu.memory_space<hbm>> -> memref<64x384xi32, #tpu.memory_space<hbm>>
    tpu.wait_dma2 semaphore(%arg7 : memref<!tpu.dma_semaphore, #tpu.memory_space<semaphore_mem>>) src(%dma_wait3A_268 : memref<64x384xi32, #tpu.memory_space<hbm>>) dst(%dma_wait3A_266 : memref<64x384xi32, #tpu.memory_space<vmem>>)
    %dma_start3A_269 = arith.constant 0 : i32
    %dma_start3A_270 = arith.constant 4 : i32
    %dma_start3A_271 = arith.constant 0 : i32
    %dma_start3A_272 = arith.constant 0 : i32
    %dma_start3A_273 = tpu.memref_slice %arg6[%dma_start3A_269, %dma_start3A_271, %dma_start3A_272] : memref<4x64x384xi32, #tpu.memory_space<vmem>> -> memref<1x64x384xi32, #tpu.memory_space<vmem>>
    %dma_start3A_274 = tpu.memref_squeeze %dma_start3A_273 : memref<1x64x384xi32, #tpu.memory_space<vmem>> -> memref<64x384xi32, #tpu.memory_space<vmem>>
    %dma_start3A_275 = arith.constant 0 : i32
    %dma_start3A_276 = tpu.memref_slice %arg5[%dma_start3A_270, %dma_start3A_275] : memref<8x64xi32, #tpu.memory_space<vmem>> -> memref<1x64xi32, #tpu.memory_space<vmem>>
    %dma_start3A_277 = tpu.memref_squeeze %dma_start3A_276 : memref<1x64xi32, #tpu.memory_space<vmem>> -> memref<64xi32, #tpu.memory_space<vmem>>
    %dma_start3A_278 = arith.constant 0 : i32
    %dma_start3A_279 = arith.constant 0 : i32
    %dma_start3A_280 = tpu.memref_slice %arg4[%dma_start3A_278, %dma_start3A_279] : memref<16640x384xi32, #tpu.memory_space<hbm>> -> memref<16640x384xi32, #tpu.memory_space<hbm>>
    tpu.enqueue_indirect_dma source(%dma_start3A_274 : memref<64x384xi32, #tpu.memory_space<vmem>>) target(%dma_start3A_280 : memref<16640x384xi32, #tpu.memory_space<hbm>>) offsets(%dma_start3A_277 : memref<64xi32, #tpu.memory_space<vmem>>) semaphore(%arg11 : memref<!tpu.dma_semaphore, #tpu.memory_space<semaphore_mem>>)
    %dma_wait3A_281 = arith.constant 3 : i32
    %dma_wait3A_282 = arith.constant 3 : i32
    %dma_wait3A_283 = arith.constant 0 : i32
    %dma_wait3A_284 = arith.constant 0 : i32
    %dma_wait3A_285 = tpu.memref_slice %arg6[%dma_wait3A_281, %dma_wait3A_283, %dma_wait3A_284] : memref<4x64x384xi32, #tpu.memory_space<vmem>> -> memref<1x64x384xi32, #tpu.memory_space<vmem>>
    %dma_wait3A_286 = tpu.memref_squeeze %dma_wait3A_285 : memref<1x64x384xi32, #tpu.memory_space<vmem>> -> memref<64x384xi32, #tpu.memory_space<vmem>>
    %dma_wait3A_287 = arith.constant 0 : i32
    %dma_wait3A_288 = tpu.memref_slice %arg5[%dma_wait3A_282, %dma_wait3A_287] : memref<8x64xi32, #tpu.memory_space<vmem>> -> memref<1x64xi32, #tpu.memory_space<vmem>>
    %dma_wait3A_289 = tpu.memref_squeeze %dma_wait3A_288 : memref<1x64xi32, #tpu.memory_space<vmem>> -> memref<64xi32, #tpu.memory_space<vmem>>
    %dma_wait3A_290 = arith.constant 0 : i32
    %dma_wait3A_291 = arith.constant 0 : i32
    %dma_wait3A_292 = tpu.memref_slice %arg4[%dma_wait3A_290, %dma_wait3A_291] : memref<16640x384xi32, #tpu.memory_space<hbm>> -> memref<16640x384xi32, #tpu.memory_space<hbm>>
    tpu.wait_indirect_dma semaphore(%arg14 : memref<!tpu.dma_semaphore, #tpu.memory_space<semaphore_mem>>) src(%dma_wait3A_286 : memref<64x384xi32, #tpu.memory_space<vmem>>) dst(%dma_wait3A_292 : memref<16640x384xi32, #tpu.memory_space<hbm>>)
    %mul3A_293 = arith.constant 512 : i32
    %mul3A_294 = arith.muli %add3A, %mul3A_293 : i32
    %add3A_295 = arith.constant 448 : i32
    %add3A_296 = arith.addi %mul3A_294, %add3A_295 : i32
    %dma_start3A_297 = arith.constant 3 : i32
    %dma_start3A_298 = arith.constant 0 : i32
    %dma_start3A_299 = arith.constant 0 : i32
    %dma_start3A_300 = tpu.memref_slice %arg6[%dma_start3A_297, %dma_start3A_298, %dma_start3A_299] : memref<4x64x384xi32, #tpu.memory_space<vmem>> -> memref<1x64x384xi32, #tpu.memory_space<vmem>>
    %dma_start3A_301 = tpu.memref_squeeze %dma_start3A_300 : memref<1x64x384xi32, #tpu.memory_space<vmem>> -> memref<64x384xi32, #tpu.memory_space<vmem>>
    %dma_start3A_302 = arith.constant 0 : i32
    %dma_start3A_303 = tpu.memref_slice %arg2[%add3A_296, %dma_start3A_302] : memref<16384x384xi32, #tpu.memory_space<hbm>> -> memref<64x384xi32, #tpu.memory_space<hbm>>
    %dma_start3A_304 = arith.constant 0 : i32
    %dma_start3A_305 = arith.constant 0 : i32
    %dma_start3A_306 = tpu.memref_slice %arg6[%dma_start3A_297, %dma_start3A_304, %dma_start3A_305] : memref<4x64x384xi32, #tpu.memory_space<vmem>> -> memref<1x64x384xi32, #tpu.memory_space<vmem>>
    %dma_start3A_307 = tpu.memref_squeeze %dma_start3A_306 : memref<1x64x384xi32, #tpu.memory_space<vmem>> -> memref<64x384xi32, #tpu.memory_space<vmem>>
    %dma_start3A_308 = arith.constant 0 : i32
    %dma_start3A_309 = tpu.memref_slice %arg2[%add3A_296, %dma_start3A_308] : memref<16384x384xi32, #tpu.memory_space<hbm>> -> memref<64x384xi32, #tpu.memory_space<hbm>>
    tpu.enqueue_dma source(%dma_start3A_309 : memref<64x384xi32, #tpu.memory_space<hbm>>) target(%dma_start3A_307 : memref<64x384xi32, #tpu.memory_space<vmem>>) target_semaphore(%arg10 : memref<!tpu.dma_semaphore, #tpu.memory_space<semaphore_mem>>)
    %dma_wait3A_310 = arith.constant 1 : i32
    %dma_wait3A_311 = arith.constant 0 : i32
    %dma_wait3A_312 = arith.constant 0 : i32
    %dma_wait3A_313 = tpu.memref_slice %arg6[%dma_wait3A_310, %dma_wait3A_311, %dma_wait3A_312] : memref<4x64x384xi32, #tpu.memory_space<vmem>> -> memref<1x64x384xi32, #tpu.memory_space<vmem>>
    %dma_wait3A_314 = tpu.memref_squeeze %dma_wait3A_313 : memref<1x64x384xi32, #tpu.memory_space<vmem>> -> memref<64x384xi32, #tpu.memory_space<vmem>>
    %dma_wait3A_315 = arith.constant 0 : i32
    %dma_wait3A_316 = tpu.memref_slice %arg2[%add3A_188, %dma_wait3A_315] : memref<16384x384xi32, #tpu.memory_space<hbm>> -> memref<64x384xi32, #tpu.memory_space<hbm>>
    %dma_wait3A_317 = arith.constant 0 : i32
    %dma_wait3A_318 = arith.constant 0 : i32
    %dma_wait3A_319 = tpu.memref_slice %arg6[%dma_wait3A_310, %dma_wait3A_317, %dma_wait3A_318] : memref<4x64x384xi32, #tpu.memory_space<vmem>> -> memref<1x64x384xi32, #tpu.memory_space<vmem>>
    %dma_wait3A_320 = tpu.memref_squeeze %dma_wait3A_319 : memref<1x64x384xi32, #tpu.memory_space<vmem>> -> memref<64x384xi32, #tpu.memory_space<vmem>>
    %dma_wait3A_321 = arith.constant 0 : i32
    %dma_wait3A_322 = tpu.memref_slice %arg2[%add3A_188, %dma_wait3A_321] : memref<16384x384xi32, #tpu.memory_space<hbm>> -> memref<64x384xi32, #tpu.memory_space<hbm>>
    tpu.wait_dma2 semaphore(%arg8 : memref<!tpu.dma_semaphore, #tpu.memory_space<semaphore_mem>>) src(%dma_wait3A_322 : memref<64x384xi32, #tpu.memory_space<hbm>>) dst(%dma_wait3A_320 : memref<64x384xi32, #tpu.memory_space<vmem>>)
    %dma_start3A_323 = arith.constant 1 : i32
    %dma_start3A_324 = arith.constant 5 : i32
    %dma_start3A_325 = arith.constant 0 : i32
    %dma_start3A_326 = arith.constant 0 : i32
    %dma_start3A_327 = tpu.memref_slice %arg6[%dma_start3A_323, %dma_start3A_325, %dma_start3A_326] : memref<4x64x384xi32, #tpu.memory_space<vmem>> -> memref<1x64x384xi32, #tpu.memory_space<vmem>>
    %dma_start3A_328 = tpu.memref_squeeze %dma_start3A_327 : memref<1x64x384xi32, #tpu.memory_space<vmem>> -> memref<64x384xi32, #tpu.memory_space<vmem>>
    %dma_start3A_329 = arith.constant 0 : i32
    %dma_start3A_330 = tpu.memref_slice %arg5[%dma_start3A_324, %dma_start3A_329] : memref<8x64xi32, #tpu.memory_space<vmem>> -> memref<1x64xi32, #tpu.memory_space<vmem>>
    %dma_start3A_331 = tpu.memref_squeeze %dma_start3A_330 : memref<1x64xi32, #tpu.memory_space<vmem>> -> memref<64xi32, #tpu.memory_space<vmem>>
    %dma_start3A_332 = arith.constant 0 : i32
    %dma_start3A_333 = arith.constant 0 : i32
    %dma_start3A_334 = tpu.memref_slice %arg4[%dma_start3A_332, %dma_start3A_333] : memref<16640x384xi32, #tpu.memory_space<hbm>> -> memref<16640x384xi32, #tpu.memory_space<hbm>>
    tpu.enqueue_indirect_dma source(%dma_start3A_328 : memref<64x384xi32, #tpu.memory_space<vmem>>) target(%dma_start3A_334 : memref<16640x384xi32, #tpu.memory_space<hbm>>) offsets(%dma_start3A_331 : memref<64xi32, #tpu.memory_space<vmem>>) semaphore(%arg12 : memref<!tpu.dma_semaphore, #tpu.memory_space<semaphore_mem>>)
    %dma_wait3A_335 = arith.constant 2 : i32
    %dma_wait3A_336 = arith.constant 0 : i32
    %dma_wait3A_337 = arith.constant 0 : i32
    %dma_wait3A_338 = tpu.memref_slice %arg6[%dma_wait3A_335, %dma_wait3A_336, %dma_wait3A_337] : memref<4x64x384xi32, #tpu.memory_space<vmem>> -> memref<1x64x384xi32, #tpu.memory_space<vmem>>
    %dma_wait3A_339 = tpu.memref_squeeze %dma_wait3A_338 : memref<1x64x384xi32, #tpu.memory_space<vmem>> -> memref<64x384xi32, #tpu.memory_space<vmem>>
    %dma_wait3A_340 = arith.constant 0 : i32
    %dma_wait3A_341 = tpu.memref_slice %arg2[%add3A_242, %dma_wait3A_340] : memref<16384x384xi32, #tpu.memory_space<hbm>> -> memref<64x384xi32, #tpu.memory_space<hbm>>
    %dma_wait3A_342 = arith.constant 0 : i32
    %dma_wait3A_343 = arith.constant 0 : i32
    %dma_wait3A_344 = tpu.memref_slice %arg6[%dma_wait3A_335, %dma_wait3A_342, %dma_wait3A_343] : memref<4x64x384xi32, #tpu.memory_space<vmem>> -> memref<1x64x384xi32, #tpu.memory_space<vmem>>
    %dma_wait3A_345 = tpu.memref_squeeze %dma_wait3A_344 : memref<1x64x384xi32, #tpu.memory_space<vmem>> -> memref<64x384xi32, #tpu.memory_space<vmem>>
    %dma_wait3A_346 = arith.constant 0 : i32
    %dma_wait3A_347 = tpu.memref_slice %arg2[%add3A_242, %dma_wait3A_346] : memref<16384x384xi32, #tpu.memory_space<hbm>> -> memref<64x384xi32, #tpu.memory_space<hbm>>
    tpu.wait_dma2 semaphore(%arg9 : memref<!tpu.dma_semaphore, #tpu.memory_space<semaphore_mem>>) src(%dma_wait3A_347 : memref<64x384xi32, #tpu.memory_space<hbm>>) dst(%dma_wait3A_345 : memref<64x384xi32, #tpu.memory_space<vmem>>)
    %dma_start3A_348 = arith.constant 2 : i32
    %dma_start3A_349 = arith.constant 6 : i32
    %dma_start3A_350 = arith.constant 0 : i32
    %dma_start3A_351 = arith.constant 0 : i32
    %dma_start3A_352 = tpu.memref_slice %arg6[%dma_start3A_348, %dma_start3A_350, %dma_start3A_351] : memref<4x64x384xi32, #tpu.memory_space<vmem>> -> memref<1x64x384xi32, #tpu.memory_space<vmem>>
    %dma_start3A_353 = tpu.memref_squeeze %dma_start3A_352 : memref<1x64x384xi32, #tpu.memory_space<vmem>> -> memref<64x384xi32, #tpu.memory_space<vmem>>
    %dma_start3A_354 = arith.constant 0 : i32
    %dma_start3A_355 = tpu.memref_slice %arg5[%dma_start3A_349, %dma_start3A_354] : memref<8x64xi32, #tpu.memory_space<vmem>> -> memref<1x64xi32, #tpu.memory_space<vmem>>
    %dma_start3A_356 = tpu.memref_squeeze %dma_start3A_355 : memref<1x64xi32, #tpu.memory_space<vmem>> -> memref<64xi32, #tpu.memory_space<vmem>>
    %dma_start3A_357 = arith.constant 0 : i32
    %dma_start3A_358 = arith.constant 0 : i32
    %dma_start3A_359 = tpu.memref_slice %arg4[%dma_start3A_357, %dma_start3A_358] : memref<16640x384xi32, #tpu.memory_space<hbm>> -> memref<16640x384xi32, #tpu.memory_space<hbm>>
    tpu.enqueue_indirect_dma source(%dma_start3A_353 : memref<64x384xi32, #tpu.memory_space<vmem>>) target(%dma_start3A_359 : memref<16640x384xi32, #tpu.memory_space<hbm>>) offsets(%dma_start3A_356 : memref<64xi32, #tpu.memory_space<vmem>>) semaphore(%arg13 : memref<!tpu.dma_semaphore, #tpu.memory_space<semaphore_mem>>)
    %dma_wait3A_360 = arith.constant 3 : i32
    %dma_wait3A_361 = arith.constant 0 : i32
    %dma_wait3A_362 = arith.constant 0 : i32
    %dma_wait3A_363 = tpu.memref_slice %arg6[%dma_wait3A_360, %dma_wait3A_361, %dma_wait3A_362] : memref<4x64x384xi32, #tpu.memory_space<vmem>> -> memref<1x64x384xi32, #tpu.memory_space<vmem>>
    %dma_wait3A_364 = tpu.memref_squeeze %dma_wait3A_363 : memref<1x64x384xi32, #tpu.memory_space<vmem>> -> memref<64x384xi32, #tpu.memory_space<vmem>>
    %dma_wait3A_365 = arith.constant 0 : i32
    %dma_wait3A_366 = tpu.memref_slice %arg2[%add3A_296, %dma_wait3A_365] : memref<16384x384xi32, #tpu.memory_space<hbm>> -> memref<64x384xi32, #tpu.memory_space<hbm>>
    %dma_wait3A_367 = arith.constant 0 : i32
    %dma_wait3A_368 = arith.constant 0 : i32
    %dma_wait3A_369 = tpu.memref_slice %arg6[%dma_wait3A_360, %dma_wait3A_367, %dma_wait3A_368] : memref<4x64x384xi32, #tpu.memory_space<vmem>> -> memref<1x64x384xi32, #tpu.memory_space<vmem>>
    %dma_wait3A_370 = tpu.memref_squeeze %dma_wait3A_369 : memref<1x64x384xi32, #tpu.memory_space<vmem>> -> memref<64x384xi32, #tpu.memory_space<vmem>>
    %dma_wait3A_371 = arith.constant 0 : i32
    %dma_wait3A_372 = tpu.memref_slice %arg2[%add3A_296, %dma_wait3A_371] : memref<16384x384xi32, #tpu.memory_space<hbm>> -> memref<64x384xi32, #tpu.memory_space<hbm>>
    tpu.wait_dma2 semaphore(%arg10 : memref<!tpu.dma_semaphore, #tpu.memory_space<semaphore_mem>>) src(%dma_wait3A_372 : memref<64x384xi32, #tpu.memory_space<hbm>>) dst(%dma_wait3A_370 : memref<64x384xi32, #tpu.memory_space<vmem>>)
    %dma_start3A_373 = arith.constant 3 : i32
    %dma_start3A_374 = arith.constant 7 : i32
    %dma_start3A_375 = arith.constant 0 : i32
    %dma_start3A_376 = arith.constant 0 : i32
    %dma_start3A_377 = tpu.memref_slice %arg6[%dma_start3A_373, %dma_start3A_375, %dma_start3A_376] : memref<4x64x384xi32, #tpu.memory_space<vmem>> -> memref<1x64x384xi32, #tpu.memory_space<vmem>>
    %dma_start3A_378 = tpu.memref_squeeze %dma_start3A_377 : memref<1x64x384xi32, #tpu.memory_space<vmem>> -> memref<64x384xi32, #tpu.memory_space<vmem>>
    %dma_start3A_379 = arith.constant 0 : i32
    %dma_start3A_380 = tpu.memref_slice %arg5[%dma_start3A_374, %dma_start3A_379] : memref<8x64xi32, #tpu.memory_space<vmem>> -> memref<1x64xi32, #tpu.memory_space<vmem>>
    %dma_start3A_381 = tpu.memref_squeeze %dma_start3A_380 : memref<1x64xi32, #tpu.memory_space<vmem>> -> memref<64xi32, #tpu.memory_space<vmem>>
    %dma_start3A_382 = arith.constant 0 : i32
    %dma_start3A_383 = arith.constant 0 : i32
    %dma_start3A_384 = tpu.memref_slice %arg4[%dma_start3A_382, %dma_start3A_383] : memref<16640x384xi32, #tpu.memory_space<hbm>> -> memref<16640x384xi32, #tpu.memory_space<hbm>>
    tpu.enqueue_indirect_dma source(%dma_start3A_378 : memref<64x384xi32, #tpu.memory_space<vmem>>) target(%dma_start3A_384 : memref<16640x384xi32, #tpu.memory_space<hbm>>) offsets(%dma_start3A_381 : memref<64xi32, #tpu.memory_space<vmem>>) semaphore(%arg14 : memref<!tpu.dma_semaphore, #tpu.memory_space<semaphore_mem>>)
    %dma_wait3A_385 = arith.constant 0 : i32
    %dma_wait3A_386 = arith.constant 4 : i32
    %dma_wait3A_387 = arith.constant 0 : i32
    %dma_wait3A_388 = arith.constant 0 : i32
    %dma_wait3A_389 = tpu.memref_slice %arg6[%dma_wait3A_385, %dma_wait3A_387, %dma_wait3A_388] : memref<4x64x384xi32, #tpu.memory_space<vmem>> -> memref<1x64x384xi32, #tpu.memory_space<vmem>>
    %dma_wait3A_390 = tpu.memref_squeeze %dma_wait3A_389 : memref<1x64x384xi32, #tpu.memory_space<vmem>> -> memref<64x384xi32, #tpu.memory_space<vmem>>
    %dma_wait3A_391 = arith.constant 0 : i32
    %dma_wait3A_392 = tpu.memref_slice %arg5[%dma_wait3A_386, %dma_wait3A_391] : memref<8x64xi32, #tpu.memory_space<vmem>> -> memref<1x64xi32, #tpu.memory_space<vmem>>
    %dma_wait3A_393 = tpu.memref_squeeze %dma_wait3A_392 : memref<1x64xi32, #tpu.memory_space<vmem>> -> memref<64xi32, #tpu.memory_space<vmem>>
    %dma_wait3A_394 = arith.constant 0 : i32
    %dma_wait3A_395 = arith.constant 0 : i32
    %dma_wait3A_396 = tpu.memref_slice %arg4[%dma_wait3A_394, %dma_wait3A_395] : memref<16640x384xi32, #tpu.memory_space<hbm>> -> memref<16640x384xi32, #tpu.memory_space<hbm>>
    tpu.wait_indirect_dma semaphore(%arg11 : memref<!tpu.dma_semaphore, #tpu.memory_space<semaphore_mem>>) src(%dma_wait3A_390 : memref<64x384xi32, #tpu.memory_space<vmem>>) dst(%dma_wait3A_396 : memref<16640x384xi32, #tpu.memory_space<hbm>>)
    %dma_wait3A_397 = arith.constant 1 : i32
    %dma_wait3A_398 = arith.constant 5 : i32
    %dma_wait3A_399 = arith.constant 0 : i32
    %dma_wait3A_400 = arith.constant 0 : i32
    %dma_wait3A_401 = tpu.memref_slice %arg6[%dma_wait3A_397, %dma_wait3A_399, %dma_wait3A_400] : memref<4x64x384xi32, #tpu.memory_space<vmem>> -> memref<1x64x384xi32, #tpu.memory_space<vmem>>
    %dma_wait3A_402 = tpu.memref_squeeze %dma_wait3A_401 : memref<1x64x384xi32, #tpu.memory_space<vmem>> -> memref<64x384xi32, #tpu.memory_space<vmem>>
    %dma_wait3A_403 = arith.constant 0 : i32
    %dma_wait3A_404 = tpu.memref_slice %arg5[%dma_wait3A_398, %dma_wait3A_403] : memref<8x64xi32, #tpu.memory_space<vmem>> -> memref<1x64xi32, #tpu.memory_space<vmem>>
    %dma_wait3A_405 = tpu.memref_squeeze %dma_wait3A_404 : memref<1x64xi32, #tpu.memory_space<vmem>> -> memref<64xi32, #tpu.memory_space<vmem>>
    %dma_wait3A_406 = arith.constant 0 : i32
    %dma_wait3A_407 = arith.constant 0 : i32
    %dma_wait3A_408 = tpu.memref_slice %arg4[%dma_wait3A_406, %dma_wait3A_407] : memref<16640x384xi32, #tpu.memory_space<hbm>> -> memref<16640x384xi32, #tpu.memory_space<hbm>>
    tpu.wait_indirect_dma semaphore(%arg12 : memref<!tpu.dma_semaphore, #tpu.memory_space<semaphore_mem>>) src(%dma_wait3A_402 : memref<64x384xi32, #tpu.memory_space<vmem>>) dst(%dma_wait3A_408 : memref<16640x384xi32, #tpu.memory_space<hbm>>)
    %dma_wait3A_409 = arith.constant 2 : i32
    %dma_wait3A_410 = arith.constant 6 : i32
    %dma_wait3A_411 = arith.constant 0 : i32
    %dma_wait3A_412 = arith.constant 0 : i32
    %dma_wait3A_413 = tpu.memref_slice %arg6[%dma_wait3A_409, %dma_wait3A_411, %dma_wait3A_412] : memref<4x64x384xi32, #tpu.memory_space<vmem>> -> memref<1x64x384xi32, #tpu.memory_space<vmem>>
    %dma_wait3A_414 = tpu.memref_squeeze %dma_wait3A_413 : memref<1x64x384xi32, #tpu.memory_space<vmem>> -> memref<64x384xi32, #tpu.memory_space<vmem>>
    %dma_wait3A_415 = arith.constant 0 : i32
    %dma_wait3A_416 = tpu.memref_slice %arg5[%dma_wait3A_410, %dma_wait3A_415] : memref<8x64xi32, #tpu.memory_space<vmem>> -> memref<1x64xi32, #tpu.memory_space<vmem>>
    %dma_wait3A_417 = tpu.memref_squeeze %dma_wait3A_416 : memref<1x64xi32, #tpu.memory_space<vmem>> -> memref<64xi32, #tpu.memory_space<vmem>>
    %dma_wait3A_418 = arith.constant 0 : i32
    %dma_wait3A_419 = arith.constant 0 : i32
    %dma_wait3A_420 = tpu.memref_slice %arg4[%dma_wait3A_418, %dma_wait3A_419] : memref<16640x384xi32, #tpu.memory_space<hbm>> -> memref<16640x384xi32, #tpu.memory_space<hbm>>
    tpu.wait_indirect_dma semaphore(%arg13 : memref<!tpu.dma_semaphore, #tpu.memory_space<semaphore_mem>>) src(%dma_wait3A_414 : memref<64x384xi32, #tpu.memory_space<vmem>>) dst(%dma_wait3A_420 : memref<16640x384xi32, #tpu.memory_space<hbm>>)
    %dma_wait3A_421 = arith.constant 3 : i32
    %dma_wait3A_422 = arith.constant 7 : i32
    %dma_wait3A_423 = arith.constant 0 : i32
    %dma_wait3A_424 = arith.constant 0 : i32
    %dma_wait3A_425 = tpu.memref_slice %arg6[%dma_wait3A_421, %dma_wait3A_423, %dma_wait3A_424] : memref<4x64x384xi32, #tpu.memory_space<vmem>> -> memref<1x64x384xi32, #tpu.memory_space<vmem>>
    %dma_wait3A_426 = tpu.memref_squeeze %dma_wait3A_425 : memref<1x64x384xi32, #tpu.memory_space<vmem>> -> memref<64x384xi32, #tpu.memory_space<vmem>>
    %dma_wait3A_427 = arith.constant 0 : i32
    %dma_wait3A_428 = tpu.memref_slice %arg5[%dma_wait3A_422, %dma_wait3A_427] : memref<8x64xi32, #tpu.memory_space<vmem>> -> memref<1x64xi32, #tpu.memory_space<vmem>>
    %dma_wait3A_429 = tpu.memref_squeeze %dma_wait3A_428 : memref<1x64xi32, #tpu.memory_space<vmem>> -> memref<64xi32, #tpu.memory_space<vmem>>
    %dma_wait3A_430 = arith.constant 0 : i32
    %dma_wait3A_431 = arith.constant 0 : i32
    %dma_wait3A_432 = tpu.memref_slice %arg4[%dma_wait3A_430, %dma_wait3A_431] : memref<16640x384xi32, #tpu.memory_space<hbm>> -> memref<16640x384xi32, #tpu.memory_space<hbm>>
    tpu.wait_indirect_dma semaphore(%arg14 : memref<!tpu.dma_semaphore, #tpu.memory_space<semaphore_mem>>) src(%dma_wait3A_426 : memref<64x384xi32, #tpu.memory_space<vmem>>) dst(%dma_wait3A_432 : memref<16640x384xi32, #tpu.memory_space<hbm>>)
    return
  }
}

module attributes {stable_mosaic.version = 14 : i64} {
  func.func @_router_body(%arg0: i32, %arg1: memref<1024x768xf32, #tpu.memory_space<vmem>>, %arg2: memref<768x64xf32, #tpu.memory_space<vmem>>, %arg3: memref<1x1x1024xi32, #tpu.memory_space<vmem>>, %arg4: memref<1024x384xi32, #tpu.memory_space<vmem>>, %arg5: memref<1x64xf32, #tpu.memory_space<vmem>>, %arg6: memref<1x64xf32, #tpu.memory_space<vmem>>, %arg7: memref<1x64xf32, #tpu.memory_space<vmem>>, %arg8: memref<1x64xf32, #tpu.memory_space<vmem>>, %arg9: memref<1024x1024xbf16, #tpu.memory_space<vmem>>) attributes {dimension_semantics = [#tpu.dimension_semantics<arbitrary>], iteration_bounds = array<i64: 16>, scalar_prefetch = 0 : i64, scratch_operands = 3 : i64, tpu.core_type = #tpu.core_type<tc>, window_params = [{transform_indices = @transform_0, window_bounds = array<i64: 1024, 768>}, {pipeline_mode = #tpu.pipeline_mode<synchronous>, transform_indices = @transform_1, window_bounds = array<i64: 768, 64>}, {transform_indices = @transform_2, window_bounds = array<i64: 1, 1, 1024>}, {transform_indices = @transform_3, window_bounds = array<i64: 1024, 384>}, {pipeline_mode = #tpu.pipeline_mode<synchronous>, transform_indices = @transform_4, window_bounds = array<i64: 1, 64>}, {pipeline_mode = #tpu.pipeline_mode<synchronous>, transform_indices = @transform_5, window_bounds = array<i64: 1, 64>}]} {
    %eq3A = arith.constant 0 : i32
    %eq3A_0 = arith.cmpi eq, %arg0, %eq3A : i32
    %convert_element_type3A = arith.extui %eq3A_0 : i1 to i32
    %cond3A = arith.constant 0 : i32
    %cond3A_1 = arith.cmpi ne, %convert_element_type3A, %cond3A : i32
    scf.if %cond3A_1 {
      %broadcast_in_dim3A_114 = arith.constant 0.000000e+00 : f32
      %broadcast_in_dim3A_115 = vector.broadcast %broadcast_in_dim3A_114 : f32 to vector<1x64xf32>
      %swap3A_116 = arith.constant 0 : index
      %swap3A_117 = arith.constant 0 : index
      %swap3A_118 = vector.load %arg7[%swap3A_116, %swap3A_117] : memref<1x64xf32, #tpu.memory_space<vmem>>, vector<1x64xf32>
      tpu.vector_store %arg7[%swap3A_116, %swap3A_117], %broadcast_in_dim3A_115 {strides = array<i32>} : memref<1x64xf32, #tpu.memory_space<vmem>>, vector<1x64xf32>,
      %broadcast_in_dim3A_119 = arith.constant 0.000000e+00 : f32
      %broadcast_in_dim3A_120 = vector.broadcast %broadcast_in_dim3A_119 : f32 to vector<1x64xf32>
      %swap3A_121 = arith.constant 0 : index
      %swap3A_122 = arith.constant 0 : index
      %swap3A_123 = vector.load %arg8[%swap3A_121, %swap3A_122] : memref<1x64xf32, #tpu.memory_space<vmem>>, vector<1x64xf32>
      tpu.vector_store %arg8[%swap3A_121, %swap3A_122], %broadcast_in_dim3A_120 {strides = array<i32>} : memref<1x64xf32, #tpu.memory_space<vmem>>, vector<1x64xf32>,
      %iota3A_124 = tpu.iota {dimensions = array<i32: 0>} : vector<1024x1024xi32>
      %iota3A_125 = tpu.iota {dimensions = array<i32: 1>} : vector<1024x1024xi32>
      %lt3A_126 = arith.cmpi slt, %iota3A_125, %iota3A_124 : vector<1024x1024xi32>
      %convert_element_type3A_127 = arith.extui %lt3A_126 : vector<1024x1024xi1> to vector<1024x1024xi32>
      %convert_element_type3A_128 = arith.sitofp %convert_element_type3A_127 : vector<1024x1024xi32> to vector<1024x1024xf32>
      %convert_element_type3A_129 = arith.truncf %convert_element_type3A_128 : vector<1024x1024xf32> to vector<1024x1024xbf16>
      %swap3A_130 = arith.constant 0 : index
      %swap3A_131 = arith.constant 0 : index
      %swap3A_132 = vector.load %arg9[%swap3A_130, %swap3A_131] : memref<1024x1024xbf16, #tpu.memory_space<vmem>>, vector<1024x1024xbf16>
      tpu.vector_store %arg9[%swap3A_130, %swap3A_131], %convert_element_type3A_129 {strides = array<i32>} : memref<1024x1024xbf16, #tpu.memory_space<vmem>>, vector<1024x1024xbf16>,
    } else {
    }
    %get3A = arith.constant 0 : index
    %get3A_2 = arith.constant 0 : index
    %get3A_3 = vector.load %arg1[%get3A, %get3A_2] : memref<1024x768xf32, #tpu.memory_space<vmem>>, vector<1024x768xf32>
    %get3A_4 = arith.constant 0 : index
    %get3A_5 = arith.constant 0 : index
    %get3A_6 = vector.load %arg2[%get3A_4, %get3A_5] : memref<768x64xf32, #tpu.memory_space<vmem>>, vector<768x64xf32>
    %dot_general3A = arith.constant dense<0.000000e+00> : vector<1024x64xf32>
    %dot_general3A_7 = tpu.matmul %get3A_3, %get3A_6, %dot_general3A {dimension_numbers = #tpu.dot_dimension_numbers<[1], [0], [0], [1], [0, 0, 1, 1], [], []>, transpose_lhs_hint = false} : vector<1024x768xf32>, vector<768x64xf32>, vector<1024x64xf32> -> vector<1024x64xf32>
    %reduce_max3A = arith.constant dense<0xFF800000> : vector<1024xf32>
    %reduce_max3A_8 = vector.multi_reduction <maximumf>, %dot_general3A_7, %reduce_max3A [1] : vector<1024x64xf32> to vector<1024xf32>
    %broadcast_in_dim3A = vector.shape_cast %reduce_max3A_8 : vector<1024xf32> to vector<1024x1xf32>
    %sub3A = vector.broadcast %broadcast_in_dim3A : vector<1024x1xf32> to vector<1024x64xf32>
    %sub3A_9 = arith.subf %dot_general3A_7, %sub3A : vector<1024x64xf32>
    %exp3A = math.exp %sub3A_9 : vector<1024x64xf32>
    %reduce_sum3A = arith.constant dense<0.000000e+00> : vector<1024xf32>
    %reduce_sum3A_10 = vector.multi_reduction <add>, %exp3A, %reduce_sum3A [1] : vector<1024x64xf32> to vector<1024xf32>
    %broadcast_in_dim3A_11 = vector.shape_cast %reduce_sum3A_10 : vector<1024xf32> to vector<1024x1xf32>
    %div3A = vector.broadcast %broadcast_in_dim3A_11 : vector<1024x1xf32> to vector<1024x64xf32>
    %div3A_12 = arith.divf %exp3A, %div3A : vector<1024x64xf32>
    %reduce_max3A_13 = arith.constant dense<0xFF800000> : vector<1024xf32>
    %reduce_max3A_14 = vector.multi_reduction <maximumf>, %div3A_12, %reduce_max3A_13 [1] : vector<1024x64xf32> to vector<1024xf32>
    %broadcast_in_dim3A_15 = vector.shape_cast %reduce_max3A_14 : vector<1024xf32> to vector<1024x1xf32>
    %iota3A = tpu.iota {dimensions = array<i32: 1>} : vector<1024x64xi32>
    %ge3A = vector.broadcast %broadcast_in_dim3A_15 : vector<1024x1xf32> to vector<1024x64xf32>
    %ge3A_16 = arith.cmpf oge, %div3A_12, %ge3A : vector<1024x64xf32>
    %jit3A = arith.constant 64 : i32
    %broadcast_in_dim3A_17 = vector.broadcast %jit3A : i32 to vector<1024x64xi32>
    %select_n3A = arith.select %ge3A_16, %iota3A, %broadcast_in_dim3A_17 : vector<1024x64xi1>, vector<1024x64xi32>
    %reduce_min3A = arith.constant dense<2147483647> : vector<1024xi32>
    %reduce_min3A_18 = vector.multi_reduction <minsi>, %select_n3A, %reduce_min3A [1] : vector<1024x64xi32> to vector<1024xi32>
    %broadcast_in_dim3A_19 = vector.shape_cast %reduce_min3A_18 : vector<1024xi32> to vector<1024x1xi32>
    %eq3A_20 = vector.broadcast %broadcast_in_dim3A_19 : vector<1024x1xi32> to vector<1024x64xi32>
    %eq3A_21 = arith.cmpi eq, %iota3A, %eq3A_20 : vector<1024x64xi32>
    %convert_element_type3A_22 = arith.extui %eq3A_21 : vector<1024x64xi1> to vector<1024x64xi32>
    %convert_element_type3A_23 = arith.sitofp %convert_element_type3A_22 : vector<1024x64xi32> to vector<1024x64xf32>
    %get3A_24 = arith.constant 0 : index
    %get3A_25 = arith.constant 0 : index
    %get3A_26 = vector.load %arg9[%get3A_24, %get3A_25] : memref<1024x1024xbf16, #tpu.memory_space<vmem>>, vector<1024x1024xbf16>
    %convert_element_type3A_27 = arith.truncf %convert_element_type3A_23 : vector<1024x64xf32> to vector<1024x64xbf16>
    %dot_general3A_28 = arith.constant dense<0.000000e+00> : vector<1024x64xf32>
    %dot_general3A_29 = tpu.matmul %get3A_26, %convert_element_type3A_27, %dot_general3A_28 {dimension_numbers = #tpu.dot_dimension_numbers<[1], [0], [0], [1], [0, 0, 1, 1], [], []>, transpose_lhs_hint = false} : vector<1024x1024xbf16>, vector<1024x64xbf16>, vector<1024x64xf32> -> vector<1024x64xf32>
    %get3A_30 = arith.constant 0 : index
    %get3A_31 = arith.constant 0 : index
    %get3A_32 = vector.load %arg7[%get3A_30, %get3A_31] : memref<1x64xf32, #tpu.memory_space<vmem>>, vector<1x64xf32>
    %get3A_33 = vector.shape_cast %get3A_32 : vector<1x64xf32> to vector<64xf32>
    %broadcast_in_dim3A_34 = vector.shape_cast %get3A_33 : vector<64xf32> to vector<1x64xf32>
    %add3A = vector.broadcast %broadcast_in_dim3A_34 : vector<1x64xf32> to vector<1024x64xf32>
    %add3A_35 = arith.addf %dot_general3A_29, %add3A : vector<1024x64xf32>
    %mul3A = arith.mulf %add3A_35, %convert_element_type3A_23 : vector<1024x64xf32>
    %reduce_sum3A_36 = arith.constant dense<0.000000e+00> : vector<1024xf32>
    %reduce_sum3A_37 = vector.multi_reduction <add>, %mul3A, %reduce_sum3A_36 [1] : vector<1024x64xf32> to vector<1024xf32>
    %lt3A = arith.constant 2.560000e+02 : f32
    %lt3A_38 = vector.broadcast %lt3A : f32 to vector<1024xf32>
    %lt3A_39 = arith.cmpf olt, %reduce_sum3A_37, %lt3A_38 : vector<1024xf32>
    %mul3A_40 = arith.constant 256 : i32
    %mul3A_41 = vector.broadcast %mul3A_40 : i32 to vector<1024xi32>
    %mul3A_42 = arith.muli %reduce_min3A_18, %mul3A_41 : vector<1024xi32>
    %convert_element_type3A_43 = arith.fptosi %reduce_sum3A_37 : vector<1024xf32> to vector<1024xi32>
    %add3A_44 = arith.addi %mul3A_42, %convert_element_type3A_43 : vector<1024xi32>
    %iota3A_45 = tpu.iota {dimensions = array<i32: 0>} : vector<1024x1xi32>
    %squeeze3A = vector.shape_cast %iota3A_45 : vector<1024x1xi32> to vector<1024xi32>
    %jit3A_46 = arith.constant 256 : i32
    %eq3A_47 = arith.constant 0 : i32
    %eq3A_48 = arith.cmpi eq, %jit3A_46, %eq3A_47 : i32
    %jit3A_49 = arith.constant 1 : i32
    %select_n3A_50 = arith.select %eq3A_48, %jit3A_49, %jit3A_46 : i32
    %rem3A = vector.broadcast %select_n3A_50 : i32 to vector<1024xi32>
    %rem3A_51 = arith.remsi %squeeze3A, %rem3A : vector<1024xi32>
    %ne3A = arith.constant 0 : i32
    %ne3A_52 = vector.broadcast %ne3A : i32 to vector<1024xi32>
    %ne3A_53 = arith.cmpi ne, %rem3A_51, %ne3A_52 : vector<1024xi32>
    %lt3A_54 = arith.constant 0 : i32
    %lt3A_55 = vector.broadcast %lt3A_54 : i32 to vector<1024xi32>
    %lt3A_56 = arith.cmpi slt, %rem3A_51, %lt3A_55 : vector<1024xi32>
    %lt3A_57 = arith.constant 0 : i32
    %lt3A_58 = arith.cmpi slt, %select_n3A_50, %lt3A_57 : i32
    %ne3A_59 = vector.broadcast %lt3A_58 : i1 to vector<1024xi1>
    %ne3A_60 = vector.broadcast %ne3A_59 : vector<1024xi1> to vector<1024xi1>
    %ne3A_61 = arith.xori %lt3A_56, %ne3A_60 : vector<1024xi1>
    %and3A = arith.andi %ne3A_61, %ne3A_53 : vector<1024xi1>
    %add3A_62 = vector.broadcast %select_n3A_50 : i32 to vector<1024xi32>
    %add3A_63 = arith.addi %rem3A_51, %add3A_62 : vector<1024xi32>
    %select_n3A_64 = arith.select %and3A, %add3A_63, %rem3A_51 : vector<1024xi1>, vector<1024xi32>
    %add3A_65 = arith.constant 16384 : i32
    %add3A_66 = vector.broadcast %add3A_65 : i32 to vector<1024xi32>
    %add3A_67 = arith.addi %add3A_66, %select_n3A_64 : vector<1024xi32>
    %select_n3A_68 = arith.select %lt3A_39, %add3A_44, %add3A_67 : vector<1024xi1>, vector<1024xi32>
    %swap3A = arith.constant 0 : index
    %swap3A_69 = arith.constant 0 : index
    %swap3A_70 = arith.constant 0 : index
    %swap3A_71 = vector.load %arg3[%swap3A, %swap3A_69, %swap3A_70] : memref<1x1x1024xi32, #tpu.memory_space<vmem>>, vector<1x1x1024xi32>
    %swap3A_72 = vector.shape_cast %swap3A_71 : vector<1x1x1024xi32> to vector<1024xi32>
    %swap3A_73 = vector.shape_cast %select_n3A_68 : vector<1024xi32> to vector<1x1x1024xi32>
    tpu.vector_store %arg3[%swap3A, %swap3A_69, %swap3A_70], %swap3A_73 {strides = array<i32>} : memref<1x1x1024xi32, #tpu.memory_space<vmem>>, vector<1x1x1024xi32>,
    %squeeze3A_74 = vector.shape_cast %broadcast_in_dim3A_15 : vector<1024x1xf32> to vector<1024xf32>
    %convert_element_type3A_75 = arith.extui %lt3A_39 : vector<1024xi1> to vector<1024xi32>
    %convert_element_type3A_76 = arith.sitofp %convert_element_type3A_75 : vector<1024xi32> to vector<1024xf32>
    %mul3A_77 = arith.mulf %squeeze3A_74, %convert_element_type3A_76 : vector<1024xf32>
    %broadcast_in_dim3A_78 = vector.shape_cast %mul3A_77 : vector<1024xf32> to vector<1024x1xf32>
    %mul3A_79 = vector.broadcast %broadcast_in_dim3A_78 : vector<1024x1xf32> to vector<1024x768xf32>
    %mul3A_80 = arith.mulf %get3A_3, %mul3A_79 : vector<1024x768xf32>
    %slice3A = vector.extract_strided_slice %mul3A_80 {offsets = [0, 0], sizes = [1024, 384], strides = [1, 1]} : vector<1024x768xf32> to vector<1024x384xf32>
    %slice3A_81 = vector.extract_strided_slice %mul3A_80 {offsets = [0, 384], sizes = [1024, 384], strides = [1, 1]} : vector<1024x768xf32> to vector<1024x384xf32>
    %pack_elementwise3A = tpu.pack_elementwise %slice3A, %slice3A_81 {target_type = bf16} : vector<1024x384xf32>, vector<1024x384xf32> -> vector<1024x384xi32>
    %swap3A_82 = arith.constant 0 : index
    %swap3A_83 = arith.constant 0 : index
    %swap3A_84 = vector.load %arg4[%swap3A_82, %swap3A_83] : memref<1024x384xi32, #tpu.memory_space<vmem>>, vector<1024x384xi32>
    tpu.vector_store %arg4[%swap3A_82, %swap3A_83], %pack_elementwise3A {strides = array<i32>} : memref<1024x384xi32, #tpu.memory_space<vmem>>, vector<1024x384xi32>,
    %get3A_85 = arith.constant 0 : index
    %get3A_86 = arith.constant 0 : index
    %get3A_87 = vector.load %arg7[%get3A_85, %get3A_86] : memref<1x64xf32, #tpu.memory_space<vmem>>, vector<1x64xf32>
    %get3A_88 = vector.shape_cast %get3A_87 : vector<1x64xf32> to vector<64xf32>
    %reduce_sum3A_89 = arith.constant dense<0.000000e+00> : vector<64xf32>
    %reduce_sum3A_90 = vector.multi_reduction <add>, %convert_element_type3A_23, %reduce_sum3A_89 [0] : vector<1024x64xf32> to vector<64xf32>
    %add3A_91 = arith.addf %get3A_88, %reduce_sum3A_90 : vector<64xf32>
    %swap3A_92 = arith.constant 0 : index
    %swap3A_93 = arith.constant 0 : index
    %swap3A_94 = vector.load %arg7[%swap3A_92, %swap3A_93] : memref<1x64xf32, #tpu.memory_space<vmem>>, vector<1x64xf32>
    %swap3A_95 = vector.shape_cast %swap3A_94 : vector<1x64xf32> to vector<64xf32>
    %swap3A_96 = vector.shape_cast %add3A_91 : vector<64xf32> to vector<1x64xf32>
    tpu.vector_store %arg7[%swap3A_92, %swap3A_93], %swap3A_96 {strides = array<i32>} : memref<1x64xf32, #tpu.memory_space<vmem>>, vector<1x64xf32>,
    %get3A_97 = arith.constant 0 : index
    %get3A_98 = arith.constant 0 : index
    %get3A_99 = vector.load %arg8[%get3A_97, %get3A_98] : memref<1x64xf32, #tpu.memory_space<vmem>>, vector<1x64xf32>
    %get3A_100 = vector.shape_cast %get3A_99 : vector<1x64xf32> to vector<64xf32>
    %reduce_sum3A_101 = arith.constant dense<0.000000e+00> : vector<64xf32>
    %reduce_sum3A_102 = vector.multi_reduction <add>, %div3A_12, %reduce_sum3A_101 [0] : vector<1024x64xf32> to vector<64xf32>
    %add3A_103 = arith.addf %get3A_100, %reduce_sum3A_102 : vector<64xf32>
    %swap3A_104 = arith.constant 0 : index
    %swap3A_105 = arith.constant 0 : index
    %swap3A_106 = vector.load %arg8[%swap3A_104, %swap3A_105] : memref<1x64xf32, #tpu.memory_space<vmem>>, vector<1x64xf32>
    %swap3A_107 = vector.shape_cast %swap3A_106 : vector<1x64xf32> to vector<64xf32>
    %swap3A_108 = vector.shape_cast %add3A_103 : vector<64xf32> to vector<1x64xf32>
    tpu.vector_store %arg8[%swap3A_104, %swap3A_105], %swap3A_108 {strides = array<i32>} : memref<1x64xf32, #tpu.memory_space<vmem>>, vector<1x64xf32>,
    %eq3A_109 = arith.constant 15 : i32
    %eq3A_110 = arith.cmpi eq, %arg0, %eq3A_109 : i32
    %convert_element_type3A_111 = arith.extui %eq3A_110 : i1 to i32
    %cond3A_112 = arith.constant 0 : i32
    %cond3A_113 = arith.cmpi ne, %convert_element_type3A_111, %cond3A_112 : i32
    scf.if %cond3A_113 {
      %get3A_114 = arith.constant 0 : index
      %get3A_115 = arith.constant 0 : index
      %get3A_116 = vector.load %arg7[%get3A_114, %get3A_115] : memref<1x64xf32, #tpu.memory_space<vmem>>, vector<1x64xf32>
      %get3A_117 = vector.shape_cast %get3A_116 : vector<1x64xf32> to vector<64xf32>
      %get3A_118 = arith.constant 0 : index
      %get3A_119 = arith.constant 0 : index
      %get3A_120 = vector.load %arg8[%get3A_118, %get3A_119] : memref<1x64xf32, #tpu.memory_space<vmem>>, vector<1x64xf32>
      %get3A_121 = vector.shape_cast %get3A_120 : vector<1x64xf32> to vector<64xf32>
      %div3A_122 = arith.constant 1.638400e+04 : f32
      %div3A_123 = vector.broadcast %div3A_122 : f32 to vector<64xf32>
      %div3A_124 = arith.divf %get3A_121, %div3A_123 : vector<64xf32>
      %div3A_125 = arith.constant 1.638400e+04 : f32
      %div3A_126 = vector.broadcast %div3A_125 : f32 to vector<64xf32>
      %div3A_127 = arith.divf %get3A_117, %div3A_126 : vector<64xf32>
      %mul3A_128 = arith.mulf %div3A_124, %div3A_127 : vector<64xf32>
      %reduce_sum3A_129 = vector.shape_cast %mul3A_128 : vector<64xf32> to vector<1x64xf32>
      %reduce_sum3A_130 = arith.constant dense<0.000000e+00> : vector<1xf32>
      %reduce_sum3A_131 = vector.multi_reduction <add>, %reduce_sum3A_129, %reduce_sum3A_130 [1] : vector<1x64xf32> to vector<1xf32>
      %reduce_sum3A_132 = vector.shape_cast %reduce_sum3A_131 : vector<1xf32> to vector<1x1xf32>
      %reduce_sum3A_133 = vector.extract %reduce_sum3A_132[0, 0] : f32 from vector<1x1xf32>
      %mul3A_134 = arith.constant 6.400000e+01 : f32
      %mul3A_135 = arith.mulf %reduce_sum3A_133, %mul3A_134 : f32
      %broadcast_in_dim3A_136 = vector.broadcast %mul3A_135 : f32 to vector<64xf32>
      %swap3A_137 = arith.constant 0 : index
      %swap3A_138 = arith.constant 0 : index
      %swap3A_139 = vector.load %arg5[%swap3A_137, %swap3A_138] : memref<1x64xf32, #tpu.memory_space<vmem>>, vector<1x64xf32>
      %swap3A_140 = vector.shape_cast %swap3A_139 : vector<1x64xf32> to vector<64xf32>
      %swap3A_141 = vector.shape_cast %broadcast_in_dim3A_136 : vector<64xf32> to vector<1x64xf32>
      tpu.vector_store %arg5[%swap3A_137, %swap3A_138], %swap3A_141 {strides = array<i32>} : memref<1x64xf32, #tpu.memory_space<vmem>>, vector<1x64xf32>,
      %swap3A_142 = arith.constant 0 : index
      %swap3A_143 = arith.constant 0 : index
      %swap3A_144 = vector.load %arg6[%swap3A_142, %swap3A_143] : memref<1x64xf32, #tpu.memory_space<vmem>>, vector<1x64xf32>
      %swap3A_145 = vector.shape_cast %swap3A_144 : vector<1x64xf32> to vector<64xf32>
      %swap3A_146 = vector.shape_cast %get3A_117 : vector<64xf32> to vector<1x64xf32>
      tpu.vector_store %arg6[%swap3A_142, %swap3A_143], %swap3A_146 {strides = array<i32>} : memref<1x64xf32, #tpu.memory_space<vmem>>, vector<1x64xf32>,
    } else {
    }
    return
  }
  func.func @transform_0(%arg0: i32) -> (i32, i32) {
    %c0_i32 = arith.constant 0 : i32
    %c0_i32_0 = arith.constant 0 : i32
    return %arg0, %c0_i32 : i32, i32
  }
  func.func @transform_1(%arg0: i32) -> (i32, i32) {
    %c0_i32 = arith.constant 0 : i32
    %c0_i32_0 = arith.constant 0 : i32
    %c0_i32_1 = arith.constant 0 : i32
    return %c0_i32, %c0_i32_0 : i32, i32
  }
  func.func @transform_2(%arg0: i32) -> (i32, i32, i32) {
    %c0_i32 = arith.constant 0 : i32
    %c0_i32_0 = arith.constant 0 : i32
    %c0_i32_1 = arith.constant 0 : i32
    return %arg0, %c0_i32, %c0_i32_0 : i32, i32, i32
  }
  func.func @transform_3(%arg0: i32) -> (i32, i32) {
    %c0_i32 = arith.constant 0 : i32
    %c0_i32_0 = arith.constant 0 : i32
    return %arg0, %c0_i32 : i32, i32
  }
  func.func @transform_4(%arg0: i32) -> (i32, i32) {
    %c0_i32 = arith.constant 0 : i32
    %c0_i32_0 = arith.constant 0 : i32
    %c0_i32_1 = arith.constant 0 : i32
    return %c0_i32, %c0_i32_0 : i32, i32
  }
  func.func @transform_5(%arg0: i32) -> (i32, i32) {
    %c0_i32 = arith.constant 0 : i32
    %c0_i32_0 = arith.constant 0 : i32
    %c0_i32_1 = arith.constant 0 : i32
    return %c0_i32, %c0_i32_0 : i32, i32
  }
}

module attributes {stable_mosaic.version = 14 : i64} {
  func.func @_ffn_body(%arg0: i32, %arg1: memref<256x384xi32, #tpu.memory_space<vmem>>, %arg2: memref<1x768x768xf32, #tpu.memory_space<vmem>>, %arg3: memref<1x1x768xf32, #tpu.memory_space<vmem>>, %arg4: memref<256x384xi32, #tpu.memory_space<vmem>>) attributes {dimension_semantics = [#tpu.dimension_semantics<arbitrary>], iteration_bounds = array<i64: 65>, scalar_prefetch = 0 : i64, scratch_operands = 0 : i64, tpu.core_type = #tpu.core_type<tc>, window_params = [{transform_indices = @transform_0, window_bounds = array<i64: 256, 384>}, {transform_indices = @transform_1, window_bounds = array<i64: 1, 768, 768>}, {transform_indices = @transform_2, window_bounds = array<i64: 1, 1, 768>}, {transform_indices = @transform_3, window_bounds = array<i64: 256, 384>}]} {
    %lt3A = arith.constant 64 : i32
    %lt3A_0 = arith.cmpi slt, %arg0, %lt3A : i32
    %convert_element_type3A = arith.extui %lt3A_0 : i1 to i32
    %cond3A = arith.constant 0 : i32
    %cond3A_1 = arith.cmpi ne, %convert_element_type3A, %cond3A : i32
    scf.if %cond3A_1 {
      %get3A = arith.constant 0 : index
      %get3A_6 = arith.constant 0 : index
      %get3A_7 = vector.load %arg1[%get3A, %get3A_6] : memref<256x384xi32, #tpu.memory_space<vmem>>, vector<256x384xi32>
      %unpack_elementwise3A = tpu.unpack_elementwise %get3A_7, 0 {source_type = bf16} : vector<256x384xi32> -> vector<256x384xf32>
      %unpack_elementwise3A_8 = tpu.unpack_elementwise %get3A_7, 1 {source_type = bf16} : vector<256x384xi32> -> vector<256x384xf32>
      %concatenate3A = tpu.concatenate %unpack_elementwise3A, %unpack_elementwise3A_8 in 1 : vector<256x384xf32>, vector<256x384xf32> -> vector<256x768xf32>
      %convert_element_type3A_9 = arith.truncf %concatenate3A : vector<256x768xf32> to vector<256x768xbf16>
      %get3A_10 = arith.constant 0 : index
      %get3A_11 = arith.constant 0 : index
      %get3A_12 = arith.constant 0 : index
      %get3A_13 = vector.load %arg2[%get3A_10, %get3A_11, %get3A_12] : memref<1x768x768xf32, #tpu.memory_space<vmem>>, vector<1x768x768xf32>
      %get3A_14 = vector.shape_cast %get3A_13 : vector<1x768x768xf32> to vector<768x768xf32>
      %convert_element_type3A_15 = arith.truncf %get3A_14 : vector<768x768xf32> to vector<768x768xbf16>
      %dot_general3A = arith.constant dense<0.000000e+00> : vector<256x768xf32>
      %dot_general3A_16 = tpu.matmul %convert_element_type3A_9, %convert_element_type3A_15, %dot_general3A {dimension_numbers = #tpu.dot_dimension_numbers<[1], [0], [0], [1], [0, 0, 1, 1], [], []>, transpose_lhs_hint = false} : vector<256x768xbf16>, vector<768x768xbf16>, vector<256x768xf32> -> vector<256x768xf32>
      %get3A_17 = arith.constant 0 : index
      %get3A_18 = arith.constant 0 : index
      %get3A_19 = arith.constant 0 : index
      %get3A_20 = vector.load %arg3[%get3A_17, %get3A_18, %get3A_19] : memref<1x1x768xf32, #tpu.memory_space<vmem>>, vector<1x1x768xf32>
      %get3A_21 = vector.shape_cast %get3A_20 : vector<1x1x768xf32> to vector<768xf32>
      %broadcast_in_dim3A = vector.shape_cast %get3A_21 : vector<768xf32> to vector<1x768xf32>
      %add3A = vector.broadcast %broadcast_in_dim3A : vector<1x768xf32> to vector<256x768xf32>
      %add3A_22 = arith.addf %dot_general3A_16, %add3A : vector<256x768xf32>
      %slice3A = vector.extract_strided_slice %add3A_22 {offsets = [0, 0], sizes = [256, 384], strides = [1, 1]} : vector<256x768xf32> to vector<256x384xf32>
      %slice3A_23 = vector.extract_strided_slice %add3A_22 {offsets = [0, 384], sizes = [256, 384], strides = [1, 1]} : vector<256x768xf32> to vector<256x384xf32>
      %pack_elementwise3A = tpu.pack_elementwise %slice3A, %slice3A_23 {target_type = bf16} : vector<256x384xf32>, vector<256x384xf32> -> vector<256x384xi32>
      %swap3A = arith.constant 0 : index
      %swap3A_24 = arith.constant 0 : index
      %swap3A_25 = vector.load %arg4[%swap3A, %swap3A_24] : memref<256x384xi32, #tpu.memory_space<vmem>>, vector<256x384xi32>
      tpu.vector_store %arg4[%swap3A, %swap3A_24], %pack_elementwise3A {strides = array<i32>} : memref<256x384xi32, #tpu.memory_space<vmem>>, vector<256x384xi32>,
    } else {
    }
    %eq3A = arith.constant 64 : i32
    %eq3A_2 = arith.cmpi eq, %arg0, %eq3A : i32
    %convert_element_type3A_3 = arith.extui %eq3A_2 : i1 to i32
    %cond3A_4 = arith.constant 0 : i32
    %cond3A_5 = arith.cmpi ne, %convert_element_type3A_3, %cond3A_4 : i32
    scf.if %cond3A_5 {
      %broadcast_in_dim3A = arith.constant 0 : i32
      %broadcast_in_dim3A_6 = vector.broadcast %broadcast_in_dim3A : i32 to vector<256x384xi32>
      %swap3A = arith.constant 0 : index
      %swap3A_7 = arith.constant 0 : index
      %swap3A_8 = vector.load %arg4[%swap3A, %swap3A_7] : memref<256x384xi32, #tpu.memory_space<vmem>>, vector<256x384xi32>
      tpu.vector_store %arg4[%swap3A, %swap3A_7], %broadcast_in_dim3A_6 {strides = array<i32>} : memref<256x384xi32, #tpu.memory_space<vmem>>, vector<256x384xi32>,
    } else {
    }
    return
  }
  func.func @transform_0(%arg0: i32) -> (i32, i32) {
    %c0_i32 = arith.constant 0 : i32
    %c0_i32_0 = arith.constant 0 : i32
    return %arg0, %c0_i32 : i32, i32
  }
  func.func @transform_1(%arg0: i32) -> (i32, i32, i32) {
    %min3A = arith.constant 63 : i32
    %min3A_0 = arith.minsi %arg0, %min3A : i32
    %c0_i32 = arith.constant 0 : i32
    %c0_i32_1 = arith.constant 0 : i32
    %c0_i32_2 = arith.constant 0 : i32
    return %min3A_0, %c0_i32, %c0_i32_1 : i32, i32, i32
  }
  func.func @transform_2(%arg0: i32) -> (i32, i32, i32) {
    %min3A = arith.constant 63 : i32
    %min3A_0 = arith.minsi %arg0, %min3A : i32
    %c0_i32 = arith.constant 0 : i32
    %c0_i32_1 = arith.constant 0 : i32
    %c0_i32_2 = arith.constant 0 : i32
    return %min3A_0, %c0_i32, %c0_i32_1 : i32, i32, i32
  }
  func.func @transform_3(%arg0: i32) -> (i32, i32) {
    %c0_i32 = arith.constant 0 : i32
    %c0_i32_0 = arith.constant 0 : i32
    return %arg0, %c0_i32 : i32, i32
  }
}

module attributes {stable_mosaic.version = 14 : i64} {
  func.func @_unpack_body(%arg0: i32, %arg1: memref<512x384xi32, #tpu.memory_space<vmem>>, %arg2: memref<512x768xf32, #tpu.memory_space<vmem>>) attributes {dimension_semantics = [#tpu.dimension_semantics<arbitrary>], iteration_bounds = array<i64: 16>, scalar_prefetch = 0 : i64, scratch_operands = 0 : i64, tpu.core_type = #tpu.core_type<tc>, window_params = [{transform_indices = @transform_0, window_bounds = array<i64: 512, 384>}, {transform_indices = @transform_1, window_bounds = array<i64: 512, 768>}]} {
    %get3A = arith.constant 0 : index
    %get3A_0 = arith.constant 0 : index
    %get3A_1 = vector.load %arg1[%get3A, %get3A_0] : memref<512x384xi32, #tpu.memory_space<vmem>>, vector<512x384xi32>
    %unpack_elementwise3A = tpu.unpack_elementwise %get3A_1, 0 {source_type = bf16} : vector<512x384xi32> -> vector<512x384xf32>
    %unpack_elementwise3A_2 = tpu.unpack_elementwise %get3A_1, 1 {source_type = bf16} : vector<512x384xi32> -> vector<512x384xf32>
    %concatenate3A = tpu.concatenate %unpack_elementwise3A, %unpack_elementwise3A_2 in 1 : vector<512x384xf32>, vector<512x384xf32> -> vector<512x768xf32>
    %swap3A = arith.constant 0 : index
    %swap3A_3 = arith.constant 0 : index
    %swap3A_4 = vector.load %arg2[%swap3A, %swap3A_3] : memref<512x768xf32, #tpu.memory_space<vmem>>, vector<512x768xf32>
    tpu.vector_store %arg2[%swap3A, %swap3A_3], %concatenate3A {strides = array<i32>} : memref<512x768xf32, #tpu.memory_space<vmem>>, vector<512x768xf32>,
    return
  }
  func.func @transform_0(%arg0: i32) -> (i32, i32) {
    %c0_i32 = arith.constant 0 : i32
    %c0_i32_0 = arith.constant 0 : i32
    return %arg0, %c0_i32 : i32, i32
  }
  func.func @transform_1(%arg0: i32) -> (i32, i32) {
    %add3A = arith.constant 0 : i32
    %add3A_0 = arith.addi %arg0, %add3A : i32
    %c0_i32 = arith.constant 0 : i32
    %c0_i32_1 = arith.constant 0 : i32
    return %add3A_0, %c0_i32 : i32, i32
  }
}

module attributes {stable_mosaic.version = 14 : i64} {
  func.func @_unpack_body_alias(%arg0: i32, %arg1: memref<512x384xi32, #tpu.memory_space<vmem>>, %arg2: memref<16384x768xf32, #tpu.memory_space<any>>, %arg3: memref<512x768xf32, #tpu.memory_space<vmem>>) attributes {dimension_semantics = [#tpu.dimension_semantics<arbitrary>], iteration_bounds = array<i64: 16>, scalar_prefetch = 0 : i64, scratch_operands = 0 : i64, tpu.core_type = #tpu.core_type<tc>, window_params = [{transform_indices = @transform_0, window_bounds = array<i64: 512, 384>}, {}, {transform_indices = @transform_2, window_bounds = array<i64: 512, 768>}]} {
    %get3A = arith.constant 0 : index
    %get3A_0 = arith.constant 0 : index
    %get3A_1 = vector.load %arg1[%get3A, %get3A_0] : memref<512x384xi32, #tpu.memory_space<vmem>>, vector<512x384xi32>
    %unpack_elementwise3A = tpu.unpack_elementwise %get3A_1, 0 {source_type = bf16} : vector<512x384xi32> -> vector<512x384xf32>
    %unpack_elementwise3A_2 = tpu.unpack_elementwise %get3A_1, 1 {source_type = bf16} : vector<512x384xi32> -> vector<512x384xf32>
    %concatenate3A = tpu.concatenate %unpack_elementwise3A, %unpack_elementwise3A_2 in 1 : vector<512x384xf32>, vector<512x384xf32> -> vector<512x768xf32>
    %swap3A = arith.constant 0 : index
    %swap3A_3 = arith.constant 0 : index
    %swap3A_4 = vector.load %arg3[%swap3A, %swap3A_3] : memref<512x768xf32, #tpu.memory_space<vmem>>, vector<512x768xf32>
    tpu.vector_store %arg3[%swap3A, %swap3A_3], %concatenate3A {strides = array<i32>} : memref<512x768xf32, #tpu.memory_space<vmem>>, vector<512x768xf32>,
    return
  }
  func.func @transform_0(%arg0: i32) -> (i32, i32) {
    %c0_i32 = arith.constant 0 : i32
    %c0_i32_0 = arith.constant 0 : i32
    return %arg0, %c0_i32 : i32, i32
  }
  func.func @transform_2(%arg0: i32) -> (i32, i32) {
    %add3A = arith.constant 16 : i32
    %add3A_0 = arith.addi %arg0, %add3A : i32
    %c0_i32 = arith.constant 0 : i32
    %c0_i32_1 = arith.constant 0 : i32
    return %add3A_0, %c0_i32 : i32, i32
  }
}

</mosaic_0001>

<sc_bundles>
// kernel: kernel.12.cloned.1.call-start
scs
__scs_entry_jumppad:
0x0: {  	(pc) =	sbr.rel $0x88, $3  }
0x1: {  	(tag) =	ssettag $0x0;
	lr =	simm.s32 $0x1  }
0x2: {  	[smem:$0x3F9D] =	sst lr;
	_ =	strace $0xD0000000  }
0x3: {  	_ = 	snop  }
0x4: {  	_ = 	snop  }
0x5: {  	_ = 	snop  }
0x6: {  	_ = 	snop  }
0x7: {  	_ = 	snop  }
__scs_overlays_trampoline_lowered:
0x8: {  	[smem:$0x3FAC] =	sst s0  }
0x9: {  	[smem:$0x3FAD] =	sst s1  }
0xa: {  	[smem:$0x3FAE] =	sst s2  }
0xb: {  	[smem:$0x3FAF] =	sst s3  }
0xc: {  	[smem:$0x3FB0] =	sst s4  }
0xd: {  	[smem:$0x3FB1] =	sst s5  }
0xe: {  	[smem:$0x3FB2] =	sst s6  }
0xf: {  	[smem:$0x3FB3] =	sst s7  }
0x10: {  	[smem:$0x3FB4] =	sst s8  }
0x11: {  	[smem:$0x3FB5] =	sst s9;
	s0 =	simm.s32 @!p0 $0x0  }
0x12: {  	s1 =	sld [smem:$0x3F9B];
	s0 =	simm.s32 @p0 $0x1  }
0x13: {  	[smem:$0x3FB6] =	sst s0;
	s0 =	simm.s32 @!p1 $0x0  }
0x14: {  	s2 =	sld [smem:$0x3F9A];
	s0 =	simm.s32 @p1 $0x1  }
0x15: {  	[smem:$0x3FB7] =	sst s0;
	s0 =	simm.s32 @!p2 $0x0  }
0x16: {  	s3 =	sld [smem:$0x3FDB];
	s0 =	simm.s32 @p2 $0x1  }
0x17: {  	s4 =	simm.s32 $0x1BF5;
	[smem:$0x3FB9] =	sst s0  }
0x18: {  	s0 =	sld [smem:$0x3F9C];
	_ =	swait.ge [sflag:s4], $0x0  }
0x19: {  	s7 =	sld [smem:$0x3F9D]  }
0x1a: {  	s8 =	sadd.s32 $0xFFFFE003, lr  }
0x1b: {  	s9 =	sadd.s32 $0xFFFFFEF7, lr;
	s5 =	simm.s32 $0xFFFFFFFF;
	p2 =	slt.u32 s8, $0xFFFFF086  }
0x1c: {  	p1 =	slt.u32 s9, $0xF7A;
	s5 =	simm.s32 @!p2 $0x0  }
0x1d: {  	s5 =	simm.s32 @p1 $0x1;
	p0 =	seq.s32 s7, s2  }
0x1e: {  	s7 =	smul.u32 @!p0 $0xF7A, s2;
	p2 =	seq.s32 @!p0 s5, $0x0  }
0x1f: {  	s9 =	smul.u32 $0xF7A, s1;
	s8 =	simm.s32 @!p0 $0x1BF5;
	p2 =	por !p2, p0  }
0x20: {  	[sflag:s8] =	ssyncset.s32 @!p0 $0xFFFFF086;
	s6 =	sadd.s32 @!p0 s3, s7;
	s7 =	simm.s32 @!p0 $0x108  }
0x21: {  	s3 =	sadd.s32 s3, s9;
	s6 =	sadd.s32 @!p0 $0x88, s6;
	s7 =	simm.s32 @p2 $0x1082  }
0x22: {  	[simem:s7], [sflag:s8] =	dma.local @!p0 [hbm:s6], $0xF7A  }
0x23: {  	s9 =	sor.u32 $0xD0000000, s2;
	s6 =	simm.s32 $0x108;
	_ =	swait.ge @!p0 [sflag:s8], $0x0  }
0x24: {  	s3 =	sadd.s32 $0x88, s3;
	s6 =	simm.s32 @!p1 $0x1082;
	[sflag:s4] =	ssyncset.s32 $0xFFFFF086  }
0x25: {  	[simem:s6], [sflag:s4] =	dma.local [hbm:s3], $0xF7A  }
0x26: {  	[smem:$0x3F9D] =	sst s1;
	(tag) =	ssettag s2;
	_ =	strace s9  }
0x27: {  	s1 =	sld [smem:$0x3FAD]  }
0x28: {  	s2 =	sld [smem:$0x3FAE]  }
0x29: {  	s4 =	sld [smem:$0x3FB0]  }
0x2a: {  	p0 =	seq.s32 s5, $0x0;
	s5 =	sld [smem:$0x3FB1]  }
0x2b: {  	s6 =	sld [smem:$0x3FB2]  }
0x2c: {  	s7 =	sld [smem:$0x3FB3]  }
0x2d: {  	s3 =	simm.s32 $0x108;
	s8 =	sld [smem:$0x3FB4]  }
0x2e: {  	s3 =	simm.s32 @!p0 $0x1082;
	s9 =	sld [smem:$0x3FB5]  }
0x2f: {  	lr =	sadd.s32 s0, s3;
	s0 =	sld [smem:$0x3FAC]  }
0x30: {  	s3 =	sld [smem:$0x3FAF]  }
0x31: {  	[smem:$0x3FB8] =	sst s10  }
0x32: {  	s10 =	sld [smem:$0x3FB6];
	_ =	sdelay $0x3  }
0x33: {  	p0 =	seq.s32 s10, $0x1;
	s10 =	sld [smem:$0x3FB8];
	_ =	sdelay $0x3  }
0x34: {  	[smem:$0x3FB8] =	sst s10  }
0x35: {  	s10 =	sld [smem:$0x3FB7];
	_ =	sdelay $0x3  }
0x36: {  	p1 =	seq.s32 s10, $0x1;
	s10 =	sld [smem:$0x3FB8];
	_ =	sdelay $0x3  }
0x37: {  	[smem:$0x3FB8] =	sst s10  }
0x38: {  	s10 =	sld [smem:$0x3FB9]  }
0x39: {  	_ = 	snop;
	(pc) =	sbr.ind lr, $3  }
0x3a: {  	_ = 	snop  }
0x3b: {  	_ = 	snop  }
0x3c: {  	p2 =	seq.s32 s10, $0x1;
	s10 =	sld [smem:$0x3FB8]  }
0x3d: {  	_ =	shalt  }
0x3e: {  	_ =	shalt  }
0x3f: {  	_ =	shalt  }
0x40: {  	_ =	shalt  }
0x41: {  	_ =	shalt  }
0x42: {  	_ =	shalt  }
0x43: {  	_ =	shalt  }
0x44: {  	_ =	shalt  }
0x45: {  	_ =	shalt  }
0x46: {  	_ =	shalt  }
0x47: {  	_ =	shalt  }
0x48: {  	_ =	shalt  }
0x49: {  	_ =	shalt  }
0x4a: {  	_ =	shalt  }
0x4b: {  	_ =	shalt  }
0x4c: {  	_ =	shalt  }
0x4d: {  	_ =	shalt  }
0x4e: {  	_ =	shalt  }
0x4f: {  	_ =	shalt  }
0x50: {  	_ =	shalt  }
0x51: {  	_ =	shalt  }
0x52: {  	_ =	shalt  }
0x53: {  	_ =	shalt  }
0x54: {  	_ =	shalt  }
0x55: {  	_ =	shalt  }
0x56: {  	_ =	shalt  }
0x57: {  	_ =	shalt  }
0x58: {  	_ =	shalt  }
0x59: {  	_ =	shalt  }
0x5a: {  	_ =	shalt  }
0x5b: {  	_ =	shalt  }
0x5c: {  	_ =	shalt  }
0x5d: {  	_ =	shalt  }
0x5e: {  	_ =	shalt  }
0x5f: {  	_ =	shalt  }
0x60: {  	_ =	shalt  }
0x61: {  	_ =	shalt  }
0x62: {  	_ =	shalt  }
0x63: {  	_ =	shalt  }
0x64: {  	_ =	shalt  }
0x65: {  	_ =	shalt  }
0x66: {  	_ =	shalt  }
0x67: {  	_ =	shalt  }
0x68: {  	_ =	shalt  }
0x69: {  	_ =	shalt  }
0x6a: {  	_ =	shalt  }
0x6b: {  	_ =	shalt  }
0x6c: {  	_ =	shalt  }
0x6d: {  	_ =	shalt  }
0x6e: {  	_ =	shalt  }
0x6f: {  	_ =	shalt  }
0x70: {  	_ =	shalt  }
0x71: {  	_ =	shalt  }
0x72: {  	_ =	shalt  }
0x73: {  	_ =	shalt  }
0x74: {  	_ =	shalt  }
0x75: {  	_ =	shalt  }
0x76: {  	_ =	shalt  }
0x77: {  	_ =	shalt  }
0x78: {  	_ =	shalt  }
0x79: {  	_ =	shalt  }
0x7a: {  	_ =	shalt  }
0x7b: {  	_ =	shalt  }
0x7c: {  	_ =	shalt  }
0x7d: {  	_ =	shalt  }
0x7e: {  	_ =	shalt  }
0x7f: {  	_ =	shalt  }
0x80: {  	_ =	shalt  }
0x81: {  	_ =	shalt  }
0x82: {  	_ =	shalt  }
0x83: {  	_ =	shalt  }
0x84: {  	_ =	shalt  }
0x85: {  	_ =	shalt  }
0x86: {  	_ =	shalt  }
0x87: {  	_ =	shalt  }
.Lfunc_end0:
.L_simem_size_0:
called_computation.1_lowered:
.L_overlay_start_0:
0x88: {  	s2 =	sld [smem:$0x3FD9]  }
0x89: {  	s3 =	sld [smem:$0x3FFE];
	_ =	sdelay $0x1  }
0x8a: {  	s1 =	srdreg.scid  }
0x8b: {  	s0 =	sand.u32 $0x1, s1  }
0x8c: {  	s14 =	sshll.u32 s0, $0xA;
	s2 =	sadd.s32 s3, s2  }
0x8d: {  	s2 =	sadd.s32 s2, s14  }
0x8e: {  	[smem:$0x3FC4] =	sst s2  }
0x8f: {  	_ = 	snop  }
0x90: {  	s2 =	sld [smem:$0x3FD0];
	_ =	sdelay $0x2  }
0x91: {  	s15 =	simm.s32 $0xB;
	s4 =	simm.s32 $0x10  }
0x92: {  	[smem:s4], [sflag:s15] =	dma.local [hbm:s2], $0x1  }
0x93: {  	_ =	swait.eq [sflag:s15], $0x1  }
0x94: {  	[sflag:s15] =	ssyncset.done $0x0  }
0x95: {  	[sflag:s15] =	ssyncadd.s32 $0xFFFFFFFF  }
0x96: {  	s16 =	sld [smem:$0x10];
	(tm) =	ssettm $0x1  }
0x97: {  	s17 =	sld [smem:$0x3FFB];
	_ =	sdelay $0x3  }
0x98: {  	_ =	strace s17  }
0x99: {  	s3 =	sld [smem:$0x3FFC];
	_ =	sdelay $0x3  }
0x9a: {  	_ =	strace s3  }
0x9b: {  	s3 =	sld [smem:$0x3FFD];
	_ =	sdelay $0x3  }
0x9c: {  	_ =	strace s3  }
0x9d: {  	_ =	strace $0x8FFFFFFF  }
0x9e: {  	s18 =	sld [smem:$0x3FDB];
	_ =	sdelay $0x1  }
0x9f: {  	s19 =	simm.s32 $_scs_section_size  }
0xa0: {  	s5 =	simm.s32 $_size__tile_overlayer_lowered;
	s6 =	simm.s32 $_tile_overlayer_lowered  }
0xa1: {  	s22 =	simm.s32 $0x1BFF;
	s21 =	sshll.u32 s6, $0x1;
	s3 =	sadd.s32 s19, s18  }
0xa2: {  	s7 =	simm.s32 $0x0;
	s20 =	sshll.u32 s5, $0x1;
	s5 =	sadd.s32 s21, s3  }
0xa3: {  	[timem:s7], [sflag:s22] =	dma.local [hbm:s5], s20  }
0xa4: {  	_ =	swait.ge [sflag:s22], s20  }
0xa5: {  	s4 =	ssub.s32 $0x0, s20;
	[sflag:s22] =	ssyncset.done $0x0  }
0xa6: {  	[sflag:s22] =	ssyncadd.s32 s4;
	_ =	sdelay $0x1  }
0xa7: {  	s23 =	simm.s32 $0x1B8B  }
0xa8: {  	_ =	swait.ge [sflag:s23], $0x1  }
0xa9: {  	[sflag:s23] =	ssyncset.done $0x0  }
0xaa: {  	s25 =	simm.s32 $0x1B8E;
	s24 =	sld [smem:$0x3FFE];
	[sflag:s23] =	ssyncadd.s32 $0xFFFFFFFF  }
0xab: {  	s26 =	simm.s32 $execute0_lowered;
	[smem:$0x3FD2] =	sst s25  }
0xac: {  	s5 =	sshll.u32 s26, $0x1;
	_ =	strace $0x80000049;
	[dreg:$0x1] =	wrdreg $0xFFFFFFFF  }
0xad: {  	s28 =	simm.s32 $_size_execute0_lowered;
	s3 =	sadd.s32 s3, s5;
	[dreg:$0x0] =	wrdreg $0x0  }
0xae: {  	s5 =	sshll.u32 s28, $0x1;
	[dreg:$0x2] =	wrdreg s3  }
0xaf: {  	[dreg:$0x3] =	wrdreg s5  }
0xb0: {  	[dreg:$0x4] =	wrdreg $0xC0  }
0xb1: {  	_ =	task [dreg:s7], $0x5FFFF  }
0xb2: {  	[dreg:$0x1] =	wrdreg $0xFFFFFFFF  }
0xb3: {  	[dreg:$0x0] =	wrdreg $0x60  }
0xb4: {  	[dreg:$0x2] =	wrdreg s24  }
0xb5: {  	[dreg:$0x3] =	wrdreg s16  }
0xb6: {  	[dreg:$0x4] =	wrdreg $0x9  }
0xb7: {  	_ =	task.clear_ibuf [dreg:s7], $0x5FFFF;
	_ =	strace $0x90000049  }
0xb8: {  	s29 =	simm.s32 $0x9;
	_ =	strace $0x8000004B  }
0xb9: {  	_ =	swait.ge [sflag:s29], $0x1  }
0xba: {  	[sflag:s29] =	ssyncadd.s32 $0xFFFFFFFF  }
0xbb: {  	_ =	strace $0x9000004B  }
0xbc: {  	_ =	sfence  }
0xbd: {  	s30 =	sld [smem:$0x0];
	_ =	sdelay $0x2  }
0xbe: {  	s31 =	sshll.u32 s1, $0xD;
	s1 =	sshrl.u32 s1, $0x2  }
0xbf: {  	s3 =	sand.u32 $0x4000, s31;
	s1 =	sadd.s32 s1, s30  }
0xc0: {  	s0 =	sor.u32 s3, s0;
	s1 =	sshll.u32 s1, $0x11  }
0xc1: {  	s0 =	sor.u32 s1, s0  }
0xc2: {  	s0 =	sadd.s32 $0x8F2B, s0  }
0xc3: {  	[sflag:s0] =	ssyncadd.remote.s32 $0x1  }
0xc4: {  	_ =	sfence.sel $0xFFFF  }
0xc5: {  	[dreg:$0x0] =	wrdreg $0xFFFFFFFF;
	(pc) =	sbr.abs _section_cstart, $3  }
0xc6: {  	[dreg:$0x1] =	wrdreg $0xFFFFFFFF  }
0xc7: {  	_ =	task.clear_ibuf [dreg:s7], $0x2FFFF;
	_ =	strace $0x9FFFFFFF  }
0xc8: {  	(tm) =	ssettm $0x7FFFFFFF  }
0xc9: {  	_ =	shalt  }
tec
execute0_lowered:
.L_overlay_start_1:
0x0: {  	(tag) =	ssettag $0x1  }
0x1: {  	s1 =	rddreg [dreg:$0x0];
	s2 =	srdreg.scid  }
0x2: {  	s4 =	rddreg [dreg:$0x1];
	s5 =	sand.u32 $0x1, s2;
	s2 =	simm.s32 $0x0  }
0x3: {  	s22 =	simm.s32 $0xA00;
	[smem:$0x7FF] =	sst s2  }
0x4: {  	s23 =	simm.s32 $0xE00;
	_ =	strace $0x8000004A;
	[dreg:$0x7] =	wrdreg s22  }
0x5: {  	s24 =	simm.s32 $0x1600;
	[dreg:$0x8] =	wrdreg s23  }
0x6: {  	s0 =	stileid.u32;
	s25 =	simm.s32 $0x1A00;
	[dreg:$0x9] =	wrdreg s24  }
0x7: {  	s26 =	simm.s32 $0x2200;
	s3 =	sshll.u32 s0, $0x1;
	[dreg:$0xa] =	wrdreg s25  }
0x8: {  	s8 =	sshll.u32 s0, $0x7;
	s0 =	simm.s32 $0x2600;
	[dreg:$0xb] =	wrdreg s26  }
0x9: {  	s10 =	simm.s32 $0x4600;
	[dreg:$0xc] =	wrdreg s0  }
0xa: {  	s11 =	simm.s32 $0x4A00;
	[dreg:$0x11] =	wrdreg s10  }
0xb: {  	s12 =	simm.s32 $0x5200;
	[dreg:$0x12] =	wrdreg s11  }
0xc: {  	s13 =	simm.s32 $0x5600;
	[dreg:$0x13] =	wrdreg s12  }
0xd: {  	s14 =	simm.s32 $0x5E00;
	[dreg:$0x14] =	wrdreg s13  }
0xe: {  	s15 =	simm.s32 $0x6A00;
	[dreg:$0x15] =	wrdreg s14  }
0xf: {  	s16 =	simm.s32 $0x6E00;
	[dreg:$0x16] =	wrdreg s15  }
0x10: {  	s17 =	simm.s32 $0x7600;
	[dreg:$0x17] =	wrdreg s16  }
0x11: {  	[dreg:$0x18] =	wrdreg s17;
	s22 =	simm.s32 $0x9200  }
0x12: {  	s28 =	simm.s32 $0x4;
	s23 =	simm.s32 $0x9A00;
	[dreg:$0x1d] =	wrdreg s22  }
0x13: {  	s29 =	simm.s32 $0x5;
	s24 =	simm.s32 $0x9E00;
	[dreg:$0x1e] =	wrdreg s23  }
0x14: {  	s30 =	simm.s32 $0x6;
	s25 =	simm.s32 $0xA600;
	[dreg:$0x1f] =	wrdreg s24  }
0x15: {  	s31 =	simm.s32 $0x7;
	s26 =	simm.s32 $0xAA00;
	[smem:$0x7E7] =	sst s25  }
0x16: {  	s3 =	sor.u32 s5, s3;
	s0 =	simm.s32 $0xB200;
	[smem:$0x7E8] =	sst s26  }
0x17: {  	s6 =	sshll.u32 s5, $0x6;
	s10 =	simm.s32 $0xD600;
	[smem:$0x7E9] =	sst s0  }
0x18: {  	s5 =	ssub.s32 $0x2, s5;
	s11 =	simm.s32 $0xDA00;
	[smem:$0x7EE] =	sst s10  }
0x19: {  	s7 =	smul.u32 $0x3000, s3;
	s12 =	simm.s32 $0xE200;
	[smem:$0x7EF] =	sst s11  }
0x1a: {  	s6 =	sadd.s32 s6, s1;
	s13 =	simm.s32 $0xE600;
	[smem:$0x7F0] =	sst s12  }
0x1b: {  	s9 =	smul.u32 $0x18000, s3;
	s14 =	simm.s32 $0xEE00;
	[smem:$0x7F1] =	sst s13  }
0x1c: {  	s15 =	simm.s32 $0xF200;
	s16 =	simm.s32 $0xFA00;
	[smem:$0x7F2] =	sst s14  }
0x1d: {  	s17 =	sshrl.u32 s5, $0x1;
	s18 =	sadd.s32 s8, s6;
	[smem:$0x7F3] =	sst s15  }
0x1e: {  	s8 =	simm.s32 $0x3A00;
	[smem:$0x7F4] =	sst s16;
	s22 =	simm.s32 $0x11600  }
0x1f: {  	s23 =	simm.s32 $0x11E00;
	s24 =	simm.s32 $0x12A00;
	[dreg:$0xf] =	wrdreg s8  }
0x20: {  	s10 =	simm.s32 $0xC200;
	s25 =	simm.s32 $0x12E00;
	[smem:$0x7F9] =	sst s22  }
0x21: {  	s11 =	simm.s32 $0x1;
	s26 =	simm.s32 $0x13600;
	[smem:$0x7FA] =	sst s23  }
0x22: {  	s12 =	simm.s32 $0x12200;
	s14 =	simm.s32 $0x14200;
	[smem:$0x7FB] =	sst s24  }
0x23: {  	s15 =	simm.s32 $0x14600;
	s16 =	simm.s32 $0x14E00;
	[smem:$0x7FC] =	sst s25  }
0x24: {  	s6 =	sadd.s32 $0xC2000, s18;
	s3 =	sadd.s32 s4, s7;
	[smem:$0x7FD] =	sst s26  }
0x25: {  	s19 =	sshrl.u32 s9, $0x3;
	s7 =	simm.s32 $0x3200;
	[dreg:$0x3] =	wrdreg s6  }
0x26: {  	s9 =	simm.s32 $0x3E00;
	s18 =	simm.s32 $0x7A00;
	[dreg:$0xe] =	wrdreg s7  }
0x27: {  	s8 =	simm.s32 $0xCA00;
	s22 =	simm.s32 $0x17200;
	[dreg:$0x10] =	wrdreg s9  }
0x28: {  	s23 =	simm.s32 $0x17600;
	s24 =	simm.s32 $0x17E00;
	[dreg:$0x19] =	wrdreg s18  }
0x29: {  	s25 =	simm.s32 $0x2;
	s20 =	sadd.s32 $0xC00, s3;
	[smem:$0x7EC] =	sst s8  }
0x2a: {  	s26 =	simm.s32 $0x3;
	s6 =	simm.s32 $0x2E00;
	[dreg:$0x4] =	wrdreg s20  }
0x2b: {  	s4 =	sadd.s32 s4, s19;
	s19 =	simm.s32 $0x8200;
	[dreg:$0xd] =	wrdreg s6  }
0x2c: {  	s7 =	simm.s32 $0xBE00;
	s9 =	simm.s32 $0xCE00;
	[dreg:$0x1a] =	wrdreg s19  }
0x2d: {  	s18 =	simm.s32 $0xFE00;
	s8 =	simm.s32 $0x200;
	[smem:$0x7EB] =	sst s7  }
0x2e: {  	s21 =	sadd.s32 $0x1800, s4;
	s4 =	sadd.s32 $0x2400, s4;
	[smem:$0x7ED] =	sst s9  }
0x2f: {  	s20 =	simm.s32 $0x8600;
	s6 =	simm.s32 $0xB600;
	[smem:$0x7F5] =	sst s18  }
0x30: {  	s7 =	ssub.s32 s5, s17;
	s19 =	simm.s32 $0x10600;
	[dreg:$0x5] =	wrdreg s21  }
0x31: {  	s5 =	sadd.s32 $0xC2900, s1;
	s9 =	simm.s32 $0x6200;
	[dreg:$0x6] =	wrdreg s4  }
0x32: {  	s17 =	simm.s32 $0x15200;
	s18 =	simm.s32 $0x15A00;
	[dreg:$0x1b] =	wrdreg s20  }
0x33: {  	s21 =	simm.s32 $0x8E00;
	[smem:$0x7EA] =	sst s6;
	s4 =	sadd.s32 $0xC2800, s1  }
0x34: {  	[smem:$0x7F6] =	sst s19;
	s20 =	simm.s32 $0x10A00;
	s6 =	smax.u32 s7, $0x1  }
0x35: {  	v2 =	vlaneseq.u32;
	s7 =	simm.s32 $0x9;
	s19 =	simm.s32 $0x15E00;
	[dreg:$0x1c] =	wrdreg s21  }
0x36: {  	vm0 =	vmmov $0xffff;
	vm1 =	vmmov $0xff;
	v1 =	vshrl.u32 v2, $0x3;
	s1 =	simm.s32 $0x8;
	[smem:$0x7F7] =	sst s20;
	s21 =	simm.s32 $0x11200  }
0x37: {  	v0 =	vand.u32 $0x7, v2;
	v2 =	vor.u32 $0x8, v2;
	v1 =	vmul.u32 $0x8, v1;
	s20 =	simm.s32 $0x16600;
	[smem:$0x7F8] =	sst s21;
	s21 =	simm.s32 $0x16A00  }
.LBB2_1:
0x38: {  	s0 =	rddreg [dreg:$0x3]  }
0x39: {  	[tilespmem:s2], [sflag:$0x9] =	stream.linear.gather [hbm4b:s0+s2], $0x200, $0x38;
	[tilespmem:$0x18200] =	vst v63  }
0x3a: {  	_ =	swait.ge [sflag:s7], $0x200  }
0x3b: {  	[sflag:s7] =	ssyncset.done $0x0  }
0x3c: {  	[sflag:s7] =	ssyncadd.s32 $0xFFFFFE00  }
0x3d: {  	v3 =	vld [tilespmem:$0x0];
	_ =	sdelay $0x4  }
0x3e: {  	v4 =	vshrl.u32 v3, $0x3  }
0x3f: {  	v4 =	vmul.u32 $0x18, v4  }
0x40: {  	v3 =	vand.u32 $0x7, v3  }
0x41: {  	v3 =	vor.u32 v3, v4  }
0x42: {  	v4 =	vperm.xlane v3, v0;
	_ =	sdelay $0x1  }
0x43: {  	v4 =	vadd.s32 v1, v4;
	_ =	sdelay $0x1  }
0x44: {  	v3 =	vperm.xlane v3, v2;
	_ =	sdelay $0x1  }
0x45: {  	v3 =	vadd.s32 v1, v3  }
0x46: {  	[tilespmem:s8], [sflag:$0x1] =	stream.indirect_vreg.gather [hbm4b:s4+s2], $0x80, v4, vm0, $0xb8;
	[tilespmem:$0x18200] =	vst v63  }
0x47: {  	s0 =	rddreg [dreg:$0x7]  }
0x48: {  	[tilespmem:s0], [sflag:$0x1] =	stream.indirect_vreg.gather [hbm4b:s5+s2], $0x80, v4, vm1, $0xb8;
	[tilespmem:$0x18200] =	vst v63  }
0x49: {  	s13 =	rddreg [dreg:$0x8]  }
0x4a: {  	[tilespmem:s13], [sflag:$0x1] =	stream.indirect_vreg.gather [hbm4b:s4+s2], $0x80, v3, vm0, $0xb8;
	[tilespmem:$0x18200] =	vst v63  }
0x4b: {  	s0 =	rddreg [dreg:$0x9]  }
0x4c: {  	[tilespmem:s0], [sflag:$0x1] =	stream.indirect_vreg.gather [hbm4b:s5+s2], $0x80, v3, vm1, $0xb8;
	[tilespmem:$0x18200] =	vst v63  }
0x4d: {  	v3 =	vld [tilespmem:$0x10];
	_ =	sdelay $0x4  }
0x4e: {  	v49 =	vshrl.u32 v3, $0x3  }
0x4f: {  	v4 =	vmul.u32 $0x18, v49  }
0x50: {  	v3 =	vand.u32 $0x7, v3  }
0x51: {  	v3 =	vor.u32 v3, v4  }
0x52: {  	v4 =	vperm.xlane v3, v0;
	_ =	sdelay $0x1  }
0x53: {  	v4 =	vadd.s32 v1, v4;
	_ =	sdelay $0x1  }
0x54: {  	v3 =	vperm.xlane v3, v2;
	_ =	sdelay $0x1  }
0x55: {  	s0 =	rddreg [dreg:$0xa];
	v3 =	vadd.s32 v1, v3  }
0x56: {  	[tilespmem:s0], [sflag:$0x1] =	stream.indirect_vreg.gather [hbm4b:s4+s2], $0x80, v4, vm0, $0xb8;
	[tilespmem:$0x18200] =	vst v63  }
0x57: {  	s13 =	rddreg [dreg:$0xb]  }
0x58: {  	[tilespmem:s13], [sflag:$0x1] =	stream.indirect_vreg.gather [hbm4b:s5+s2], $0x80, v4, vm1, $0xb8;
	[tilespmem:$0x18200] =	vst v63  }
0x59: {  	s0 =	rddreg [dreg:$0xc]  }
0x5a: {  	[tilespmem:s0], [sflag:$0x1] =	stream.indirect_vreg.gather [hbm4b:s4+s2], $0x80, v3, vm0, $0xb8;
	[tilespmem:$0x18200] =	vst v63  }
0x5b: {  	s13 =	rddreg [dreg:$0xd]  }
0x5c: {  	[tilespmem:s13], [sflag:$0x1] =	stream.indirect_vreg.gather [hbm4b:s5+s2], $0x80, v3, vm1, $0xb8;
	[tilespmem:$0x18200] =	vst v63  }
0x5d: {  	v3 =	vld [tilespmem:$0x20];
	_ =	sdelay $0x4  }
0x5e: {  	v50 =	vshrl.u32 v3, $0x3  }
0x5f: {  	v4 =	vmul.u32 $0x18, v50  }
0x60: {  	v3 =	vand.u32 $0x7, v3  }
0x61: {  	v3 =	vor.u32 v3, v4  }
0x62: {  	v4 =	vperm.xlane v3, v0;
	_ =	sdelay $0x1  }
0x63: {  	v4 =	vadd.s32 v1, v4;
	_ =	sdelay $0x1  }
0x64: {  	v3 =	vperm.xlane v3, v2;
	_ =	sdelay $0x1  }
0x65: {  	s0 =	rddreg [dreg:$0xe];
	v3 =	vadd.s32 v1, v3  }
0x66: {  	[tilespmem:s0], [sflag:$0x1] =	stream.indirect_vreg.gather [hbm4b:s4+s2], $0x80, v4, vm0, $0xb8;
	[tilespmem:$0x18200] =	vst v63  }
0x67: {  	s13 =	rddreg [dreg:$0xf]  }
0x68: {  	[tilespmem:s13], [sflag:$0x1] =	stream.indirect_vreg.gather [hbm4b:s5+s2], $0x80, v4, vm1, $0xb8;
	[tilespmem:$0x18200] =	vst v63  }
0x69: {  	s0 =	rddreg [dreg:$0x10]  }
0x6a: {  	[tilespmem:s0], [sflag:$0x1] =	stream.indirect_vreg.gather [hbm4b:s4+s2], $0x80, v3, vm0, $0xb8;
	[tilespmem:$0x18200] =	vst v63  }
0x6b: {  	s13 =	rddreg [dreg:$0x11]  }
0x6c: {  	[tilespmem:s13], [sflag:$0x1] =	stream.indirect_vreg.gather [hbm4b:s5+s2], $0x80, v3, vm1, $0xb8;
	[tilespmem:$0x18200] =	vst v63  }
0x6d: {  	v3 =	vld [tilespmem:$0x30];
	_ =	sdelay $0x4  }
0x6e: {  	v51 =	vshrl.u32 v3, $0x3  }
0x6f: {  	v4 =	vmul.u32 $0x18, v51  }
0x70: {  	v3 =	vand.u32 $0x7, v3  }
0x71: {  	v3 =	vor.u32 v3, v4  }
0x72: {  	v4 =	vperm.xlane v3, v0;
	_ =	sdelay $0x1  }
0x73: {  	v4 =	vadd.s32 v1, v4;
	_ =	sdelay $0x1  }
0x74: {  	v3 =	vperm.xlane v3, v2;
	_ =	sdelay $0x1  }
0x75: {  	s0 =	rddreg [dreg:$0x12];
	v3 =	vadd.s32 v1, v3  }
0x76: {  	[tilespmem:s0], [sflag:$0x1] =	stream.indirect_vreg.gather [hbm4b:s4+s2], $0x80, v4, vm0, $0xb8;
	[tilespmem:$0x18200] =	vst v63  }
0x77: {  	s13 =	rddreg [dreg:$0x13]  }
0x78: {  	[tilespmem:s13], [sflag:$0x1] =	stream.indirect_vreg.gather [hbm4b:s5+s2], $0x80, v4, vm1, $0xb8;
	[tilespmem:$0x18200] =	vst v63  }
0x79: {  	s0 =	rddreg [dreg:$0x14]  }
0x7a: {  	[tilespmem:s0], [sflag:$0x1] =	stream.indirect_vreg.gather [hbm4b:s4+s2], $0x80, v3, vm0, $0xb8;
	[tilespmem:$0x18200] =	vst v63  }
0x7b: {  	s13 =	rddreg [dreg:$0x15]  }
0x7c: {  	[tilespmem:s13], [sflag:$0x1] =	stream.indirect_vreg.gather [hbm4b:s5+s2], $0x80, v3, vm1, $0xb8;
	[tilespmem:$0x18200] =	vst v63  }
0x7d: {  	v3 =	vld [tilespmem:$0x80];
	_ =	sdelay $0x4  }
0x7e: {  	v52 =	vshrl.u32 v3, $0x3  }
0x7f: {  	v4 =	vmul.u32 $0x18, v52  }
0x80: {  	v3 =	vand.u32 $0x7, v3  }
0x81: {  	v3 =	vor.u32 v3, v4  }
0x82: {  	v4 =	vperm.xlane v3, v0;
	_ =	sdelay $0x1  }
0x83: {  	v4 =	vadd.s32 v1, v4;
	_ =	sdelay $0x1  }
0x84: {  	v3 =	vperm.xlane v3, v2;
	_ =	sdelay $0x1  }
0x85: {  	v3 =	vadd.s32 v1, v3  }
0x86: {  	[tilespmem:s9], [sflag:$0x2] =	stream.indirect_vreg.gather [hbm4b:s4+s2], $0x80, v4, vm0, $0xb8;
	[tilespmem:$0x18200] =	vst v63  }
0x87: {  	s0 =	rddreg [dreg:$0x16]  }
0x88: {  	[tilespmem:s0], [sflag:$0x2] =	stream.indirect_vreg.gather [hbm4b:s5+s2], $0x80, v4, vm1, $0xb8;
	[tilespmem:$0x18200] =	vst v63  }
0x89: {  	s13 =	rddreg [dreg:$0x17]  }
0x8a: {  	[tilespmem:s13], [sflag:$0x2] =	stream.indirect_vreg.gather [hbm4b:s4+s2], $0x80, v3, vm0, $0xb8;
	[tilespmem:$0x18200] =	vst v63  }
0x8b: {  	s0 =	rddreg [dreg:$0x18]  }
0x8c: {  	[tilespmem:s0], [sflag:$0x2] =	stream.indirect_vreg.gather [hbm4b:s5+s2], $0x80, v3, vm1, $0xb8;
	[tilespmem:$0x18200] =	vst v63  }
0x8d: {  	v3 =	vld [tilespmem:$0x90];
	_ =	sdelay $0x4  }
0x8e: {  	v53 =	vshrl.u32 v3, $0x3  }
0x8f: {  	v4 =	vmul.u32 $0x18, v53  }
0x90: {  	v3 =	vand.u32 $0x7, v3  }
0x91: {  	v3 =	vor.u32 v3, v4  }
0x92: {  	v4 =	vperm.xlane v3, v0;
	_ =	sdelay $0x1  }
0x93: {  	v4 =	vadd.s32 v1, v4;
	_ =	sdelay $0x1  }
0x94: {  	v3 =	vperm.xlane v3, v2;
	_ =	sdelay $0x1  }
0x95: {  	s0 =	rddreg [dreg:$0x19];
	v3 =	vadd.s32 v1, v3  }
0x96: {  	[tilespmem:s0], [sflag:$0x2] =	stream.indirect_vreg.gather [hbm4b:s4+s2], $0x80, v4, vm0, $0xb8;
	[tilespmem:$0x18200] =	vst v63  }
0x97: {  	s13 =	rddreg [dreg:$0x1a]  }
0x98: {  	[tilespmem:s13], [sflag:$0x2] =	stream.indirect_vreg.gather [hbm4b:s5+s2], $0x80, v4, vm1, $0xb8;
	[tilespmem:$0x18200] =	vst v63  }
0x99: {  	s0 =	rddreg [dreg:$0x1b]  }
0x9a: {  	[tilespmem:s0], [sflag:$0x2] =	stream.indirect_vreg.gather [hbm4b:s4+s2], $0x80, v3, vm0, $0xb8;
	[tilespmem:$0x18200] =	vst v63  }
0x9b: {  	s13 =	rddreg [dreg:$0x1c]  }
0x9c: {  	[tilespmem:s13], [sflag:$0x2] =	stream.indirect_vreg.gather [hbm4b:s5+s2], $0x80, v3, vm1, $0xb8;
	[tilespmem:$0x18200] =	vst v63  }
0x9d: {  	v3 =	vld [tilespmem:$0xA0];
	_ =	sdelay $0x4  }
0x9e: {  	v54 =	vshrl.u32 v3, $0x3  }
0x9f: {  	v4 =	vmul.u32 $0x18, v54  }
0xa0: {  	v3 =	vand.u32 $0x7, v3  }
0xa1: {  	v3 =	vor.u32 v3, v4  }
0xa2: {  	v4 =	vperm.xlane v3, v0;
	_ =	sdelay $0x1  }
0xa3: {  	v4 =	vadd.s32 v1, v4;
	_ =	sdelay $0x1  }
0xa4: {  	v3 =	vperm.xlane v3, v2  }
0xa5: {  	s0 =	rddreg [dreg:$0x1d]  }
0xa6: {  	s13 =	rddreg [dreg:$0x1e];
	v3 =	vadd.s32 v1, v3  }
0xa7: {  	[tilespmem:s0], [sflag:$0x2] =	stream.indirect_vreg.gather [hbm4b:s4+s2], $0x80, v4, vm0, $0xb8;
	[tilespmem:$0x18200] =	vst v63  }
0xa8: {  	s0 =	rddreg [dreg:$0x1f]  }
0xa9: {  	[tilespmem:s13], [sflag:$0x2] =	stream.indirect_vreg.gather [hbm4b:s5+s2], $0x80, v4, vm1, $0xb8;
	[tilespmem:$0x18200] =	vst v63  }
0xaa: {  	s13 =	sld [smem:$0x7E7]  }
0xab: {  	[tilespmem:s0], [sflag:$0x2] =	stream.indirect_vreg.gather [hbm4b:s4+s2], $0x80, v3, vm0, $0xb8;
	[tilespmem:$0x18200] =	vst v63  }
0xac: {  	_ = 	snop  }
0xad: {  	[tilespmem:s13], [sflag:$0x2] =	stream.indirect_vreg.gather [hbm4b:s5+s2], $0x80, v3, vm1, $0xb8;
	[tilespmem:$0x18200] =	vst v63  }
0xae: {  	v3 =	vld [tilespmem:$0xB0];
	_ =	sdelay $0x4  }
0xaf: {  	v55 =	vshrl.u32 v3, $0x3  }
0xb0: {  	v4 =	vmul.u32 $0x18, v55  }
0xb1: {  	v3 =	vand.u32 $0x7, v3  }
0xb2: {  	v3 =	vor.u32 v3, v4  }
0xb3: {  	v4 =	vperm.xlane v3, v0;
	_ =	sdelay $0x1  }
0xb4: {  	v4 =	vadd.s32 v1, v4;
	_ =	sdelay $0x1  }
0xb5: {  	s0 =	sld [smem:$0x7E8];
	v3 =	vperm.xlane v3, v2;
	_ =	sdelay $0x1  }
0xb6: {  	s13 =	sld [smem:$0x7E9];
	v3 =	vadd.s32 v1, v3  }
0xb7: {  	[tilespmem:s0], [sflag:$0x2] =	stream.indirect_vreg.gather [hbm4b:s4+s2], $0x80, v4, vm0, $0xb8;
	[tilespmem:$0x18200] =	vst v63  }
0xb8: {  	s0 =	sld [smem:$0x7EA]  }
0xb9: {  	[tilespmem:s13], [sflag:$0x2] =	stream.indirect_vreg.gather [hbm4b:s5+s2], $0x80, v4, vm1, $0xb8;
	[tilespmem:$0x18200] =	vst v63  }
0xba: {  	s13 =	sld [smem:$0x7EB]  }
0xbb: {  	[tilespmem:s0], [sflag:$0x2] =	stream.indirect_vreg.gather [hbm4b:s4+s2], $0x80, v3, vm0, $0xb8;
	[tilespmem:$0x18200] =	vst v63  }
0xbc: {  	_ = 	snop  }
0xbd: {  	[tilespmem:s13], [sflag:$0x2] =	stream.indirect_vreg.gather [hbm4b:s5+s2], $0x80, v3, vm1, $0xb8;
	[tilespmem:$0x18200] =	vst v63  }
0xbe: {  	v3 =	vld [tilespmem:$0x100];
	_ =	sdelay $0x4  }
0xbf: {  	v56 =	vshrl.u32 v3, $0x3  }
0xc0: {  	v4 =	vmul.u32 $0x18, v56  }
0xc1: {  	v3 =	vand.u32 $0x7, v3  }
0xc2: {  	v3 =	vor.u32 v3, v4  }
0xc3: {  	v4 =	vperm.xlane v3, v0;
	_ =	sdelay $0x1  }
0xc4: {  	v4 =	vadd.s32 v1, v4;
	_ =	sdelay $0x1  }
0xc5: {  	v3 =	vperm.xlane v3, v2;
	_ =	sdelay $0x1  }
0xc6: {  	s0 =	sld [smem:$0x7EC];
	v3 =	vadd.s32 v1, v3  }
0xc7: {  	[tilespmem:s10], [sflag:$0x3] =	stream.indirect_vreg.gather [hbm4b:s4+s2], $0x80, v4, vm0, $0xb8;
	[tilespmem:$0x18200] =	vst v63  }
0xc8: {  	s13 =	sld [smem:$0x7ED]  }
0xc9: {  	[tilespmem:s0], [sflag:$0x3] =	stream.indirect_vreg.gather [hbm4b:s5+s2], $0x80, v4, vm1, $0xb8;
	[tilespmem:$0x18200] =	vst v63  }
0xca: {  	s0 =	sld [smem:$0x7EE]  }
0xcb: {  	[tilespmem:s13], [sflag:$0x3] =	stream.indirect_vreg.gather [hbm4b:s4+s2], $0x80, v3, vm0, $0xb8;
	[tilespmem:$0x18200] =	vst v63  }
0xcc: {  	_ = 	snop  }
0xcd: {  	[tilespmem:s0], [sflag:$0x3] =	stream.indirect_vreg.gather [hbm4b:s5+s2], $0x80, v3, vm1, $0xb8;
	[tilespmem:$0x18200] =	vst v63  }
0xce: {  	v3 =	vld [tilespmem:$0x110];
	_ =	sdelay $0x4  }
0xcf: {  	v57 =	vshrl.u32 v3, $0x3  }
0xd0: {  	v4 =	vmul.u32 $0x18, v57  }
0xd1: {  	v3 =	vand.u32 $0x7, v3  }
0xd2: {  	v3 =	vor.u32 v3, v4  }
0xd3: {  	v4 =	vperm.xlane v3, v0;
	_ =	sdelay $0x1  }
0xd4: {  	v4 =	vadd.s32 v1, v4;
	_ =	sdelay $0x1  }
0xd5: {  	s0 =	sld [smem:$0x7EF];
	v3 =	vperm.xlane v3, v2;
	_ =	sdelay $0x1  }
0xd6: {  	s13 =	sld [smem:$0x7F0];
	v3 =	vadd.s32 v1, v3  }
0xd7: {  	[tilespmem:s0], [sflag:$0x3] =	stream.indirect_vreg.gather [hbm4b:s4+s2], $0x80, v4, vm0, $0xb8;
	[tilespmem:$0x18200] =	vst v63  }
0xd8: {  	s0 =	sld [smem:$0x7F1]  }
0xd9: {  	[tilespmem:s13], [sflag:$0x3] =	stream.indirect_vreg.gather [hbm4b:s5+s2], $0x80, v4, vm1, $0xb8;
	[tilespmem:$0x18200] =	vst v63  }
0xda: {  	s13 =	sld [smem:$0x7F2]  }
0xdb: {  	[tilespmem:s0], [sflag:$0x3] =	stream.indirect_vreg.gather [hbm4b:s4+s2], $0x80, v3, vm0, $0xb8;
	[tilespmem:$0x18200] =	vst v63  }
0xdc: {  	_ = 	snop  }
0xdd: {  	[tilespmem:s13], [sflag:$0x3] =	stream.indirect_vreg.gather [hbm4b:s5+s2], $0x80, v3, vm1, $0xb8;
	[tilespmem:$0x18200] =	vst v63  }
0xde: {  	v3 =	vld [tilespmem:$0x120];
	_ =	sdelay $0x4  }
0xdf: {  	v58 =	vshrl.u32 v3, $0x3  }
0xe0: {  	v4 =	vmul.u32 $0x18, v58  }
0xe1: {  	v3 =	vand.u32 $0x7, v3  }
0xe2: {  	v3 =	vor.u32 v3, v4  }
0xe3: {  	v4 =	vperm.xlane v3, v0;
	_ =	sdelay $0x1  }
0xe4: {  	v4 =	vadd.s32 v1, v4;
	_ =	sdelay $0x1  }
0xe5: {  	s0 =	sld [smem:$0x7F3];
	v3 =	vperm.xlane v3, v2;
	_ =	sdelay $0x1  }
0xe6: {  	s13 =	sld [smem:$0x7F4];
	v3 =	vadd.s32 v1, v3  }
0xe7: {  	[tilespmem:s0], [sflag:$0x3] =	stream.indirect_vreg.gather [hbm4b:s4+s2], $0x80, v4, vm0, $0xb8;
	[tilespmem:$0x18200] =	vst v63  }
0xe8: {  	s0 =	sld [smem:$0x7F5]  }
0xe9: {  	[tilespmem:s13], [sflag:$0x3] =	stream.indirect_vreg.gather [hbm4b:s5+s2], $0x80, v4, vm1, $0xb8;
	[tilespmem:$0x18200] =	vst v63  }
0xea: {  	s13 =	sld [smem:$0x7F6]  }
0xeb: {  	[tilespmem:s0], [sflag:$0x3] =	stream.indirect_vreg.gather [hbm4b:s4+s2], $0x80, v3, vm0, $0xb8;
	[tilespmem:$0x18200] =	vst v63  }
0xec: {  	_ = 	snop  }
0xed: {  	[tilespmem:s13], [sflag:$0x3] =	stream.indirect_vreg.gather [hbm4b:s5+s2], $0x80, v3, vm1, $0xb8;
	[tilespmem:$0x18200] =	vst v63  }
0xee: {  	v3 =	vld [tilespmem:$0x130];
	_ =	sdelay $0x4  }
0xef: {  	v59 =	vshrl.u32 v3, $0x3  }
0xf0: {  	v4 =	vmul.u32 $0x18, v59  }
0xf1: {  	v3 =	vand.u32 $0x7, v3  }
0xf2: {  	v3 =	vor.u32 v3, v4  }
0xf3: {  	v4 =	vperm.xlane v3, v0;
	_ =	sdelay $0x1  }
0xf4: {  	v4 =	vadd.s32 v1, v4;
	_ =	sdelay $0x1  }
0xf5: {  	s0 =	sld [smem:$0x7F7];
	v3 =	vperm.xlane v3, v2;
	_ =	sdelay $0x1  }
0xf6: {  	s13 =	sld [smem:$0x7F8];
	v3 =	vadd.s32 v1, v3  }
0xf7: {  	[tilespmem:s0], [sflag:$0x3] =	stream.indirect_vreg.gather [hbm4b:s4+s2], $0x80, v4, vm0, $0xb8;
	[tilespmem:$0x18200] =	vst v63  }
0xf8: {  	s0 =	sld [smem:$0x7F9]  }
0xf9: {  	[tilespmem:s13], [sflag:$0x3] =	stream.indirect_vreg.gather [hbm4b:s5+s2], $0x80, v4, vm1, $0xb8;
	[tilespmem:$0x18200] =	vst v63  }
0xfa: {  	s13 =	sld [smem:$0x7FA]  }
0xfb: {  	[tilespmem:s0], [sflag:$0x3] =	stream.indirect_vreg.gather [hbm4b:s4+s2], $0x80, v3, vm0, $0xb8;
	[tilespmem:$0x18200] =	vst v63  }
0xfc: {  	_ = 	snop  }
0xfd: {  	[tilespmem:s13], [sflag:$0x3] =	stream.indirect_vreg.gather [hbm4b:s5+s2], $0x80, v3, vm1, $0xb8;
	[tilespmem:$0x18200] =	vst v63  }
0xfe: {  	_ =	swait.ge [sflag:s11], $0x6000  }
0xff: {  	[sflag:s11] =	ssyncset.done $0x0  }
0x100: {  	[sflag:s11] =	ssyncadd.s32 $0xFFFFA000  }
0x101: {  	[hbm4b:s3+s2] =	stream.linear.scatter [tilespmem:s8], [sflag:$0x5], $0x6000, $0x38;
	[tilespmem:$0x18200] =	vst v63  }
0x102: {  	v3 =	vld [tilespmem:$0x180];
	_ =	sdelay $0x4  }
0x103: {  	v60 =	vshrl.u32 v3, $0x3  }
0x104: {  	v4 =	vmul.u32 $0x18, v60  }
0x105: {  	v3 =	vand.u32 $0x7, v3  }
0x106: {  	v3 =	vor.u32 v3, v4  }
0x107: {  	v4 =	vperm.xlane v3, v0;
	_ =	sdelay $0x1  }
0x108: {  	v4 =	vadd.s32 v1, v4;
	_ =	sdelay $0x1  }
0x109: {  	v3 =	vperm.xlane v3, v2;
	_ =	sdelay $0x1  }
0x10a: {  	s0 =	sld [smem:$0x7FB];
	v3 =	vadd.s32 v1, v3  }
0x10b: {  	[tilespmem:s12], [sflag:$0x4] =	stream.indirect_vreg.gather [hbm4b:s4+s2], $0x80, v4, vm0, $0xb8;
	[tilespmem:$0x18200] =	vst v63  }
0x10c: {  	s13 =	sld [smem:$0x7FC]  }
0x10d: {  	[tilespmem:s0], [sflag:$0x4] =	stream.indirect_vreg.gather [hbm4b:s5+s2], $0x80, v4, vm1, $0xb8;
	[tilespmem:$0x18200] =	vst v63  }
0x10e: {  	s0 =	sld [smem:$0x7FD]  }
0x10f: {  	[tilespmem:s13], [sflag:$0x4] =	stream.indirect_vreg.gather [hbm4b:s4+s2], $0x80, v3, vm0, $0xb8;
	[tilespmem:$0x18200] =	vst v63  }
0x110: {  	_ = 	snop  }
0x111: {  	[tilespmem:s0], [sflag:$0x4] =	stream.indirect_vreg.gather [hbm4b:s5+s2], $0x80, v3, vm1, $0xb8;
	[tilespmem:$0x18200] =	vst v63  }
0x112: {  	v3 =	vld [tilespmem:$0x190];
	_ =	sdelay $0x4  }
0x113: {  	v61 =	vshrl.u32 v3, $0x3  }
0x114: {  	v4 =	vmul.u32 $0x18, v61  }
0x115: {  	v3 =	vand.u32 $0x7, v3  }
0x116: {  	v3 =	vor.u32 v3, v4  }
0x117: {  	v4 =	vperm.xlane v3, v0;
	_ =	sdelay $0x1  }
0x118: {  	v4 =	vadd.s32 v1, v4;
	_ =	sdelay $0x1  }
0x119: {  	v3 =	vperm.xlane v3, v2;
	_ =	sdelay $0x1  }
0x11a: {  	s13 =	simm.s32 $0x13A00;
	v3 =	vadd.s32 v1, v3  }
0x11b: {  	[tilespmem:s13], [sflag:$0x4] =	stream.indirect_vreg.gather [hbm4b:s4+s2], $0x80, v4, vm0, $0xb8;
	[tilespmem:$0x18200] =	vst v63  }
0x11c: {  	_ = 	snop  }
0x11d: {  	[tilespmem:s14], [sflag:$0x4] =	stream.indirect_vreg.gather [hbm4b:s5+s2], $0x80, v4, vm1, $0xb8;
	[tilespmem:$0x18200] =	vst v63  }
0x11e: {  	_ = 	snop  }
0x11f: {  	[tilespmem:s15], [sflag:$0x4] =	stream.indirect_vreg.gather [hbm4b:s4+s2], $0x80, v3, vm0, $0xb8;
	[tilespmem:$0x18200] =	vst v63  }
0x120: {  	_ = 	snop  }
0x121: {  	[tilespmem:s16], [sflag:$0x4] =	stream.indirect_vreg.gather [hbm4b:s5+s2], $0x80, v3, vm1, $0xb8;
	[tilespmem:$0x18200] =	vst v63  }
0x122: {  	v3 =	vld [tilespmem:$0x1A0];
	_ =	sdelay $0x4  }
0x123: {  	v62 =	vshrl.u32 v3, $0x3  }
0x124: {  	v4 =	vmul.u32 $0x18, v62  }
0x125: {  	v3 =	vand.u32 $0x7, v3  }
0x126: {  	v3 =	vor.u32 v3, v4  }
0x127: {  	v4 =	vperm.xlane v3, v0;
	_ =	sdelay $0x1  }
0x128: {  	v4 =	vadd.s32 v1, v4;
	_ =	sdelay $0x1  }
0x129: {  	v3 =	vperm.xlane v3, v2;
	_ =	sdelay $0x1  }
0x12a: {  	v3 =	vadd.s32 v1, v3  }
0x12b: {  	[tilespmem:s17], [sflag:$0x4] =	stream.indirect_vreg.gather [hbm4b:s4+s2], $0x80, v4, vm0, $0xb8;
	[tilespmem:$0x18200] =	vst v63  }
0x12c: {  	_ = 	snop  }
0x12d: {  	[tilespmem:s18], [sflag:$0x4] =	stream.indirect_vreg.gather [hbm4b:s5+s2], $0x80, v4, vm1, $0xb8;
	[tilespmem:$0x18200] =	vst v63  }
0x12e: {  	_ = 	snop  }
0x12f: {  	[tilespmem:s19], [sflag:$0x4] =	stream.indirect_vreg.gather [hbm4b:s4+s2], $0x80, v3, vm0, $0xb8;
	[tilespmem:$0x18200] =	vst v63  }
0x130: {  	_ = 	snop  }
0x131: {  	[tilespmem:s20], [sflag:$0x4] =	stream.indirect_vreg.gather [hbm4b:s5+s2], $0x80, v3, vm1, $0xb8;
	[tilespmem:$0x18200] =	vst v63  }
0x132: {  	v3 =	vld [tilespmem:$0x1B0];
	_ =	sdelay $0x4  }
0x133: {  	v63 =	vshrl.u32 v3, $0x3  }
0x134: {  	v4 =	vmul.u32 $0x18, v63  }
0x135: {  	v3 =	vand.u32 $0x7, v3  }
0x136: {  	v3 =	vor.u32 v3, v4  }
0x137: {  	v4 =	vperm.xlane v3, v0;
	_ =	sdelay $0x1  }
0x138: {  	v4 =	vadd.s32 v1, v4;
	_ =	sdelay $0x1  }
0x139: {  	v3 =	vperm.xlane v3, v2;
	_ =	sdelay $0x1  }
0x13a: {  	v3 =	vadd.s32 v1, v3  }
0x13b: {  	[tilespmem:s21], [sflag:$0x4] =	stream.indirect_vreg.gather [hbm4b:s4+s2], $0x80, v4, vm0, $0xb8;
	[tilespmem:$0x18200] =	vst v63  }
0x13c: {  	_ = 	snop  }
0x13d: {  	[tilespmem:s22], [sflag:$0x4] =	stream.indirect_vreg.gather [hbm4b:s5+s2], $0x80, v4, vm1, $0xb8;
	[tilespmem:$0x18200] =	vst v63  }
0x13e: {  	_ = 	snop  }
0x13f: {  	[tilespmem:s23], [sflag:$0x4] =	stream.indirect_vreg.gather [hbm4b:s4+s2], $0x80, v3, vm0, $0xb8;
	[tilespmem:$0x18200] =	vst v63  }
0x140: {  	_ = 	snop  }
0x141: {  	[tilespmem:s24], [sflag:$0x4] =	stream.indirect_vreg.gather [hbm4b:s5+s2], $0x80, v3, vm1, $0xb8;
	[tilespmem:$0x18200] =	vst v63  }
0x142: {  	_ =	swait.ge [sflag:s25], $0x6000  }
0x143: {  	[sflag:s25] =	ssyncset.done $0x0  }
0x144: {  	s13 =	rddreg [dreg:$0x4];
	[sflag:s25] =	ssyncadd.s32 $0xFFFFA000  }
0x145: {  	[hbm4b:s13+s2] =	stream.linear.scatter [tilespmem:s9], [sflag:$0x6], $0x6000, $0x38;
	[tilespmem:$0x18200] =	vst v63  }
0x146: {  	_ =	swait.ge [sflag:s26], $0x6000  }
0x147: {  	[sflag:s26] =	ssyncset.done $0x0  }
0x148: {  	s13 =	rddreg [dreg:$0x5];
	[sflag:s26] =	ssyncadd.s32 $0xFFFFA000  }
0x149: {  	[hbm4b:s13+s2] =	stream.linear.scatter [tilespmem:s10], [sflag:$0x7], $0x6000, $0x38;
	[tilespmem:$0x18200] =	vst v63  }
0x14a: {  	_ =	swait.ge [sflag:s28], $0x6000  }
0x14b: {  	[sflag:s28] =	ssyncset.done $0x0  }
0x14c: {  	s13 =	rddreg [dreg:$0x6];
	[sflag:s28] =	ssyncadd.s32 $0xFFFFA000  }
0x14d: {  	[hbm4b:s13+s2] =	stream.linear.scatter [tilespmem:s12], [sflag:$0x8], $0x6000, $0x38;
	[tilespmem:$0x18200] =	vst v63  }
0x14e: {  	_ =	swait.ge [sflag:s29], $0x6000  }
0x14f: {  	[sflag:s29] =	ssyncset.done $0x0  }
0x150: {  	[sflag:s29] =	ssyncadd.s32 $0xFFFFA000  }
0x151: {  	_ =	swait.ge [sflag:s30], $0x6000  }
0x152: {  	[sflag:s30] =	ssyncset.done $0x0  }
0x153: {  	[sflag:s30] =	ssyncadd.s32 $0xFFFFA000  }
0x154: {  	p0 =	sne.s32 s6, $0x1;
	_ =	swait.ge [sflag:s31], $0x6000  }
.Ltmp0:
0x155: {  	[sflag:s31] =	ssyncset.done $0x0;
	(pc) =	sbr.rel @p0 .LBB2_1-.Ltmp0, $4  }
0x156: {  	[sflag:s31] =	ssyncadd.s32 $0xFFFFA000  }
0x157: {  	_ =	swait.ge [sflag:s1], $0x6000  }
0x158: {  	[sflag:s1] =	ssyncset.done $0x0  }
0x159: {  	s6 =	sadd.s32 $0xFFFFFFFF, s6;
	[sflag:s1] =	ssyncadd.s32 $0xFFFFA000  }
0x15a: {  	_ =	sfence.sel $0x180000  }
0x15b: {  	[bflag:$0x0] =	sbarrier.arrive $0xFFFF  }
0x15c: {  	_ =	strace $0x9000004A  }
0x15d: {  	s0 =	stileid.u32;
	[bflag:$0x2] =	sbarrier.arrive $0xFFFF  }
0x15e: {  	p0 =	sne.s32 s0, $0x0;
	s0 =	rddreg [dreg:$0x2]  }
0x15f: {  	s0 =	sadd.s32 @!p0 $0x100000, s0  }
0x160: {  	[sflag:s0] =	ssyncadd.tile.s32 @!p0 $0x1;
	_ =	shalt  }
.Lfunc_end2:
_tile_overlayer_lowered:
.L_overlay_start_2:
0x161: {  	(tag) =	ssettag $0x2  }
0x162: {  	s0 =	rddreg [dreg:$0x0];
	s2 =	stileid.u32  }
0x163: {  	s1 =	rddreg [dreg:$0x1];
	p0 =	sne.s32 s2, $0x0  }
0x164: {  	s3 =	rddreg [dreg:$0x2];
	[bflag:$0x3] =	sbarrier.arrive $0xFFFF;
	s2 =	simm.s32 @!p0 $0x1C09  }
0x165: {  	[timem:s3], [sflag:s2] =	dma.local @!p0 [hbm:s0], s1  }
0x166: {  	s0 =	simm.s32 @!p0 $0x9  }
0x167: {  	_ =	swait.ge @!p0 [sflag:s0], s1  }
0x168: {  	s1 =	ssub.s32 @!p0 $0x0, s1;
	[sflag:s0] =	ssyncset.done @!p0 $0x0  }
0x169: {  	[sflag:s0] =	ssyncadd.s32 @!p0 s1  }
0x16a: {  	[bflag:$0x3] =	sbarrier.arrive $0xFFFF  }
0x16b: {  	_ =	shalt  }

// kernel: kernel.15.cloned.1.call-start
scs
__scs_entry_jumppad:
0x0: {  	(pc) =	sbr.rel $0x88, $3  }
0x1: {  	(tag) =	ssettag $0x0;
	lr =	simm.s32 $0x1  }
0x2: {  	[smem:$0x3F9D] =	sst lr;
	_ =	strace $0xD0000000  }
0x3: {  	_ = 	snop  }
0x4: {  	_ = 	snop  }
0x5: {  	_ = 	snop  }
0x6: {  	_ = 	snop  }
0x7: {  	_ = 	snop  }
__scs_overlays_trampoline_lowered:
0x8: {  	[smem:$0x3FAC] =	sst s0  }
0x9: {  	[smem:$0x3FAD] =	sst s1  }
0xa: {  	[smem:$0x3FAE] =	sst s2  }
0xb: {  	[smem:$0x3FAF] =	sst s3  }
0xc: {  	[smem:$0x3FB0] =	sst s4  }
0xd: {  	[smem:$0x3FB1] =	sst s5  }
0xe: {  	[smem:$0x3FB2] =	sst s6  }
0xf: {  	[smem:$0x3FB3] =	sst s7  }
0x10: {  	[smem:$0x3FB4] =	sst s8  }
0x11: {  	[smem:$0x3FB5] =	sst s9;
	s0 =	simm.s32 @!p0 $0x0  }
0x12: {  	s1 =	sld [smem:$0x3F9B];
	s0 =	simm.s32 @p0 $0x1  }
0x13: {  	[smem:$0x3FB6] =	sst s0;
	s0 =	simm.s32 @!p1 $0x0  }
0x14: {  	s2 =	sld [smem:$0x3F9A];
	s0 =	simm.s32 @p1 $0x1  }
0x15: {  	[smem:$0x3FB7] =	sst s0;
	s0 =	simm.s32 @!p2 $0x0  }
0x16: {  	s3 =	sld [smem:$0x3FDB];
	s0 =	simm.s32 @p2 $0x1  }
0x17: {  	s4 =	simm.s32 $0x1BF5;
	[smem:$0x3FB9] =	sst s0  }
0x18: {  	s0 =	sld [smem:$0x3F9C];
	_ =	swait.ge [sflag:s4], $0x0  }
0x19: {  	s7 =	sld [smem:$0x3F9D]  }
0x1a: {  	s8 =	sadd.s32 $0xFFFFE003, lr  }
0x1b: {  	s9 =	sadd.s32 $0xFFFFFEF7, lr;
	s5 =	simm.s32 $0xFFFFFFFF;
	p2 =	slt.u32 s8, $0xFFFFF086  }
0x1c: {  	p1 =	slt.u32 s9, $0xF7A;
	s5 =	simm.s32 @!p2 $0x0  }
0x1d: {  	s5 =	simm.s32 @p1 $0x1;
	p0 =	seq.s32 s7, s2  }
0x1e: {  	s7 =	smul.u32 @!p0 $0xF7A, s2;
	p2 =	seq.s32 @!p0 s5, $0x0  }
0x1f: {  	s9 =	smul.u32 $0xF7A, s1;
	s8 =	simm.s32 @!p0 $0x1BF5;
	p2 =	por !p2, p0  }
0x20: {  	[sflag:s8] =	ssyncset.s32 @!p0 $0xFFFFF086;
	s6 =	sadd.s32 @!p0 s3, s7;
	s7 =	simm.s32 @!p0 $0x108  }
0x21: {  	s3 =	sadd.s32 s3, s9;
	s6 =	sadd.s32 @!p0 $0x88, s6;
	s7 =	simm.s32 @p2 $0x1082  }
0x22: {  	[simem:s7], [sflag:s8] =	dma.local @!p0 [hbm:s6], $0xF7A  }
0x23: {  	s9 =	sor.u32 $0xD0000000, s2;
	s6 =	simm.s32 $0x108;
	_ =	swait.ge @!p0 [sflag:s8], $0x0  }
0x24: {  	s3 =	sadd.s32 $0x88, s3;
	s6 =	simm.s32 @!p1 $0x1082;
	[sflag:s4] =	ssyncset.s32 $0xFFFFF086  }
0x25: {  	[simem:s6], [sflag:s4] =	dma.local [hbm:s3], $0xF7A  }
0x26: {  	[smem:$0x3F9D] =	sst s1;
	(tag) =	ssettag s2;
	_ =	strace s9  }
0x27: {  	s1 =	sld [smem:$0x3FAD]  }
0x28: {  	s2 =	sld [smem:$0x3FAE]  }
0x29: {  	s4 =	sld [smem:$0x3FB0]  }
0x2a: {  	p0 =	seq.s32 s5, $0x0;
	s5 =	sld [smem:$0x3FB1]  }
0x2b: {  	s6 =	sld [smem:$0x3FB2]  }
0x2c: {  	s7 =	sld [smem:$0x3FB3]  }
0x2d: {  	s3 =	simm.s32 $0x108;
	s8 =	sld [smem:$0x3FB4]  }
0x2e: {  	s3 =	simm.s32 @!p0 $0x1082;
	s9 =	sld [smem:$0x3FB5]  }
0x2f: {  	lr =	sadd.s32 s0, s3;
	s0 =	sld [smem:$0x3FAC]  }
0x30: {  	s3 =	sld [smem:$0x3FAF]  }
0x31: {  	[smem:$0x3FB8] =	sst s10  }
0x32: {  	s10 =	sld [smem:$0x3FB6];
	_ =	sdelay $0x3  }
0x33: {  	p0 =	seq.s32 s10, $0x1;
	s10 =	sld [smem:$0x3FB8];
	_ =	sdelay $0x3  }
0x34: {  	[smem:$0x3FB8] =	sst s10  }
0x35: {  	s10 =	sld [smem:$0x3FB7];
	_ =	sdelay $0x3  }
0x36: {  	p1 =	seq.s32 s10, $0x1;
	s10 =	sld [smem:$0x3FB8];
	_ =	sdelay $0x3  }
0x37: {  	[smem:$0x3FB8] =	sst s10  }
0x38: {  	s10 =	sld [smem:$0x3FB9]  }
0x39: {  	_ = 	snop;
	(pc) =	sbr.ind lr, $3  }
0x3a: {  	_ = 	snop  }
0x3b: {  	_ = 	snop  }
0x3c: {  	p2 =	seq.s32 s10, $0x1;
	s10 =	sld [smem:$0x3FB8]  }
0x3d: {  	_ =	shalt  }
0x3e: {  	_ =	shalt  }
0x3f: {  	_ =	shalt  }
0x40: {  	_ =	shalt  }
0x41: {  	_ =	shalt  }
0x42: {  	_ =	shalt  }
0x43: {  	_ =	shalt  }
0x44: {  	_ =	shalt  }
0x45: {  	_ =	shalt  }
0x46: {  	_ =	shalt  }
0x47: {  	_ =	shalt  }
0x48: {  	_ =	shalt  }
0x49: {  	_ =	shalt  }
0x4a: {  	_ =	shalt  }
0x4b: {  	_ =	shalt  }
0x4c: {  	_ =	shalt  }
0x4d: {  	_ =	shalt  }
0x4e: {  	_ =	shalt  }
0x4f: {  	_ =	shalt  }
0x50: {  	_ =	shalt  }
0x51: {  	_ =	shalt  }
0x52: {  	_ =	shalt  }
0x53: {  	_ =	shalt  }
0x54: {  	_ =	shalt  }
0x55: {  	_ =	shalt  }
0x56: {  	_ =	shalt  }
0x57: {  	_ =	shalt  }
0x58: {  	_ =	shalt  }
0x59: {  	_ =	shalt  }
0x5a: {  	_ =	shalt  }
0x5b: {  	_ =	shalt  }
0x5c: {  	_ =	shalt  }
0x5d: {  	_ =	shalt  }
0x5e: {  	_ =	shalt  }
0x5f: {  	_ =	shalt  }
0x60: {  	_ =	shalt  }
0x61: {  	_ =	shalt  }
0x62: {  	_ =	shalt  }
0x63: {  	_ =	shalt  }
0x64: {  	_ =	shalt  }
0x65: {  	_ =	shalt  }
0x66: {  	_ =	shalt  }
0x67: {  	_ =	shalt  }
0x68: {  	_ =	shalt  }
0x69: {  	_ =	shalt  }
0x6a: {  	_ =	shalt  }
0x6b: {  	_ =	shalt  }
0x6c: {  	_ =	shalt  }
0x6d: {  	_ =	shalt  }
0x6e: {  	_ =	shalt  }
0x6f: {  	_ =	shalt  }
0x70: {  	_ =	shalt  }
0x71: {  	_ =	shalt  }
0x72: {  	_ =	shalt  }
0x73: {  	_ =	shalt  }
0x74: {  	_ =	shalt  }
0x75: {  	_ =	shalt  }
0x76: {  	_ =	shalt  }
0x77: {  	_ =	shalt  }
0x78: {  	_ =	shalt  }
0x79: {  	_ =	shalt  }
0x7a: {  	_ =	shalt  }
0x7b: {  	_ =	shalt  }
0x7c: {  	_ =	shalt  }
0x7d: {  	_ =	shalt  }
0x7e: {  	_ =	shalt  }
0x7f: {  	_ =	shalt  }
0x80: {  	_ =	shalt  }
0x81: {  	_ =	shalt  }
0x82: {  	_ =	shalt  }
0x83: {  	_ =	shalt  }
0x84: {  	_ =	shalt  }
0x85: {  	_ =	shalt  }
0x86: {  	_ =	shalt  }
0x87: {  	_ =	shalt  }
.Lfunc_end0:
.L_simem_size_0:
called_computation.2_lowered:
.L_overlay_start_0:
0x88: {  	s2 =	sld [smem:$0x3FD9]  }
0x89: {  	s3 =	sld [smem:$0x3FFE];
	_ =	sdelay $0x1  }
0x8a: {  	s1 =	srdreg.scid  }
0x8b: {  	s0 =	sand.u32 $0x1, s1  }
0x8c: {  	s17 =	sshll.u32 s0, $0xA;
	s2 =	sadd.s32 s3, s2  }
0x8d: {  	s2 =	sadd.s32 s2, s17  }
0x8e: {  	[smem:$0x3FC4] =	sst s2  }
0x8f: {  	_ = 	snop  }
0x90: {  	(tm) =	ssettm $0x1  }
0x91: {  	s18 =	sld [smem:$0x3FFB];
	_ =	sdelay $0x3  }
0x92: {  	_ =	strace s18  }
0x93: {  	s2 =	sld [smem:$0x3FFC];
	_ =	sdelay $0x3  }
0x94: {  	_ =	strace s2  }
0x95: {  	s2 =	sld [smem:$0x3FFD];
	_ =	sdelay $0x3  }
0x96: {  	_ =	strace s2  }
0x97: {  	_ =	strace $0x8FFFFFFF  }
0x98: {  	s19 =	sld [smem:$0x3FDB];
	_ =	sdelay $0x1  }
0x99: {  	s20 =	simm.s32 $_scs_section_size  }
0x9a: {  	s4 =	simm.s32 $_size__tile_overlayer_lowered;
	s5 =	simm.s32 $_tile_overlayer_lowered  }
0x9b: {  	s6 =	simm.s32 $0x1BFF;
	s21 =	sshll.u32 s5, $0x1;
	s3 =	sadd.s32 s20, s19  }
0x9c: {  	s22 =	simm.s32 $0x0;
	s4 =	sshll.u32 s4, $0x1;
	s5 =	sadd.s32 s21, s3  }
0x9d: {  	[timem:s22], [sflag:s6] =	dma.local [hbm:s5], s4  }
0x9e: {  	_ =	swait.ge [sflag:s6], s4  }
0x9f: {  	s4 =	ssub.s32 $0x0, s4;
	[sflag:s6] =	ssyncset.done $0x0  }
0xa0: {  	[sflag:s6] =	ssyncadd.s32 s4;
	_ =	sdelay $0x1  }
0xa1: {  	s23 =	simm.s32 $0x1B8B  }
0xa2: {  	_ =	swait.ge [sflag:s23], $0x1  }
0xa3: {  	[sflag:s23] =	ssyncset.done $0x0  }
0xa4: {  	[sflag:s23] =	ssyncadd.s32 $0xFFFFFFFF  }
0xa5: {  	s4 =	sld [smem:$0x0]  }
0xa6: {  	s5 =	sand.u32 $0xFFFFFFFE, s1  }
0xa7: {  	p0 =	sne.s32 s1, s5  }
0xa8: {  	s5 =	sshll.u32 @p0 s5, $0xE  }
0xa9: {  	s5 =	sadd.s32 @p0 $0x11B8D, s5;
	s6 =	sshll.u32 @p0 s4, $0x11  }
0xaa: {  	s5 =	sor.u32 @p0 s6, s5  }
0xab: {  	[sflag:s5] =	ssyncadd.remote.s32 @p0 $0x1;
	_ =	sdelay $0x1  }
0xac: {  	s5 =	simm.s32 @p0 $0x1B8D  }
0xad: {  	_ =	swait.eq @p0 [sflag:s5], $0x1  }
0xae: {  	[sflag:s5] =	ssyncadd.s32 @p0 $0xFFFFFFFF  }
0xaf: {  	s6 =	sshll.u32 @!p0 s1, $0xE  }
0xb0: {  	s6 =	sor.u32 @!p0 $0x4000, s6;
	s5 =	simm.s32 @!p0 $0x1B8D  }
0xb1: {  	s4 =	sshll.u32 @!p0 s4, $0x11;
	s6 =	sadd.s32 @!p0 $0x11B8D, s6;
	_ =	swait.eq @!p0 [sflag:s5], $0x1  }
0xb2: {  	s4 =	sor.u32 @!p0 s4, s6;
	[sflag:s5] =	ssyncadd.s32 @!p0 $0xFFFFFFFF  }
0xb3: {  	s25 =	simm.s32 $0x1B8E;
	s24 =	sld [smem:$0x3FFE];
	[sflag:s4] =	ssyncadd.remote.s32 @!p0 $0x1  }
0xb4: {  	s26 =	simm.s32 $execute0_lowered;
	[smem:$0x3FD2] =	sst s25  }
0xb5: {  	s5 =	sshll.u32 s26, $0x1;
	_ =	strace $0x8000004C;
	[dreg:$0x1] =	wrdreg $0xFFFFFFFF  }
0xb6: {  	s28 =	simm.s32 $_size_execute0_lowered;
	s3 =	sadd.s32 s3, s5;
	[dreg:$0x0] =	wrdreg $0x0  }
0xb7: {  	s5 =	sshll.u32 s28, $0x1;
	[dreg:$0x2] =	wrdreg s3  }
0xb8: {  	[dreg:$0x3] =	wrdreg s5  }
0xb9: {  	[dreg:$0x4] =	wrdreg $0xC0  }
0xba: {  	_ =	task [dreg:s22], $0x5FFFF  }
0xbb: {  	[dreg:$0x1] =	wrdreg $0xFFFFFFFF  }
0xbc: {  	[dreg:$0x0] =	wrdreg $0x60  }
0xbd: {  	[dreg:$0x2] =	wrdreg s24  }
0xbe: {  	[dreg:$0x3] =	wrdreg $0xA  }
0xbf: {  	_ =	task.clear_ibuf [dreg:s22], $0x4FFFF;
	_ =	strace $0x9000004C  }
0xc0: {  	s29 =	simm.s32 $0xA;
	_ =	strace $0x8000004E  }
0xc1: {  	_ =	swait.ge [sflag:s29], $0x1  }
0xc2: {  	[sflag:s29] =	ssyncadd.s32 $0xFFFFFFFF  }
0xc3: {  	_ =	strace $0x9000004E  }
0xc4: {  	_ =	sfence  }
0xc5: {  	s30 =	sld [smem:$0x0];
	_ =	sdelay $0x2  }
0xc6: {  	s31 =	sshll.u32 s1, $0xD;
	s1 =	sshrl.u32 s1, $0x2  }
0xc7: {  	s4 =	sand.u32 $0x4000, s31;
	s1 =	sadd.s32 s1, s30  }
0xc8: {  	s0 =	sor.u32 s4, s0;
	s1 =	sshll.u32 s1, $0x11  }
0xc9: {  	s0 =	sor.u32 s1, s0  }
0xca: {  	s0 =	sadd.s32 $0x8F2B, s0  }
0xcb: {  	[sflag:s0] =	ssyncadd.remote.s32 $0x1  }
0xcc: {  	_ =	sfence.sel $0xFFFF  }
0xcd: {  	[dreg:$0x0] =	wrdreg $0xFFFFFFFF;
	(pc) =	sbr.abs _section_cstart, $3  }
0xce: {  	[dreg:$0x1] =	wrdreg $0xFFFFFFFF  }
0xcf: {  	_ =	task.clear_ibuf [dreg:s22], $0x2FFFF;
	_ =	strace $0x9FFFFFFF  }
0xd0: {  	(tm) =	ssettm $0x7FFFFFFF  }
0xd1: {  	_ =	shalt  }
tec
execute0_lowered:
.L_overlay_start_1:
0x0: {  	(tag) =	ssettag $0x1  }
0x1: {  	s2 =	srdreg.scid  }
0x2: {  	s1 =	rddreg [dreg:$0x0];
	s5 =	sand.u32 $0x1, s2;
	s2 =	simm.s32 $0x0  }
0x3: {  	s22 =	simm.s32 $0xA00;
	[smem:$0x7FF] =	sst s2  }
0x4: {  	s23 =	simm.s32 $0xE00;
	_ =	strace $0x8000004D;
	[dreg:$0x6] =	wrdreg s22  }
0x5: {  	s24 =	simm.s32 $0x1600;
	[dreg:$0x7] =	wrdreg s23  }
0x6: {  	s0 =	stileid.u32;
	s25 =	simm.s32 $0x1A00;
	[dreg:$0x8] =	wrdreg s24  }
0x7: {  	s26 =	simm.s32 $0x2200;
	s3 =	sshll.u32 s0, $0x1;
	[dreg:$0x9] =	wrdreg s25  }
0x8: {  	s7 =	sshll.u32 s0, $0x7;
	s0 =	simm.s32 $0x2600;
	[dreg:$0xa] =	wrdreg s26  }
0x9: {  	s10 =	simm.s32 $0x4600;
	[dreg:$0xb] =	wrdreg s0  }
0xa: {  	s11 =	simm.s32 $0x4A00;
	[dreg:$0x10] =	wrdreg s10  }
0xb: {  	s12 =	simm.s32 $0x5200;
	[dreg:$0x11] =	wrdreg s11  }
0xc: {  	s13 =	simm.s32 $0x5600;
	[dreg:$0x12] =	wrdreg s12  }
0xd: {  	s14 =	simm.s32 $0x5E00;
	[dreg:$0x13] =	wrdreg s13  }
0xe: {  	s15 =	simm.s32 $0x6A00;
	[dreg:$0x14] =	wrdreg s14  }
0xf: {  	s16 =	simm.s32 $0x6E00;
	[dreg:$0x15] =	wrdreg s15  }
0x10: {  	[dreg:$0x16] =	wrdreg s16;
	s22 =	simm.s32 $0x9200  }
0x11: {  	s23 =	simm.s32 $0x9A00;
	[dreg:$0x1c] =	wrdreg s22  }
0x12: {  	s24 =	simm.s32 $0x9E00;
	[dreg:$0x1d] =	wrdreg s23  }
0x13: {  	s25 =	simm.s32 $0xA600;
	[dreg:$0x1e] =	wrdreg s24  }
0x14: {  	s28 =	simm.s32 $0x4;
	s26 =	simm.s32 $0xAA00;
	[dreg:$0x1f] =	wrdreg s25  }
0x15: {  	s29 =	simm.s32 $0x5;
	s0 =	simm.s32 $0xB200;
	[smem:$0x7E8] =	sst s26  }
0x16: {  	s30 =	simm.s32 $0x6;
	s10 =	simm.s32 $0xD600;
	[smem:$0x7E9] =	sst s0  }
0x17: {  	s31 =	simm.s32 $0x7;
	s11 =	simm.s32 $0xDA00;
	[smem:$0x7EE] =	sst s10  }
0x18: {  	s9 =	sadd.s32 $0x1800, s1;
	s12 =	simm.s32 $0xE200;
	[smem:$0x7EF] =	sst s11  }
0x19: {  	s3 =	sor.u32 s5, s3;
	s13 =	simm.s32 $0xE600;
	[smem:$0x7F0] =	sst s12  }
0x1a: {  	s4 =	sshll.u32 s5, $0x6;
	s14 =	simm.s32 $0xEE00;
	[smem:$0x7F1] =	sst s13  }
0x1b: {  	s5 =	ssub.s32 $0x2, s5;
	s15 =	simm.s32 $0xF200;
	[smem:$0x7F2] =	sst s14  }
0x1c: {  	s4 =	sadd.s32 s4, s1;
	s16 =	simm.s32 $0xFA00;
	[smem:$0x7F3] =	sst s15  }
0x1d: {  	s17 =	sadd.s32 s7, s4;
	s7 =	simm.s32 $0x3200;
	[smem:$0x7F4] =	sst s16  }
0x1e: {  	s6 =	smul.u32 $0x3000, s3;
	s22 =	simm.s32 $0x11600;
	[dreg:$0xd] =	wrdreg s7  }
0x1f: {  	s8 =	smul.u32 $0x18000, s3;
	s23 =	simm.s32 $0x11E00;
	[smem:$0x7F9] =	sst s22  }
0x20: {  	s24 =	simm.s32 $0x12A00;
	s10 =	simm.s32 $0xC200;
	[smem:$0x7FA] =	sst s23  }
0x21: {  	s25 =	simm.s32 $0x12E00;
	s11 =	simm.s32 $0x1;
	[smem:$0x7FB] =	sst s24  }
0x22: {  	s26 =	simm.s32 $0x13600;
	s12 =	simm.s32 $0x12200;
	[smem:$0x7FC] =	sst s25  }
0x23: {  	s14 =	simm.s32 $0x14200;
	s4 =	sadd.s32 $0x1000, s17;
	[smem:$0x7FD] =	sst s26  }
0x24: {  	s18 =	sshrl.u32 s8, $0x3;
	s8 =	simm.s32 $0x3A00;
	[dreg:$0x2] =	wrdreg s4  }
0x25: {  	s15 =	simm.s32 $0x14600;
	s17 =	simm.s32 $0x7600;
	[dreg:$0xe] =	wrdreg s8  }
0x26: {  	s3 =	sadd.s32 s9, s6;
	s7 =	simm.s32 $0xBE00;
	[dreg:$0x17] =	wrdreg s17  }
0x27: {  	s16 =	simm.s32 $0x14E00;
	s19 =	sadd.s32 $0xC00, s3;
	[smem:$0x7EB] =	sst s7  }
0x28: {  	s6 =	sadd.s32 s9, s18;
	s9 =	simm.s32 $0x3E00;
	[dreg:$0x3] =	wrdreg s19  }
0x29: {  	s22 =	simm.s32 $0x17200;
	s18 =	simm.s32 $0x7A00;
	[dreg:$0xf] =	wrdreg s9  }
0x2a: {  	s23 =	simm.s32 $0x17600;
	s8 =	simm.s32 $0xCA00;
	[dreg:$0x18] =	wrdreg s18  }
0x2b: {  	s24 =	simm.s32 $0x17E00;
	s20 =	sadd.s32 $0x1800, s6;
	[smem:$0x7EC] =	sst s8  }
0x2c: {  	s25 =	simm.s32 $0x2;
	s21 =	sadd.s32 $0x2400, s6;
	[dreg:$0x4] =	wrdreg s20  }
0x2d: {  	s26 =	simm.s32 $0x3;
	s6 =	simm.s32 $0x2E00;
	[dreg:$0x5] =	wrdreg s21  }
0x2e: {  	s4 =	sadd.s32 $0xC2800, s1;
	s19 =	simm.s32 $0x8200;
	[dreg:$0xc] =	wrdreg s6  }
0x2f: {  	s17 =	sshrl.u32 s5, $0x1;
	s9 =	simm.s32 $0xCE00;
	[dreg:$0x19] =	wrdreg s19  }
0x30: {  	s18 =	simm.s32 $0xFE00;
	s7 =	ssub.s32 s5, s17;
	[smem:$0x7ED] =	sst s9  }
0x31: {  	s5 =	sadd.s32 $0xC2900, s1;
	s20 =	simm.s32 $0x8600;
	[smem:$0x7F5] =	sst s18  }
0x32: {  	s8 =	simm.s32 $0x200;
	s21 =	simm.s32 $0x8E00;
	[dreg:$0x1a] =	wrdreg s20  }
0x33: {  	s17 =	simm.s32 $0x15200;
	s6 =	simm.s32 $0xB600;
	[dreg:$0x1b] =	wrdreg s21  }
0x34: {  	s1 =	simm.s32 $0x8;
	s19 =	simm.s32 $0x10600;
	[smem:$0x7EA] =	sst s6  }
0x35: {  	s9 =	simm.s32 $0x6200;
	s18 =	simm.s32 $0x15A00;
	[smem:$0x7F6] =	sst s19  }
0x36: {  	v2 =	vlaneseq.u32;
	s20 =	simm.s32 $0x10A00;
	s6 =	smax.u32 s7, $0x1;
	s21 =	simm.s32 $0x11200  }
0x37: {  	vm0 =	vmmov $0xffff;
	vm1 =	vmmov $0xff;
	v1 =	vshrl.u32 v2, $0x3;
	s7 =	simm.s32 $0x9;
	s19 =	simm.s32 $0x15E00;
	[smem:$0x7F7] =	sst s20  }
0x38: {  	v0 =	vand.u32 $0x7, v2;
	v2 =	vor.u32 $0x8, v2;
	v1 =	vmul.u32 $0x8, v1;
	[smem:$0x7F8] =	sst s21;
	s20 =	simm.s32 $0x16600;
	s21 =	simm.s32 $0x16A00  }
.LBB2_1:
0x39: {  	s0 =	rddreg [dreg:$0x2]  }
0x3a: {  	[tilespmem:s2], [sflag:$0x9] =	stream.linear.gather [hbm4b:s0+s2], $0x200, $0x38;
	[tilespmem:$0x18200] =	vst v63  }
0x3b: {  	_ =	swait.ge [sflag:s7], $0x200  }
0x3c: {  	[sflag:s7] =	ssyncset.done $0x0  }
0x3d: {  	[sflag:s7] =	ssyncadd.s32 $0xFFFFFE00  }
0x3e: {  	v3 =	vld [tilespmem:$0x0];
	_ =	sdelay $0x4  }
0x3f: {  	v4 =	vshrl.u32 v3, $0x3  }
0x40: {  	v4 =	vmul.u32 $0x18, v4  }
0x41: {  	v3 =	vand.u32 $0x7, v3  }
0x42: {  	v3 =	vor.u32 v3, v4  }
0x43: {  	v4 =	vperm.xlane v3, v0;
	_ =	sdelay $0x1  }
0x44: {  	v4 =	vadd.s32 v1, v4;
	_ =	sdelay $0x1  }
0x45: {  	v3 =	vperm.xlane v3, v2;
	_ =	sdelay $0x1  }
0x46: {  	v3 =	vadd.s32 v1, v3  }
0x47: {  	[tilespmem:s8], [sflag:$0x1] =	stream.indirect_vreg.gather [hbm4b:s4+s2], $0x80, v4, vm0, $0xb8;
	[tilespmem:$0x18200] =	vst v63  }
0x48: {  	s0 =	rddreg [dreg:$0x6]  }
0x49: {  	[tilespmem:s0], [sflag:$0x1] =	stream.indirect_vreg.gather [hbm4b:s5+s2], $0x80, v4, vm1, $0xb8;
	[tilespmem:$0x18200] =	vst v63  }
0x4a: {  	s13 =	rddreg [dreg:$0x7]  }
0x4b: {  	[tilespmem:s13], [sflag:$0x1] =	stream.indirect_vreg.gather [hbm4b:s4+s2], $0x80, v3, vm0, $0xb8;
	[tilespmem:$0x18200] =	vst v63  }
0x4c: {  	s0 =	rddreg [dreg:$0x8]  }
0x4d: {  	[tilespmem:s0], [sflag:$0x1] =	stream.indirect_vreg.gather [hbm4b:s5+s2], $0x80, v3, vm1, $0xb8;
	[tilespmem:$0x18200] =	vst v63  }
0x4e: {  	v3 =	vld [tilespmem:$0x10];
	_ =	sdelay $0x4  }
0x4f: {  	v49 =	vshrl.u32 v3, $0x3  }
0x50: {  	v4 =	vmul.u32 $0x18, v49  }
0x51: {  	v3 =	vand.u32 $0x7, v3  }
0x52: {  	v3 =	vor.u32 v3, v4  }
0x53: {  	v4 =	vperm.xlane v3, v0;
	_ =	sdelay $0x1  }
0x54: {  	v4 =	vadd.s32 v1, v4;
	_ =	sdelay $0x1  }
0x55: {  	v3 =	vperm.xlane v3, v2;
	_ =	sdelay $0x1  }
0x56: {  	s0 =	rddreg [dreg:$0x9];
	v3 =	vadd.s32 v1, v3  }
0x57: {  	[tilespmem:s0], [sflag:$0x1] =	stream.indirect_vreg.gather [hbm4b:s4+s2], $0x80, v4, vm0, $0xb8;
	[tilespmem:$0x18200] =	vst v63  }
0x58: {  	s13 =	rddreg [dreg:$0xa]  }
0x59: {  	[tilespmem:s13], [sflag:$0x1] =	stream.indirect_vreg.gather [hbm4b:s5+s2], $0x80, v4, vm1, $0xb8;
	[tilespmem:$0x18200] =	vst v63  }
0x5a: {  	s0 =	rddreg [dreg:$0xb]  }
0x5b: {  	[tilespmem:s0], [sflag:$0x1] =	stream.indirect_vreg.gather [hbm4b:s4+s2], $0x80, v3, vm0, $0xb8;
	[tilespmem:$0x18200] =	vst v63  }
0x5c: {  	s13 =	rddreg [dreg:$0xc]  }
0x5d: {  	[tilespmem:s13], [sflag:$0x1] =	stream.indirect_vreg.gather [hbm4b:s5+s2], $0x80, v3, vm1, $0xb8;
	[tilespmem:$0x18200] =	vst v63  }
0x5e: {  	v3 =	vld [tilespmem:$0x20];
	_ =	sdelay $0x4  }
0x5f: {  	v50 =	vshrl.u32 v3, $0x3  }
0x60: {  	v4 =	vmul.u32 $0x18, v50  }
0x61: {  	v3 =	vand.u32 $0x7, v3  }
0x62: {  	v3 =	vor.u32 v3, v4  }
0x63: {  	v4 =	vperm.xlane v3, v0;
	_ =	sdelay $0x1  }
0x64: {  	v4 =	vadd.s32 v1, v4;
	_ =	sdelay $0x1  }
0x65: {  	v3 =	vperm.xlane v3, v2;
	_ =	sdelay $0x1  }
0x66: {  	s0 =	rddreg [dreg:$0xd];
	v3 =	vadd.s32 v1, v3  }
0x67: {  	[tilespmem:s0], [sflag:$0x1] =	stream.indirect_vreg.gather [hbm4b:s4+s2], $0x80, v4, vm0, $0xb8;
	[tilespmem:$0x18200] =	vst v63  }
0x68: {  	s13 =	rddreg [dreg:$0xe]  }
0x69: {  	[tilespmem:s13], [sflag:$0x1] =	stream.indirect_vreg.gather [hbm4b:s5+s2], $0x80, v4, vm1, $0xb8;
	[tilespmem:$0x18200] =	vst v63  }
0x6a: {  	s0 =	rddreg [dreg:$0xf]  }
0x6b: {  	[tilespmem:s0], [sflag:$0x1] =	stream.indirect_vreg.gather [hbm4b:s4+s2], $0x80, v3, vm0, $0xb8;
	[tilespmem:$0x18200] =	vst v63  }
0x6c: {  	s13 =	rddreg [dreg:$0x10]  }
0x6d: {  	[tilespmem:s13], [sflag:$0x1] =	stream.indirect_vreg.gather [hbm4b:s5+s2], $0x80, v3, vm1, $0xb8;
	[tilespmem:$0x18200] =	vst v63  }
0x6e: {  	v3 =	vld [tilespmem:$0x30];
	_ =	sdelay $0x4  }
0x6f: {  	v51 =	vshrl.u32 v3, $0x3  }
0x70: {  	v4 =	vmul.u32 $0x18, v51  }
0x71: {  	v3 =	vand.u32 $0x7, v3  }
0x72: {  	v3 =	vor.u32 v3, v4  }
0x73: {  	v4 =	vperm.xlane v3, v0;
	_ =	sdelay $0x1  }
0x74: {  	v4 =	vadd.s32 v1, v4;
	_ =	sdelay $0x1  }
0x75: {  	v3 =	vperm.xlane v3, v2;
	_ =	sdelay $0x1  }
0x76: {  	s0 =	rddreg [dreg:$0x11];
	v3 =	vadd.s32 v1, v3  }
0x77: {  	[tilespmem:s0], [sflag:$0x1] =	stream.indirect_vreg.gather [hbm4b:s4+s2], $0x80, v4, vm0, $0xb8;
	[tilespmem:$0x18200] =	vst v63  }
0x78: {  	s13 =	rddreg [dreg:$0x12]  }
0x79: {  	[tilespmem:s13], [sflag:$0x1] =	stream.indirect_vreg.gather [hbm4b:s5+s2], $0x80, v4, vm1, $0xb8;
	[tilespmem:$0x18200] =	vst v63  }
0x7a: {  	s0 =	rddreg [dreg:$0x13]  }
0x7b: {  	[tilespmem:s0], [sflag:$0x1] =	stream.indirect_vreg.gather [hbm4b:s4+s2], $0x80, v3, vm0, $0xb8;
	[tilespmem:$0x18200] =	vst v63  }
0x7c: {  	s13 =	rddreg [dreg:$0x14]  }
0x7d: {  	[tilespmem:s13], [sflag:$0x1] =	stream.indirect_vreg.gather [hbm4b:s5+s2], $0x80, v3, vm1, $0xb8;
	[tilespmem:$0x18200] =	vst v63  }
0x7e: {  	v3 =	vld [tilespmem:$0x80];
	_ =	sdelay $0x4  }
0x7f: {  	v52 =	vshrl.u32 v3, $0x3  }
0x80: {  	v4 =	vmul.u32 $0x18, v52  }
0x81: {  	v3 =	vand.u32 $0x7, v3  }
0x82: {  	v3 =	vor.u32 v3, v4  }
0x83: {  	v4 =	vperm.xlane v3, v0;
	_ =	sdelay $0x1  }
0x84: {  	v4 =	vadd.s32 v1, v4;
	_ =	sdelay $0x1  }
0x85: {  	v3 =	vperm.xlane v3, v2;
	_ =	sdelay $0x1  }
0x86: {  	v3 =	vadd.s32 v1, v3  }
0x87: {  	[tilespmem:s9], [sflag:$0x2] =	stream.indirect_vreg.gather [hbm4b:s4+s2], $0x80, v4, vm0, $0xb8;
	[tilespmem:$0x18200] =	vst v63  }
0x88: {  	s0 =	rddreg [dreg:$0x15]  }
0x89: {  	[tilespmem:s0], [sflag:$0x2] =	stream.indirect_vreg.gather [hbm4b:s5+s2], $0x80, v4, vm1, $0xb8;
	[tilespmem:$0x18200] =	vst v63  }
0x8a: {  	s13 =	rddreg [dreg:$0x16]  }
0x8b: {  	[tilespmem:s13], [sflag:$0x2] =	stream.indirect_vreg.gather [hbm4b:s4+s2], $0x80, v3, vm0, $0xb8;
	[tilespmem:$0x18200] =	vst v63  }
0x8c: {  	s0 =	rddreg [dreg:$0x17]  }
0x8d: {  	[tilespmem:s0], [sflag:$0x2] =	stream.indirect_vreg.gather [hbm4b:s5+s2], $0x80, v3, vm1, $0xb8;
	[tilespmem:$0x18200] =	vst v63  }
0x8e: {  	v3 =	vld [tilespmem:$0x90];
	_ =	sdelay $0x4  }
0x8f: {  	v53 =	vshrl.u32 v3, $0x3  }
0x90: {  	v4 =	vmul.u32 $0x18, v53  }
0x91: {  	v3 =	vand.u32 $0x7, v3  }
0x92: {  	v3 =	vor.u32 v3, v4  }
0x93: {  	v4 =	vperm.xlane v3, v0;
	_ =	sdelay $0x1  }
0x94: {  	v4 =	vadd.s32 v1, v4;
	_ =	sdelay $0x1  }
0x95: {  	v3 =	vperm.xlane v3, v2;
	_ =	sdelay $0x1  }
0x96: {  	s0 =	rddreg [dreg:$0x18];
	v3 =	vadd.s32 v1, v3  }
0x97: {  	[tilespmem:s0], [sflag:$0x2] =	stream.indirect_vreg.gather [hbm4b:s4+s2], $0x80, v4, vm0, $0xb8;
	[tilespmem:$0x18200] =	vst v63  }
0x98: {  	s13 =	rddreg [dreg:$0x19]  }
0x99: {  	[tilespmem:s13], [sflag:$0x2] =	stream.indirect_vreg.gather [hbm4b:s5+s2], $0x80, v4, vm1, $0xb8;
	[tilespmem:$0x18200] =	vst v63  }
0x9a: {  	s0 =	rddreg [dreg:$0x1a]  }
0x9b: {  	[tilespmem:s0], [sflag:$0x2] =	stream.indirect_vreg.gather [hbm4b:s4+s2], $0x80, v3, vm0, $0xb8;
	[tilespmem:$0x18200] =	vst v63  }
0x9c: {  	s13 =	rddreg [dreg:$0x1b]  }
0x9d: {  	[tilespmem:s13], [sflag:$0x2] =	stream.indirect_vreg.gather [hbm4b:s5+s2], $0x80, v3, vm1, $0xb8;
	[tilespmem:$0x18200] =	vst v63  }
0x9e: {  	v3 =	vld [tilespmem:$0xA0];
	_ =	sdelay $0x4  }
0x9f: {  	v54 =	vshrl.u32 v3, $0x3  }
0xa0: {  	v4 =	vmul.u32 $0x18, v54  }
0xa1: {  	v3 =	vand.u32 $0x7, v3  }
0xa2: {  	v3 =	vor.u32 v3, v4  }
0xa3: {  	v4 =	vperm.xlane v3, v0;
	_ =	sdelay $0x1  }
0xa4: {  	v4 =	vadd.s32 v1, v4;
	_ =	sdelay $0x1  }
0xa5: {  	v3 =	vperm.xlane v3, v2;
	_ =	sdelay $0x1  }
0xa6: {  	s0 =	rddreg [dreg:$0x1c];
	v3 =	vadd.s32 v1, v3  }
0xa7: {  	[tilespmem:s0], [sflag:$0x2] =	stream.indirect_vreg.gather [hbm4b:s4+s2], $0x80, v4, vm0, $0xb8;
	[tilespmem:$0x18200] =	vst v63  }
0xa8: {  	s13 =	rddreg [dreg:$0x1d]  }
0xa9: {  	[tilespmem:s13], [sflag:$0x2] =	stream.indirect_vreg.gather [hbm4b:s5+s2], $0x80, v4, vm1, $0xb8;
	[tilespmem:$0x18200] =	vst v63  }
0xaa: {  	s0 =	rddreg [dreg:$0x1e]  }
0xab: {  	[tilespmem:s0], [sflag:$0x2] =	stream.indirect_vreg.gather [hbm4b:s4+s2], $0x80, v3, vm0, $0xb8;
	[tilespmem:$0x18200] =	vst v63  }
0xac: {  	s13 =	rddreg [dreg:$0x1f]  }
0xad: {  	[tilespmem:s13], [sflag:$0x2] =	stream.indirect_vreg.gather [hbm4b:s5+s2], $0x80, v3, vm1, $0xb8;
	[tilespmem:$0x18200] =	vst v63  }
0xae: {  	v3 =	vld [tilespmem:$0xB0];
	_ =	sdelay $0x4  }
0xaf: {  	v55 =	vshrl.u32 v3, $0x3  }
0xb0: {  	v4 =	vmul.u32 $0x18, v55  }
0xb1: {  	v3 =	vand.u32 $0x7, v3  }
0xb2: {  	v3 =	vor.u32 v3, v4  }
0xb3: {  	v4 =	vperm.xlane v3, v0;
	_ =	sdelay $0x1  }
0xb4: {  	v4 =	vadd.s32 v1, v4;
	_ =	sdelay $0x1  }
0xb5: {  	s0 =	sld [smem:$0x7E8];
	v3 =	vperm.xlane v3, v2;
	_ =	sdelay $0x1  }
0xb6: {  	s13 =	sld [smem:$0x7E9];
	v3 =	vadd.s32 v1, v3  }
0xb7: {  	[tilespmem:s0], [sflag:$0x2] =	stream.indirect_vreg.gather [hbm4b:s4+s2], $0x80, v4, vm0, $0xb8;
	[tilespmem:$0x18200] =	vst v63  }
0xb8: {  	s0 =	sld [smem:$0x7EA]  }
0xb9: {  	[tilespmem:s13], [sflag:$0x2] =	stream.indirect_vreg.gather [hbm4b:s5+s2], $0x80, v4, vm1, $0xb8;
	[tilespmem:$0x18200] =	vst v63  }
0xba: {  	s13 =	sld [smem:$0x7EB]  }
0xbb: {  	[tilespmem:s0], [sflag:$0x2] =	stream.indirect_vreg.gather [hbm4b:s4+s2], $0x80, v3, vm0, $0xb8;
	[tilespmem:$0x18200] =	vst v63  }
0xbc: {  	_ = 	snop  }
0xbd: {  	[tilespmem:s13], [sflag:$0x2] =	stream.indirect_vreg.gather [hbm4b:s5+s2], $0x80, v3, vm1, $0xb8;
	[tilespmem:$0x18200] =	vst v63  }
0xbe: {  	v3 =	vld [tilespmem:$0x100];
	_ =	sdelay $0x4  }
0xbf: {  	v56 =	vshrl.u32 v3, $0x3  }
0xc0: {  	v4 =	vmul.u32 $0x18, v56  }
0xc1: {  	v3 =	vand.u32 $0x7, v3  }
0xc2: {  	v3 =	vor.u32 v3, v4  }
0xc3: {  	v4 =	vperm.xlane v3, v0;
	_ =	sdelay $0x1  }
0xc4: {  	v4 =	vadd.s32 v1, v4;
	_ =	sdelay $0x1  }
0xc5: {  	v3 =	vperm.xlane v3, v2;
	_ =	sdelay $0x1  }
0xc6: {  	s0 =	sld [smem:$0x7EC];
	v3 =	vadd.s32 v1, v3  }
0xc7: {  	[tilespmem:s10], [sflag:$0x3] =	stream.indirect_vreg.gather [hbm4b:s4+s2], $0x80, v4, vm0, $0xb8;
	[tilespmem:$0x18200] =	vst v63  }
0xc8: {  	s13 =	sld [smem:$0x7ED]  }
0xc9: {  	[tilespmem:s0], [sflag:$0x3] =	stream.indirect_vreg.gather [hbm4b:s5+s2], $0x80, v4, vm1, $0xb8;
	[tilespmem:$0x18200] =	vst v63  }
0xca: {  	s0 =	sld [smem:$0x7EE]  }
0xcb: {  	[tilespmem:s13], [sflag:$0x3] =	stream.indirect_vreg.gather [hbm4b:s4+s2], $0x80, v3, vm0, $0xb8;
	[tilespmem:$0x18200] =	vst v63  }
0xcc: {  	_ = 	snop  }
0xcd: {  	[tilespmem:s0], [sflag:$0x3] =	stream.indirect_vreg.gather [hbm4b:s5+s2], $0x80, v3, vm1, $0xb8;
	[tilespmem:$0x18200] =	vst v63  }
0xce: {  	v3 =	vld [tilespmem:$0x110];
	_ =	sdelay $0x4  }
0xcf: {  	v57 =	vshrl.u32 v3, $0x3  }
0xd0: {  	v4 =	vmul.u32 $0x18, v57  }
0xd1: {  	v3 =	vand.u32 $0x7, v3  }
0xd2: {  	v3 =	vor.u32 v3, v4  }
0xd3: {  	v4 =	vperm.xlane v3, v0;
	_ =	sdelay $0x1  }
0xd4: {  	v4 =	vadd.s32 v1, v4;
	_ =	sdelay $0x1  }
0xd5: {  	s0 =	sld [smem:$0x7EF];
	v3 =	vperm.xlane v3, v2;
	_ =	sdelay $0x1  }
0xd6: {  	s13 =	sld [smem:$0x7F0];
	v3 =	vadd.s32 v1, v3  }
0xd7: {  	[tilespmem:s0], [sflag:$0x3] =	stream.indirect_vreg.gather [hbm4b:s4+s2], $0x80, v4, vm0, $0xb8;
	[tilespmem:$0x18200] =	vst v63  }
0xd8: {  	s0 =	sld [smem:$0x7F1]  }
0xd9: {  	[tilespmem:s13], [sflag:$0x3] =	stream.indirect_vreg.gather [hbm4b:s5+s2], $0x80, v4, vm1, $0xb8;
	[tilespmem:$0x18200] =	vst v63  }
0xda: {  	s13 =	sld [smem:$0x7F2]  }
0xdb: {  	[tilespmem:s0], [sflag:$0x3] =	stream.indirect_vreg.gather [hbm4b:s4+s2], $0x80, v3, vm0, $0xb8;
	[tilespmem:$0x18200] =	vst v63  }
0xdc: {  	_ = 	snop  }
0xdd: {  	[tilespmem:s13], [sflag:$0x3] =	stream.indirect_vreg.gather [hbm4b:s5+s2], $0x80, v3, vm1, $0xb8;
	[tilespmem:$0x18200] =	vst v63  }
0xde: {  	v3 =	vld [tilespmem:$0x120];
	_ =	sdelay $0x4  }
0xdf: {  	v58 =	vshrl.u32 v3, $0x3  }
0xe0: {  	v4 =	vmul.u32 $0x18, v58  }
0xe1: {  	v3 =	vand.u32 $0x7, v3  }
0xe2: {  	v3 =	vor.u32 v3, v4  }
0xe3: {  	v4 =	vperm.xlane v3, v0;
	_ =	sdelay $0x1  }
0xe4: {  	v4 =	vadd.s32 v1, v4;
	_ =	sdelay $0x1  }
0xe5: {  	s0 =	sld [smem:$0x7F3];
	v3 =	vperm.xlane v3, v2;
	_ =	sdelay $0x1  }
0xe6: {  	s13 =	sld [smem:$0x7F4];
	v3 =	vadd.s32 v1, v3  }
0xe7: {  	[tilespmem:s0], [sflag:$0x3] =	stream.indirect_vreg.gather [hbm4b:s4+s2], $0x80, v4, vm0, $0xb8;
	[tilespmem:$0x18200] =	vst v63  }
0xe8: {  	s0 =	sld [smem:$0x7F5]  }
0xe9: {  	[tilespmem:s13], [sflag:$0x3] =	stream.indirect_vreg.gather [hbm4b:s5+s2], $0x80, v4, vm1, $0xb8;
	[tilespmem:$0x18200] =	vst v63  }
0xea: {  	s13 =	sld [smem:$0x7F6]  }
0xeb: {  	[tilespmem:s0], [sflag:$0x3] =	stream.indirect_vreg.gather [hbm4b:s4+s2], $0x80, v3, vm0, $0xb8;
	[tilespmem:$0x18200] =	vst v63  }
0xec: {  	_ = 	snop  }
0xed: {  	[tilespmem:s13], [sflag:$0x3] =	stream.indirect_vreg.gather [hbm4b:s5+s2], $0x80, v3, vm1, $0xb8;
	[tilespmem:$0x18200] =	vst v63  }
0xee: {  	v3 =	vld [tilespmem:$0x130];
	_ =	sdelay $0x4  }
0xef: {  	v59 =	vshrl.u32 v3, $0x3  }
0xf0: {  	v4 =	vmul.u32 $0x18, v59  }
0xf1: {  	v3 =	vand.u32 $0x7, v3  }
0xf2: {  	v3 =	vor.u32 v3, v4  }
0xf3: {  	v4 =	vperm.xlane v3, v0;
	_ =	sdelay $0x1  }
0xf4: {  	v4 =	vadd.s32 v1, v4;
	_ =	sdelay $0x1  }
0xf5: {  	s0 =	sld [smem:$0x7F7];
	v3 =	vperm.xlane v3, v2;
	_ =	sdelay $0x1  }
0xf6: {  	s13 =	sld [smem:$0x7F8];
	v3 =	vadd.s32 v1, v3  }
0xf7: {  	[tilespmem:s0], [sflag:$0x3] =	stream.indirect_vreg.gather [hbm4b:s4+s2], $0x80, v4, vm0, $0xb8;
	[tilespmem:$0x18200] =	vst v63  }
0xf8: {  	s0 =	sld [smem:$0x7F9]  }
0xf9: {  	[tilespmem:s13], [sflag:$0x3] =	stream.indirect_vreg.gather [hbm4b:s5+s2], $0x80, v4, vm1, $0xb8;
	[tilespmem:$0x18200] =	vst v63  }
0xfa: {  	s13 =	sld [smem:$0x7FA]  }
0xfb: {  	[tilespmem:s0], [sflag:$0x3] =	stream.indirect_vreg.gather [hbm4b:s4+s2], $0x80, v3, vm0, $0xb8;
	[tilespmem:$0x18200] =	vst v63  }
0xfc: {  	_ = 	snop  }
0xfd: {  	[tilespmem:s13], [sflag:$0x3] =	stream.indirect_vreg.gather [hbm4b:s5+s2], $0x80, v3, vm1, $0xb8;
	[tilespmem:$0x18200] =	vst v63  }
0xfe: {  	_ =	swait.ge [sflag:s11], $0x6000  }
0xff: {  	[sflag:s11] =	ssyncset.done $0x0  }
0x100: {  	[sflag:s11] =	ssyncadd.s32 $0xFFFFA000  }
0x101: {  	[hbm4b:s3+s2] =	stream.linear.scatter [tilespmem:s8], [sflag:$0x5], $0x6000, $0x38;
	[tilespmem:$0x18200] =	vst v63  }
0x102: {  	v3 =	vld [tilespmem:$0x180];
	_ =	sdelay $0x4  }
0x103: {  	v60 =	vshrl.u32 v3, $0x3  }
0x104: {  	v4 =	vmul.u32 $0x18, v60  }
0x105: {  	v3 =	vand.u32 $0x7, v3  }
0x106: {  	v3 =	vor.u32 v3, v4  }
0x107: {  	v4 =	vperm.xlane v3, v0;
	_ =	sdelay $0x1  }
0x108: {  	v4 =	vadd.s32 v1, v4;
	_ =	sdelay $0x1  }
0x109: {  	v3 =	vperm.xlane v3, v2;
	_ =	sdelay $0x1  }
0x10a: {  	s0 =	sld [smem:$0x7FB];
	v3 =	vadd.s32 v1, v3  }
0x10b: {  	[tilespmem:s12], [sflag:$0x4] =	stream.indirect_vreg.gather [hbm4b:s4+s2], $0x80, v4, vm0, $0xb8;
	[tilespmem:$0x18200] =	vst v63  }
0x10c: {  	s13 =	sld [smem:$0x7FC]  }
0x10d: {  	[tilespmem:s0], [sflag:$0x4] =	stream.indirect_vreg.gather [hbm4b:s5+s2], $0x80, v4, vm1, $0xb8;
	[tilespmem:$0x18200] =	vst v63  }
0x10e: {  	s0 =	sld [smem:$0x7FD]  }
0x10f: {  	[tilespmem:s13], [sflag:$0x4] =	stream.indirect_vreg.gather [hbm4b:s4+s2], $0x80, v3, vm0, $0xb8;
	[tilespmem:$0x18200] =	vst v63  }
0x110: {  	_ = 	snop  }
0x111: {  	[tilespmem:s0], [sflag:$0x4] =	stream.indirect_vreg.gather [hbm4b:s5+s2], $0x80, v3, vm1, $0xb8;
	[tilespmem:$0x18200] =	vst v63  }
0x112: {  	v3 =	vld [tilespmem:$0x190];
	_ =	sdelay $0x4  }
0x113: {  	v61 =	vshrl.u32 v3, $0x3  }
0x114: {  	v4 =	vmul.u32 $0x18, v61  }
0x115: {  	v3 =	vand.u32 $0x7, v3  }
0x116: {  	v3 =	vor.u32 v3, v4  }
0x117: {  	v4 =	vperm.xlane v3, v0;
	_ =	sdelay $0x1  }
0x118: {  	v4 =	vadd.s32 v1, v4;
	_ =	sdelay $0x1  }
0x119: {  	v3 =	vperm.xlane v3, v2;
	_ =	sdelay $0x1  }
0x11a: {  	s13 =	simm.s32 $0x13A00;
	v3 =	vadd.s32 v1, v3  }
0x11b: {  	[tilespmem:s13], [sflag:$0x4] =	stream.indirect_vreg.gather [hbm4b:s4+s2], $0x80, v4, vm0, $0xb8;
	[tilespmem:$0x18200] =	vst v63  }
0x11c: {  	_ = 	snop  }
0x11d: {  	[tilespmem:s14], [sflag:$0x4] =	stream.indirect_vreg.gather [hbm4b:s5+s2], $0x80, v4, vm1, $0xb8;
	[tilespmem:$0x18200] =	vst v63  }
0x11e: {  	_ = 	snop  }
0x11f: {  	[tilespmem:s15], [sflag:$0x4] =	stream.indirect_vreg.gather [hbm4b:s4+s2], $0x80, v3, vm0, $0xb8;
	[tilespmem:$0x18200] =	vst v63  }
0x120: {  	_ = 	snop  }
0x121: {  	[tilespmem:s16], [sflag:$0x4] =	stream.indirect_vreg.gather [hbm4b:s5+s2], $0x80, v3, vm1, $0xb8;
	[tilespmem:$0x18200] =	vst v63  }
0x122: {  	v3 =	vld [tilespmem:$0x1A0];
	_ =	sdelay $0x4  }
0x123: {  	v62 =	vshrl.u32 v3, $0x3  }
0x124: {  	v4 =	vmul.u32 $0x18, v62  }
0x125: {  	v3 =	vand.u32 $0x7, v3  }
0x126: {  	v3 =	vor.u32 v3, v4  }
0x127: {  	v4 =	vperm.xlane v3, v0;
	_ =	sdelay $0x1  }
0x128: {  	v4 =	vadd.s32 v1, v4;
	_ =	sdelay $0x1  }
0x129: {  	v3 =	vperm.xlane v3, v2;
	_ =	sdelay $0x1  }
0x12a: {  	v3 =	vadd.s32 v1, v3  }
0x12b: {  	[tilespmem:s17], [sflag:$0x4] =	stream.indirect_vreg.gather [hbm4b:s4+s2], $0x80, v4, vm0, $0xb8;
	[tilespmem:$0x18200] =	vst v63  }
0x12c: {  	_ = 	snop  }
0x12d: {  	[tilespmem:s18], [sflag:$0x4] =	stream.indirect_vreg.gather [hbm4b:s5+s2], $0x80, v4, vm1, $0xb8;
	[tilespmem:$0x18200] =	vst v63  }
0x12e: {  	_ = 	snop  }
0x12f: {  	[tilespmem:s19], [sflag:$0x4] =	stream.indirect_vreg.gather [hbm4b:s4+s2], $0x80, v3, vm0, $0xb8;
	[tilespmem:$0x18200] =	vst v63  }
0x130: {  	_ = 	snop  }
0x131: {  	[tilespmem:s20], [sflag:$0x4] =	stream.indirect_vreg.gather [hbm4b:s5+s2], $0x80, v3, vm1, $0xb8;
	[tilespmem:$0x18200] =	vst v63  }
0x132: {  	v3 =	vld [tilespmem:$0x1B0];
	_ =	sdelay $0x4  }
0x133: {  	v63 =	vshrl.u32 v3, $0x3  }
0x134: {  	v4 =	vmul.u32 $0x18, v63  }
0x135: {  	v3 =	vand.u32 $0x7, v3  }
0x136: {  	v3 =	vor.u32 v3, v4  }
0x137: {  	v4 =	vperm.xlane v3, v0;
	_ =	sdelay $0x1  }
0x138: {  	v4 =	vadd.s32 v1, v4;
	_ =	sdelay $0x1  }
0x139: {  	v3 =	vperm.xlane v3, v2;
	_ =	sdelay $0x1  }
0x13a: {  	v3 =	vadd.s32 v1, v3  }
0x13b: {  	[tilespmem:s21], [sflag:$0x4] =	stream.indirect_vreg.gather [hbm4b:s4+s2], $0x80, v4, vm0, $0xb8;
	[tilespmem:$0x18200] =	vst v63  }
0x13c: {  	_ = 	snop  }
0x13d: {  	[tilespmem:s22], [sflag:$0x4] =	stream.indirect_vreg.gather [hbm4b:s5+s2], $0x80, v4, vm1, $0xb8;
	[tilespmem:$0x18200] =	vst v63  }
0x13e: {  	_ = 	snop  }
0x13f: {  	[tilespmem:s23], [sflag:$0x4] =	stream.indirect_vreg.gather [hbm4b:s4+s2], $0x80, v3, vm0, $0xb8;
	[tilespmem:$0x18200] =	vst v63  }
0x140: {  	_ = 	snop  }
0x141: {  	[tilespmem:s24], [sflag:$0x4] =	stream.indirect_vreg.gather [hbm4b:s5+s2], $0x80, v3, vm1, $0xb8;
	[tilespmem:$0x18200] =	vst v63  }
0x142: {  	_ =	swait.ge [sflag:s25], $0x6000  }
0x143: {  	[sflag:s25] =	ssyncset.done $0x0  }
0x144: {  	s13 =	rddreg [dreg:$0x3];
	[sflag:s25] =	ssyncadd.s32 $0xFFFFA000  }
0x145: {  	[hbm4b:s13+s2] =	stream.linear.scatter [tilespmem:s9], [sflag:$0x6], $0x6000, $0x38;
	[tilespmem:$0x18200] =	vst v63  }
0x146: {  	_ =	swait.ge [sflag:s26], $0x6000  }
0x147: {  	[sflag:s26] =	ssyncset.done $0x0  }
0x148: {  	s13 =	rddreg [dreg:$0x4];
	[sflag:s26] =	ssyncadd.s32 $0xFFFFA000  }
0x149: {  	[hbm4b:s13+s2] =	stream.linear.scatter [tilespmem:s10], [sflag:$0x7], $0x6000, $0x38;
	[tilespmem:$0x18200] =	vst v63  }
0x14a: {  	_ =	swait.ge [sflag:s28], $0x6000  }
0x14b: {  	[sflag:s28] =	ssyncset.done $0x0  }
0x14c: {  	s13 =	rddreg [dreg:$0x5];
	[sflag:s28] =	ssyncadd.s32 $0xFFFFA000  }
0x14d: {  	[hbm4b:s13+s2] =	stream.linear.scatter [tilespmem:s12], [sflag:$0x8], $0x6000, $0x38;
	[tilespmem:$0x18200] =	vst v63  }
0x14e: {  	_ =	swait.ge [sflag:s29], $0x6000  }
0x14f: {  	[sflag:s29] =	ssyncset.done $0x0  }
0x150: {  	[sflag:s29] =	ssyncadd.s32 $0xFFFFA000  }
0x151: {  	_ =	swait.ge [sflag:s30], $0x6000  }
0x152: {  	[sflag:s30] =	ssyncset.done $0x0  }
0x153: {  	[sflag:s30] =	ssyncadd.s32 $0xFFFFA000  }
0x154: {  	p0 =	sne.s32 s6, $0x1;
	_ =	swait.ge [sflag:s31], $0x6000  }
.Ltmp0:
0x155: {  	[sflag:s31] =	ssyncset.done $0x0;
	(pc) =	sbr.rel @p0 .LBB2_1-.Ltmp0, $4  }
0x156: {  	[sflag:s31] =	ssyncadd.s32 $0xFFFFA000  }
0x157: {  	_ =	swait.ge [sflag:s1], $0x6000  }
0x158: {  	[sflag:s1] =	ssyncset.done $0x0  }
0x159: {  	s6 =	sadd.s32 $0xFFFFFFFF, s6;
	[sflag:s1] =	ssyncadd.s32 $0xFFFFA000  }
0x15a: {  	_ =	sfence.sel $0x180000  }
0x15b: {  	[bflag:$0x0] =	sbarrier.arrive $0xFFFF  }
0x15c: {  	_ =	strace $0x9000004D  }
0x15d: {  	s0 =	stileid.u32;
	[bflag:$0x2] =	sbarrier.arrive $0xFFFF  }
0x15e: {  	p0 =	sne.s32 s0, $0x0;
	s0 =	rddreg [dreg:$0x1]  }
0x15f: {  	s0 =	sadd.s32 @!p0 $0x100000, s0  }
0x160: {  	[sflag:s0] =	ssyncadd.tile.s32 @!p0 $0x1;
	_ =	shalt  }
.Lfunc_end2:
_tile_overlayer_lowered:
.L_overlay_start_2:
0x161: {  	(tag) =	ssettag $0x2  }
0x162: {  	s0 =	rddreg [dreg:$0x0];
	s2 =	stileid.u32  }
0x163: {  	s1 =	rddreg [dreg:$0x1];
	p0 =	sne.s32 s2, $0x0  }
0x164: {  	s3 =	rddreg [dreg:$0x2];
	[bflag:$0x3] =	sbarrier.arrive $0xFFFF;
	s2 =	simm.s32 @!p0 $0x1C09  }
0x165: {  	[timem:s3], [sflag:s2] =	dma.local @!p0 [hbm:s0], s1  }
0x166: {  	s0 =	simm.s32 @!p0 $0x9  }
0x167: {  	_ =	swait.ge @!p0 [sflag:s0], s1  }
0x168: {  	s1 =	ssub.s32 @!p0 $0x0, s1;
	[sflag:s0] =	ssyncset.done @!p0 $0x0  }
0x169: {  	[sflag:s0] =	ssyncadd.s32 @!p0 s1  }
0x16a: {  	[bflag:$0x3] =	sbarrier.arrive $0xFFFF  }
0x16b: {  	_ =	shalt  }

// kernel: kernel.9.cloned.1.call-start
scs
__scs_entry_jumppad:
0x0: {  	(pc) =	sbr.rel $0x88, $3  }
0x1: {  	(tag) =	ssettag $0x0;
	lr =	simm.s32 $0x1  }
0x2: {  	[smem:$0x3F9D] =	sst lr;
	_ =	strace $0xD0000000  }
0x3: {  	_ = 	snop  }
0x4: {  	_ = 	snop  }
0x5: {  	_ = 	snop  }
0x6: {  	_ = 	snop  }
0x7: {  	_ = 	snop  }
__scs_overlays_trampoline_lowered:
0x8: {  	[smem:$0x3FAC] =	sst s0  }
0x9: {  	[smem:$0x3FAD] =	sst s1  }
0xa: {  	[smem:$0x3FAE] =	sst s2  }
0xb: {  	[smem:$0x3FAF] =	sst s3  }
0xc: {  	[smem:$0x3FB0] =	sst s4  }
0xd: {  	[smem:$0x3FB1] =	sst s5  }
0xe: {  	[smem:$0x3FB2] =	sst s6  }
0xf: {  	[smem:$0x3FB3] =	sst s7  }
0x10: {  	[smem:$0x3FB4] =	sst s8  }
0x11: {  	[smem:$0x3FB5] =	sst s9;
	s0 =	simm.s32 @!p0 $0x0  }
0x12: {  	s1 =	sld [smem:$0x3F9B];
	s0 =	simm.s32 @p0 $0x1  }
0x13: {  	[smem:$0x3FB6] =	sst s0;
	s0 =	simm.s32 @!p1 $0x0  }
0x14: {  	s2 =	sld [smem:$0x3F9A];
	s0 =	simm.s32 @p1 $0x1  }
0x15: {  	[smem:$0x3FB7] =	sst s0;
	s0 =	simm.s32 @!p2 $0x0  }
0x16: {  	s3 =	sld [smem:$0x3FDB];
	s0 =	simm.s32 @p2 $0x1  }
0x17: {  	s4 =	simm.s32 $0x1BF5;
	[smem:$0x3FB9] =	sst s0  }
0x18: {  	s0 =	sld [smem:$0x3F9C];
	_ =	swait.ge [sflag:s4], $0x0  }
0x19: {  	s7 =	sld [smem:$0x3F9D]  }
0x1a: {  	s8 =	sadd.s32 $0xFFFFE003, lr  }
0x1b: {  	s9 =	sadd.s32 $0xFFFFFEF7, lr;
	s5 =	simm.s32 $0xFFFFFFFF;
	p2 =	slt.u32 s8, $0xFFFFF086  }
0x1c: {  	p1 =	slt.u32 s9, $0xF7A;
	s5 =	simm.s32 @!p2 $0x0  }
0x1d: {  	s5 =	simm.s32 @p1 $0x1;
	p0 =	seq.s32 s7, s2  }
0x1e: {  	s7 =	smul.u32 @!p0 $0xF7A, s2;
	p2 =	seq.s32 @!p0 s5, $0x0  }
0x1f: {  	s9 =	smul.u32 $0xF7A, s1;
	s8 =	simm.s32 @!p0 $0x1BF5;
	p2 =	por !p2, p0  }
0x20: {  	[sflag:s8] =	ssyncset.s32 @!p0 $0xFFFFF086;
	s6 =	sadd.s32 @!p0 s3, s7;
	s7 =	simm.s32 @!p0 $0x108  }
0x21: {  	s3 =	sadd.s32 s3, s9;
	s6 =	sadd.s32 @!p0 $0x88, s6;
	s7 =	simm.s32 @p2 $0x1082  }
0x22: {  	[simem:s7], [sflag:s8] =	dma.local @!p0 [hbm:s6], $0xF7A  }
0x23: {  	s9 =	sor.u32 $0xD0000000, s2;
	s6 =	simm.s32 $0x108;
	_ =	swait.ge @!p0 [sflag:s8], $0x0  }
0x24: {  	s3 =	sadd.s32 $0x88, s3;
	s6 =	simm.s32 @!p1 $0x1082;
	[sflag:s4] =	ssyncset.s32 $0xFFFFF086  }
0x25: {  	[simem:s6], [sflag:s4] =	dma.local [hbm:s3], $0xF7A  }
0x26: {  	[smem:$0x3F9D] =	sst s1;
	(tag) =	ssettag s2;
	_ =	strace s9  }
0x27: {  	s1 =	sld [smem:$0x3FAD]  }
0x28: {  	s2 =	sld [smem:$0x3FAE]  }
0x29: {  	s4 =	sld [smem:$0x3FB0]  }
0x2a: {  	p0 =	seq.s32 s5, $0x0;
	s5 =	sld [smem:$0x3FB1]  }
0x2b: {  	s6 =	sld [smem:$0x3FB2]  }
0x2c: {  	s7 =	sld [smem:$0x3FB3]  }
0x2d: {  	s3 =	simm.s32 $0x108;
	s8 =	sld [smem:$0x3FB4]  }
0x2e: {  	s3 =	simm.s32 @!p0 $0x1082;
	s9 =	sld [smem:$0x3FB5]  }
0x2f: {  	lr =	sadd.s32 s0, s3;
	s0 =	sld [smem:$0x3FAC]  }
0x30: {  	s3 =	sld [smem:$0x3FAF]  }
0x31: {  	[smem:$0x3FB8] =	sst s10  }
0x32: {  	s10 =	sld [smem:$0x3FB6];
	_ =	sdelay $0x3  }
0x33: {  	p0 =	seq.s32 s10, $0x1;
	s10 =	sld [smem:$0x3FB8];
	_ =	sdelay $0x3  }
0x34: {  	[smem:$0x3FB8] =	sst s10  }
0x35: {  	s10 =	sld [smem:$0x3FB7];
	_ =	sdelay $0x3  }
0x36: {  	p1 =	seq.s32 s10, $0x1;
	s10 =	sld [smem:$0x3FB8];
	_ =	sdelay $0x3  }
0x37: {  	[smem:$0x3FB8] =	sst s10  }
0x38: {  	s10 =	sld [smem:$0x3FB9]  }
0x39: {  	_ = 	snop;
	(pc) =	sbr.ind lr, $3  }
0x3a: {  	_ = 	snop  }
0x3b: {  	_ = 	snop  }
0x3c: {  	p2 =	seq.s32 s10, $0x1;
	s10 =	sld [smem:$0x3FB8]  }
0x3d: {  	_ =	shalt  }
0x3e: {  	_ =	shalt  }
0x3f: {  	_ =	shalt  }
0x40: {  	_ =	shalt  }
0x41: {  	_ =	shalt  }
0x42: {  	_ =	shalt  }
0x43: {  	_ =	shalt  }
0x44: {  	_ =	shalt  }
0x45: {  	_ =	shalt  }
0x46: {  	_ =	shalt  }
0x47: {  	_ =	shalt  }
0x48: {  	_ =	shalt  }
0x49: {  	_ =	shalt  }
0x4a: {  	_ =	shalt  }
0x4b: {  	_ =	shalt  }
0x4c: {  	_ =	shalt  }
0x4d: {  	_ =	shalt  }
0x4e: {  	_ =	shalt  }
0x4f: {  	_ =	shalt  }
0x50: {  	_ =	shalt  }
0x51: {  	_ =	shalt  }
0x52: {  	_ =	shalt  }
0x53: {  	_ =	shalt  }
0x54: {  	_ =	shalt  }
0x55: {  	_ =	shalt  }
0x56: {  	_ =	shalt  }
0x57: {  	_ =	shalt  }
0x58: {  	_ =	shalt  }
0x59: {  	_ =	shalt  }
0x5a: {  	_ =	shalt  }
0x5b: {  	_ =	shalt  }
0x5c: {  	_ =	shalt  }
0x5d: {  	_ =	shalt  }
0x5e: {  	_ =	shalt  }
0x5f: {  	_ =	shalt  }
0x60: {  	_ =	shalt  }
0x61: {  	_ =	shalt  }
0x62: {  	_ =	shalt  }
0x63: {  	_ =	shalt  }
0x64: {  	_ =	shalt  }
0x65: {  	_ =	shalt  }
0x66: {  	_ =	shalt  }
0x67: {  	_ =	shalt  }
0x68: {  	_ =	shalt  }
0x69: {  	_ =	shalt  }
0x6a: {  	_ =	shalt  }
0x6b: {  	_ =	shalt  }
0x6c: {  	_ =	shalt  }
0x6d: {  	_ =	shalt  }
0x6e: {  	_ =	shalt  }
0x6f: {  	_ =	shalt  }
0x70: {  	_ =	shalt  }
0x71: {  	_ =	shalt  }
0x72: {  	_ =	shalt  }
0x73: {  	_ =	shalt  }
0x74: {  	_ =	shalt  }
0x75: {  	_ =	shalt  }
0x76: {  	_ =	shalt  }
0x77: {  	_ =	shalt  }
0x78: {  	_ =	shalt  }
0x79: {  	_ =	shalt  }
0x7a: {  	_ =	shalt  }
0x7b: {  	_ =	shalt  }
0x7c: {  	_ =	shalt  }
0x7d: {  	_ =	shalt  }
0x7e: {  	_ =	shalt  }
0x7f: {  	_ =	shalt  }
0x80: {  	_ =	shalt  }
0x81: {  	_ =	shalt  }
0x82: {  	_ =	shalt  }
0x83: {  	_ =	shalt  }
0x84: {  	_ =	shalt  }
0x85: {  	_ =	shalt  }
0x86: {  	_ =	shalt  }
0x87: {  	_ =	shalt  }
.Lfunc_end0:
.L_simem_size_0:
called_computation_lowered:
.L_overlay_start_0:
0x88: {  	s2 =	sld [smem:$0x3FD9]  }
0x89: {  	s3 =	sld [smem:$0x3FFE];
	_ =	sdelay $0x1  }
0x8a: {  	s1 =	srdreg.scid  }
0x8b: {  	s0 =	sand.u32 $0x1, s1  }
0x8c: {  	s14 =	sshll.u32 s0, $0xA;
	s2 =	sadd.s32 s3, s2  }
0x8d: {  	s2 =	sadd.s32 s2, s14  }
0x8e: {  	[smem:$0x3FC4] =	sst s2  }
0x8f: {  	_ = 	snop  }
0x90: {  	s2 =	sld [smem:$0x3FD0];
	_ =	sdelay $0x2  }
0x91: {  	s15 =	simm.s32 $0xB;
	s4 =	simm.s32 $0x10  }
0x92: {  	[smem:s4], [sflag:s15] =	dma.local [hbm:s2], $0x1  }
0x93: {  	_ =	swait.eq [sflag:s15], $0x1  }
0x94: {  	[sflag:s15] =	ssyncset.done $0x0  }
0x95: {  	[sflag:s15] =	ssyncadd.s32 $0xFFFFFFFF  }
0x96: {  	s16 =	sld [smem:$0x10];
	(tm) =	ssettm $0x1  }
0x97: {  	s17 =	sld [smem:$0x3FFB];
	_ =	sdelay $0x3  }
0x98: {  	_ =	strace s17  }
0x99: {  	s3 =	sld [smem:$0x3FFC];
	_ =	sdelay $0x3  }
0x9a: {  	_ =	strace s3  }
0x9b: {  	s3 =	sld [smem:$0x3FFD];
	_ =	sdelay $0x3  }
0x9c: {  	_ =	strace s3  }
0x9d: {  	_ =	strace $0x8FFFFFFF  }
0x9e: {  	s18 =	sld [smem:$0x3FDB];
	_ =	sdelay $0x1  }
0x9f: {  	s19 =	simm.s32 $_scs_section_size  }
0xa0: {  	s5 =	simm.s32 $_size__tile_overlayer_lowered;
	s6 =	simm.s32 $_tile_overlayer_lowered  }
0xa1: {  	s22 =	simm.s32 $0x1BFF;
	s21 =	sshll.u32 s6, $0x1;
	s3 =	sadd.s32 s19, s18  }
0xa2: {  	s7 =	simm.s32 $0x0;
	s20 =	sshll.u32 s5, $0x1;
	s5 =	sadd.s32 s21, s3  }
0xa3: {  	[timem:s7], [sflag:s22] =	dma.local [hbm:s5], s20  }
0xa4: {  	_ =	swait.ge [sflag:s22], s20  }
0xa5: {  	s4 =	ssub.s32 $0x0, s20;
	[sflag:s22] =	ssyncset.done $0x0  }
0xa6: {  	[sflag:s22] =	ssyncadd.s32 s4;
	_ =	sdelay $0x1  }
0xa7: {  	s23 =	simm.s32 $0x1B8B  }
0xa8: {  	_ =	swait.ge [sflag:s23], $0x1  }
0xa9: {  	[sflag:s23] =	ssyncset.done $0x0  }
0xaa: {  	s25 =	simm.s32 $0x1B8E;
	s24 =	sld [smem:$0x3FFE];
	[sflag:s23] =	ssyncadd.s32 $0xFFFFFFFF  }
0xab: {  	s26 =	simm.s32 $execute0_lowered;
	[smem:$0x3FD2] =	sst s25  }
0xac: {  	s5 =	sshll.u32 s26, $0x1;
	_ =	strace $0x80000046;
	[dreg:$0x1] =	wrdreg $0xFFFFFFFF  }
0xad: {  	s28 =	simm.s32 $_size_execute0_lowered;
	s3 =	sadd.s32 s3, s5;
	[dreg:$0x0] =	wrdreg $0x0  }
0xae: {  	s5 =	sshll.u32 s28, $0x1;
	[dreg:$0x2] =	wrdreg s3  }
0xaf: {  	[dreg:$0x3] =	wrdreg s5  }
0xb0: {  	[dreg:$0x4] =	wrdreg $0xC0  }
0xb1: {  	_ =	task [dreg:s7], $0x5FFFF  }
0xb2: {  	[dreg:$0x1] =	wrdreg $0xFFFFFFFF  }
0xb3: {  	[dreg:$0x0] =	wrdreg $0x60  }
0xb4: {  	[dreg:$0x2] =	wrdreg s24  }
0xb5: {  	[dreg:$0x3] =	wrdreg s16  }
0xb6: {  	[dreg:$0x4] =	wrdreg $0x9  }
0xb7: {  	_ =	task.clear_ibuf [dreg:s7], $0x5FFFF;
	_ =	strace $0x90000046  }
0xb8: {  	s29 =	simm.s32 $0x9;
	_ =	strace $0x80000048  }
0xb9: {  	_ =	swait.ge [sflag:s29], $0x1  }
0xba: {  	[sflag:s29] =	ssyncadd.s32 $0xFFFFFFFF  }
0xbb: {  	_ =	strace $0x90000048  }
0xbc: {  	_ =	sfence  }
0xbd: {  	s30 =	sld [smem:$0x0];
	_ =	sdelay $0x2  }
0xbe: {  	s31 =	sshll.u32 s1, $0xD;
	s1 =	sshrl.u32 s1, $0x2  }
0xbf: {  	s3 =	sand.u32 $0x4000, s31;
	s1 =	sadd.s32 s1, s30  }
0xc0: {  	s0 =	sor.u32 s3, s0;
	s1 =	sshll.u32 s1, $0x11  }
0xc1: {  	s0 =	sor.u32 s1, s0  }
0xc2: {  	s0 =	sadd.s32 $0x8F2B, s0  }
0xc3: {  	[sflag:s0] =	ssyncadd.remote.s32 $0x1  }
0xc4: {  	_ =	sfence.sel $0xFFFF  }
0xc5: {  	[dreg:$0x0] =	wrdreg $0xFFFFFFFF;
	(pc) =	sbr.abs _section_cstart, $3  }
0xc6: {  	[dreg:$0x1] =	wrdreg $0xFFFFFFFF  }
0xc7: {  	_ =	task.clear_ibuf [dreg:s7], $0x2FFFF;
	_ =	strace $0x9FFFFFFF  }
0xc8: {  	(tm) =	ssettm $0x7FFFFFFF  }
0xc9: {  	_ =	shalt  }
tec
execute0_lowered:
.L_overlay_start_1:
0x0: {  	(tag) =	ssettag $0x1  }
0x1: {  	s0 =	rddreg [dreg:$0x0];
	s1 =	srdreg.scid  }
0x2: {  	s3 =	stileid.u32;
	s2 =	rddreg [dreg:$0x1];
	s28 =	simm.s32 $0xC400  }
0x3: {  	s29 =	simm.s32 $0x1;
	s11 =	simm.s32 $0x12400;
	s31 =	simm.s32 $0x4  }
0x4: {  	s8 =	simm.s32 $0x13C00;
	s12 =	simm.s32 $0x14400;
	s13 =	simm.s32 $0x14800  }
0x5: {  	s14 =	simm.s32 $0x15000;
	s15 =	simm.s32 $0x15400;
	s16 =	simm.s32 $0x15C00  }
0x6: {  	s17 =	simm.s32 $0x16000;
	s1 =	sand.u32 $0x1, s1;
	s4 =	sshll.u32 s3, $0x1  }
0x7: {  	s30 =	simm.s32 $0x17800;
	s3 =	simm.s32 $0x0;
	s4 =	sor.u32 s1, s4  }
0x8: {  	s7 =	sadd.s32 $0x1000, s0;
	[smem:$0x7FF] =	sst s3;
	s6 =	smul.u32 $0x6000, s4  }
0x9: {  	s1 =	ssub.s32 $0x2, s1;
	s5 =	sshll.u32 s4, $0x7;
	s4 =	smul.u32 $0x30000, s4  }
0xa: {  	_ =	strace $0x80000047;
	s23 =	sshrl.u32 s1, $0x1;
	s0 =	sadd.s32 s5, s0  }
0xb: {  	s1 =	ssub.s32 s1, s23;
	s5 =	sadd.s32 $0x100, s2;
	s0 =	sadd.s32 $0xC1000, s0  }
0xc: {  	s23 =	simm.s32 $0x2;
	s18 =	sadd.s32 s7, s6;
	[dreg:$0x3] =	wrdreg s0  }
0xd: {  	s4 =	sshrl.u32 s4, $0x3;
	s19 =	sadd.s32 $0xC00, s18;
	[dreg:$0xb] =	wrdreg s18  }
0xe: {  	s20 =	sadd.s32 $0x1800, s18;
	s4 =	sadd.s32 s7, s4;
	[dreg:$0x4] =	wrdreg s19  }
0xf: {  	s6 =	smax.u32 s1, $0x1;
	[dreg:$0x5] =	wrdreg s20;
	s21 =	sadd.s32 $0x2400, s4  }
0x10: {  	s1 =	simm.s32 $0x5;
	s22 =	sadd.s32 $0x3000, s4;
	[dreg:$0x6] =	wrdreg s21  }
0x11: {  	s7 =	simm.s32 $0x13800;
	s24 =	sadd.s32 $0x3C00, s4;
	[dreg:$0x7] =	wrdreg s22  }
0x12: {  	s18 =	simm.s32 $0x16800;
	s25 =	sadd.s32 $0x4800, s4;
	[dreg:$0x8] =	wrdreg s24  }
0x13: {  	v2 =	vlaneseq.u32;
	s26 =	sadd.s32 $0x5400, s4;
	s19 =	simm.s32 $0x3;
	[dreg:$0x9] =	wrdreg s25  }
0x14: {  	vm0 =	vmmov $0xffff;
	vm1 =	vmmov $0xff;
	v1 =	vshrl.u32 v2, $0x3;
	s4 =	simm.s32 $0x13000;
	s20 =	simm.s32 $0x16C00;
	[dreg:$0xa] =	wrdreg s26  }
0x15: {  	v0 =	vand.u32 $0x7, v2;
	v2 =	vor.u32 $0x8, v2;
	v1 =	vmul.u32 $0x8, v1;
	s21 =	simm.s32 $0x6;
	s24 =	simm.s32 $0x17400;
	s22 =	simm.s32 $0x18000  }
.LBB2_1:
0x16: {  	s25 =	rddreg [dreg:$0x3];
	s0 =	simm.s32 $0x9  }
0x17: {  	[tilespmem:s3], [sflag:$0x9] =	stream.linear.gather [hbm4b:s25+s3], $0x400, $0x38;
	[tilespmem:$0x18400] =	vst v63  }
0x18: {  	_ =	swait.ge [sflag:s0], $0x400  }
0x19: {  	[sflag:s0] =	ssyncset.done $0x0  }
0x1a: {  	s9 =	simm.s32 $0x400;
	s26 =	rddreg [dreg:$0xb];
	[sflag:s0] =	ssyncadd.s32 $0xFFFFFC00  }
0x1b: {  	[tilespmem:s9], [sflag:$0x1] =	stream.linear.gather [hbm4b:s26+s3], $0x6000, $0x38;
	[tilespmem:$0x18400] =	vst v63  }
0x1c: {  	s10 =	simm.s32 $0x6400;
	s25 =	rddreg [dreg:$0x4]  }
0x1d: {  	[tilespmem:s10], [sflag:$0x2] =	stream.linear.gather [hbm4b:s25+s3], $0x6000, $0x38;
	[tilespmem:$0x18400] =	vst v63  }
0x1e: {  	s0 =	rddreg [dreg:$0x5]  }
0x1f: {  	[tilespmem:s28], [sflag:$0x3] =	stream.linear.gather [hbm4b:s0+s3], $0x6000, $0x38;
	[tilespmem:$0x18400] =	vst v63  }
0x20: {  	_ =	swait.ge [sflag:s29], $0x6000  }
0x21: {  	[sflag:s29] =	ssyncset.done $0x0  }
0x22: {  	[sflag:s29] =	ssyncadd.s32 $0xFFFFA000  }
0x23: {  	v3 =	vld [tilespmem:$0x0];
	_ =	sdelay $0x4  }
0x24: {  	v4 =	vshrl.u32 v3, $0x3  }
0x25: {  	v4 =	vmul.u32 $0x18, v4  }
0x26: {  	v3 =	vand.u32 $0x7, v3  }
0x27: {  	v3 =	vor.u32 v3, v4  }
0x28: {  	v4 =	vperm.xlane v3, v0;
	_ =	sdelay $0x1  }
0x29: {  	v4 =	vadd.s32 v1, v4;
	_ =	sdelay $0x1  }
0x2a: {  	v3 =	vperm.xlane v3, v2;
	_ =	sdelay $0x1  }
0x2b: {  	v3 =	vadd.s32 v1, v3  }
0x2c: {  	[hbm4b:s2+s3] =	stream.indirect_vreg.scatter [tilespmem:s9], [sflag:$0x5], $0x80, v4, vm0, $0xb8;
	[tilespmem:$0x18400] =	vst v63  }
0x2d: {  	s26 =	simm.s32 $0xC00  }
0x2e: {  	[hbm4b:s5+s3] =	stream.indirect_vreg.scatter [tilespmem:s26], [sflag:$0x5], $0x80, v4, vm1, $0xb8;
	[tilespmem:$0x18400] =	vst v63  }
0x2f: {  	s25 =	simm.s32 $0x1000  }
0x30: {  	[hbm4b:s2+s3] =	stream.indirect_vreg.scatter [tilespmem:s25], [sflag:$0x5], $0x80, v3, vm0, $0xb8;
	[tilespmem:$0x18400] =	vst v63  }
0x31: {  	s26 =	simm.s32 $0x1800  }
0x32: {  	[hbm4b:s5+s3] =	stream.indirect_vreg.scatter [tilespmem:s26], [sflag:$0x5], $0x80, v3, vm1, $0xb8;
	[tilespmem:$0x18400] =	vst v63  }
0x33: {  	v3 =	vld [tilespmem:$0x10];
	_ =	sdelay $0x4  }
0x34: {  	v33 =	vshrl.u32 v3, $0x3  }
0x35: {  	v4 =	vmul.u32 $0x18, v33  }
0x36: {  	v3 =	vand.u32 $0x7, v3  }
0x37: {  	v3 =	vor.u32 v3, v4  }
0x38: {  	v4 =	vperm.xlane v3, v0;
	_ =	sdelay $0x1  }
0x39: {  	v4 =	vadd.s32 v1, v4;
	_ =	sdelay $0x1  }
0x3a: {  	v3 =	vperm.xlane v3, v2;
	_ =	sdelay $0x1  }
0x3b: {  	s25 =	simm.s32 $0x1C00;
	v3 =	vadd.s32 v1, v3  }
0x3c: {  	[hbm4b:s2+s3] =	stream.indirect_vreg.scatter [tilespmem:s25], [sflag:$0x5], $0x80, v4, vm0, $0xb8;
	[tilespmem:$0x18400] =	vst v63  }
0x3d: {  	s26 =	simm.s32 $0x2400  }
0x3e: {  	[hbm4b:s5+s3] =	stream.indirect_vreg.scatter [tilespmem:s26], [sflag:$0x5], $0x80, v4, vm1, $0xb8;
	[tilespmem:$0x18400] =	vst v63  }
0x3f: {  	s25 =	simm.s32 $0x2800  }
0x40: {  	[hbm4b:s2+s3] =	stream.indirect_vreg.scatter [tilespmem:s25], [sflag:$0x5], $0x80, v3, vm0, $0xb8;
	[tilespmem:$0x18400] =	vst v63  }
0x41: {  	s26 =	simm.s32 $0x3000  }
0x42: {  	[hbm4b:s5+s3] =	stream.indirect_vreg.scatter [tilespmem:s26], [sflag:$0x5], $0x80, v3, vm1, $0xb8;
	[tilespmem:$0x18400] =	vst v63  }
0x43: {  	v3 =	vld [tilespmem:$0x20];
	_ =	sdelay $0x4  }
0x44: {  	v34 =	vshrl.u32 v3, $0x3  }
0x45: {  	v4 =	vmul.u32 $0x18, v34  }
0x46: {  	v3 =	vand.u32 $0x7, v3  }
0x47: {  	v3 =	vor.u32 v3, v4  }
0x48: {  	v4 =	vperm.xlane v3, v0;
	_ =	sdelay $0x1  }
0x49: {  	v4 =	vadd.s32 v1, v4;
	_ =	sdelay $0x1  }
0x4a: {  	v3 =	vperm.xlane v3, v2;
	_ =	sdelay $0x1  }
0x4b: {  	s25 =	simm.s32 $0x3400;
	v3 =	vadd.s32 v1, v3  }
0x4c: {  	[hbm4b:s2+s3] =	stream.indirect_vreg.scatter [tilespmem:s25], [sflag:$0x5], $0x80, v4, vm0, $0xb8;
	[tilespmem:$0x18400] =	vst v63  }
0x4d: {  	s26 =	simm.s32 $0x3C00  }
0x4e: {  	[hbm4b:s5+s3] =	stream.indirect_vreg.scatter [tilespmem:s26], [sflag:$0x5], $0x80, v4, vm1, $0xb8;
	[tilespmem:$0x18400] =	vst v63  }
0x4f: {  	s25 =	simm.s32 $0x4000  }
0x50: {  	[hbm4b:s2+s3] =	stream.indirect_vreg.scatter [tilespmem:s25], [sflag:$0x5], $0x80, v3, vm0, $0xb8;
	[tilespmem:$0x18400] =	vst v63  }
0x51: {  	s26 =	simm.s32 $0x4800  }
0x52: {  	[hbm4b:s5+s3] =	stream.indirect_vreg.scatter [tilespmem:s26], [sflag:$0x5], $0x80, v3, vm1, $0xb8;
	[tilespmem:$0x18400] =	vst v63  }
0x53: {  	v3 =	vld [tilespmem:$0x30];
	_ =	sdelay $0x4  }
0x54: {  	v35 =	vshrl.u32 v3, $0x3  }
0x55: {  	v4 =	vmul.u32 $0x18, v35  }
0x56: {  	v3 =	vand.u32 $0x7, v3  }
0x57: {  	v3 =	vor.u32 v3, v4  }
0x58: {  	v4 =	vperm.xlane v3, v0;
	_ =	sdelay $0x1  }
0x59: {  	v4 =	vadd.s32 v1, v4;
	_ =	sdelay $0x1  }
0x5a: {  	v3 =	vperm.xlane v3, v2;
	_ =	sdelay $0x1  }
0x5b: {  	s25 =	simm.s32 $0x4C00;
	v3 =	vadd.s32 v1, v3  }
0x5c: {  	[hbm4b:s2+s3] =	stream.indirect_vreg.scatter [tilespmem:s25], [sflag:$0x5], $0x80, v4, vm0, $0xb8;
	[tilespmem:$0x18400] =	vst v63  }
0x5d: {  	s26 =	simm.s32 $0x5400  }
0x5e: {  	[hbm4b:s5+s3] =	stream.indirect_vreg.scatter [tilespmem:s26], [sflag:$0x5], $0x80, v4, vm1, $0xb8;
	[tilespmem:$0x18400] =	vst v63  }
0x5f: {  	s25 =	simm.s32 $0x5800  }
0x60: {  	[hbm4b:s2+s3] =	stream.indirect_vreg.scatter [tilespmem:s25], [sflag:$0x5], $0x80, v3, vm0, $0xb8;
	[tilespmem:$0x18400] =	vst v63  }
0x61: {  	s26 =	simm.s32 $0x6000  }
0x62: {  	[hbm4b:s5+s3] =	stream.indirect_vreg.scatter [tilespmem:s26], [sflag:$0x5], $0x80, v3, vm1, $0xb8;
	[tilespmem:$0x18400] =	vst v63  }
0x63: {  	s25 =	rddreg [dreg:$0x6]  }
0x64: {  	[tilespmem:s11], [sflag:$0x4] =	stream.linear.gather [hbm4b:s25+s3], $0x6000, $0x38;
	[tilespmem:$0x18400] =	vst v63  }
0x65: {  	_ =	swait.ge [sflag:s23], $0x6000  }
0x66: {  	[sflag:s23] =	ssyncset.done $0x0  }
0x67: {  	[sflag:s23] =	ssyncadd.s32 $0xFFFFA000  }
0x68: {  	v3 =	vld [tilespmem:$0x80];
	_ =	sdelay $0x4  }
0x69: {  	v36 =	vshrl.u32 v3, $0x3  }
0x6a: {  	v4 =	vmul.u32 $0x18, v36  }
0x6b: {  	v3 =	vand.u32 $0x7, v3  }
0x6c: {  	v3 =	vor.u32 v3, v4  }
0x6d: {  	v4 =	vperm.xlane v3, v0;
	_ =	sdelay $0x1  }
0x6e: {  	v4 =	vadd.s32 v1, v4;
	_ =	sdelay $0x1  }
0x6f: {  	v3 =	vperm.xlane v3, v2;
	_ =	sdelay $0x1  }
0x70: {  	v3 =	vadd.s32 v1, v3  }
0x71: {  	[hbm4b:s2+s3] =	stream.indirect_vreg.scatter [tilespmem:s10], [sflag:$0x6], $0x80, v4, vm0, $0xb8;
	[tilespmem:$0x18400] =	vst v63  }
0x72: {  	s26 =	simm.s32 $0x6C00  }
0x73: {  	[hbm4b:s5+s3] =	stream.indirect_vreg.scatter [tilespmem:s26], [sflag:$0x6], $0x80, v4, vm1, $0xb8;
	[tilespmem:$0x18400] =	vst v63  }
0x74: {  	s25 =	simm.s32 $0x7000  }
0x75: {  	[hbm4b:s2+s3] =	stream.indirect_vreg.scatter [tilespmem:s25], [sflag:$0x6], $0x80, v3, vm0, $0xb8;
	[tilespmem:$0x18400] =	vst v63  }
0x76: {  	s26 =	simm.s32 $0x7800  }
0x77: {  	[hbm4b:s5+s3] =	stream.indirect_vreg.scatter [tilespmem:s26], [sflag:$0x6], $0x80, v3, vm1, $0xb8;
	[tilespmem:$0x18400] =	vst v63  }
0x78: {  	v3 =	vld [tilespmem:$0x90];
	_ =	sdelay $0x4  }
0x79: {  	v37 =	vshrl.u32 v3, $0x3  }
0x7a: {  	v4 =	vmul.u32 $0x18, v37  }
0x7b: {  	v3 =	vand.u32 $0x7, v3  }
0x7c: {  	v3 =	vor.u32 v3, v4  }
0x7d: {  	v4 =	vperm.xlane v3, v0;
	_ =	sdelay $0x1  }
0x7e: {  	v4 =	vadd.s32 v1, v4;
	_ =	sdelay $0x1  }
0x7f: {  	v3 =	vperm.xlane v3, v2;
	_ =	sdelay $0x1  }
0x80: {  	s25 =	simm.s32 $0x7C00;
	v3 =	vadd.s32 v1, v3  }
0x81: {  	[hbm4b:s2+s3] =	stream.indirect_vreg.scatter [tilespmem:s25], [sflag:$0x6], $0x80, v4, vm0, $0xb8;
	[tilespmem:$0x18400] =	vst v63  }
0x82: {  	s26 =	simm.s32 $0x8400  }
0x83: {  	[hbm4b:s5+s3] =	stream.indirect_vreg.scatter [tilespmem:s26], [sflag:$0x6], $0x80, v4, vm1, $0xb8;
	[tilespmem:$0x18400] =	vst v63  }
0x84: {  	s25 =	simm.s32 $0x8800  }
0x85: {  	[hbm4b:s2+s3] =	stream.indirect_vreg.scatter [tilespmem:s25], [sflag:$0x6], $0x80, v3, vm0, $0xb8;
	[tilespmem:$0x18400] =	vst v63  }
0x86: {  	s26 =	simm.s32 $0x9000  }
0x87: {  	[hbm4b:s5+s3] =	stream.indirect_vreg.scatter [tilespmem:s26], [sflag:$0x6], $0x80, v3, vm1, $0xb8;
	[tilespmem:$0x18400] =	vst v63  }
0x88: {  	v3 =	vld [tilespmem:$0xA0];
	_ =	sdelay $0x4  }
0x89: {  	v38 =	vshrl.u32 v3, $0x3  }
0x8a: {  	v4 =	vmul.u32 $0x18, v38  }
0x8b: {  	v3 =	vand.u32 $0x7, v3  }
0x8c: {  	v3 =	vor.u32 v3, v4  }
0x8d: {  	v4 =	vperm.xlane v3, v0;
	_ =	sdelay $0x1  }
0x8e: {  	v4 =	vadd.s32 v1, v4;
	_ =	sdelay $0x1  }
0x8f: {  	v3 =	vperm.xlane v3, v2;
	_ =	sdelay $0x1  }
0x90: {  	s25 =	simm.s32 $0x9400;
	v3 =	vadd.s32 v1, v3  }
0x91: {  	[hbm4b:s2+s3] =	stream.indirect_vreg.scatter [tilespmem:s25], [sflag:$0x6], $0x80, v4, vm0, $0xb8;
	[tilespmem:$0x18400] =	vst v63  }
0x92: {  	s26 =	simm.s32 $0x9C00  }
0x93: {  	[hbm4b:s5+s3] =	stream.indirect_vreg.scatter [tilespmem:s26], [sflag:$0x6], $0x80, v4, vm1, $0xb8;
	[tilespmem:$0x18400] =	vst v63  }
0x94: {  	s25 =	simm.s32 $0xA000  }
0x95: {  	[hbm4b:s2+s3] =	stream.indirect_vreg.scatter [tilespmem:s25], [sflag:$0x6], $0x80, v3, vm0, $0xb8;
	[tilespmem:$0x18400] =	vst v63  }
0x96: {  	s26 =	simm.s32 $0xA800  }
0x97: {  	[hbm4b:s5+s3] =	stream.indirect_vreg.scatter [tilespmem:s26], [sflag:$0x6], $0x80, v3, vm1, $0xb8;
	[tilespmem:$0x18400] =	vst v63  }
0x98: {  	v3 =	vld [tilespmem:$0xB0];
	_ =	sdelay $0x4  }
0x99: {  	v39 =	vshrl.u32 v3, $0x3  }
0x9a: {  	v4 =	vmul.u32 $0x18, v39  }
0x9b: {  	v3 =	vand.u32 $0x7, v3  }
0x9c: {  	v3 =	vor.u32 v3, v4  }
0x9d: {  	v4 =	vperm.xlane v3, v0;
	_ =	sdelay $0x1  }
0x9e: {  	v4 =	vadd.s32 v1, v4;
	_ =	sdelay $0x1  }
0x9f: {  	v3 =	vperm.xlane v3, v2;
	_ =	sdelay $0x1  }
0xa0: {  	s25 =	simm.s32 $0xAC00;
	v3 =	vadd.s32 v1, v3  }
0xa1: {  	[hbm4b:s2+s3] =	stream.indirect_vreg.scatter [tilespmem:s25], [sflag:$0x6], $0x80, v4, vm0, $0xb8;
	[tilespmem:$0x18400] =	vst v63  }
0xa2: {  	s26 =	simm.s32 $0xB400  }
0xa3: {  	[hbm4b:s5+s3] =	stream.indirect_vreg.scatter [tilespmem:s26], [sflag:$0x6], $0x80, v4, vm1, $0xb8;
	[tilespmem:$0x18400] =	vst v63  }
0xa4: {  	s25 =	simm.s32 $0xB800  }
0xa5: {  	[hbm4b:s2+s3] =	stream.indirect_vreg.scatter [tilespmem:s25], [sflag:$0x6], $0x80, v3, vm0, $0xb8;
	[tilespmem:$0x18400] =	vst v63  }
0xa6: {  	s26 =	simm.s32 $0xC000  }
0xa7: {  	[hbm4b:s5+s3] =	stream.indirect_vreg.scatter [tilespmem:s26], [sflag:$0x6], $0x80, v3, vm1, $0xb8;
	[tilespmem:$0x18400] =	vst v63  }
0xa8: {  	_ =	swait.ge [sflag:s1], $0x6000  }
0xa9: {  	[sflag:s1] =	ssyncset.done $0x0  }
0xaa: {  	s0 =	rddreg [dreg:$0x7];
	[sflag:s1] =	ssyncadd.s32 $0xFFFFA000  }
0xab: {  	[tilespmem:s9], [sflag:$0x1] =	stream.linear.gather [hbm4b:s0+s3], $0x6000, $0x38;
	[tilespmem:$0x18400] =	vst v63  }
0xac: {  	_ =	swait.ge [sflag:s19], $0x6000  }
0xad: {  	[sflag:s19] =	ssyncset.done $0x0  }
0xae: {  	[sflag:s19] =	ssyncadd.s32 $0xFFFFA000  }
0xaf: {  	v3 =	vld [tilespmem:$0x100];
	_ =	sdelay $0x4  }
0xb0: {  	v40 =	vshrl.u32 v3, $0x3  }
0xb1: {  	v4 =	vmul.u32 $0x18, v40  }
0xb2: {  	v3 =	vand.u32 $0x7, v3  }
0xb3: {  	v3 =	vor.u32 v3, v4  }
0xb4: {  	v4 =	vperm.xlane v3, v0;
	_ =	sdelay $0x1  }
0xb5: {  	v4 =	vadd.s32 v1, v4;
	_ =	sdelay $0x1  }
0xb6: {  	v3 =	vperm.xlane v3, v2;
	_ =	sdelay $0x1  }
0xb7: {  	v3 =	vadd.s32 v1, v3  }
0xb8: {  	[hbm4b:s2+s3] =	stream.indirect_vreg.scatter [tilespmem:s28], [sflag:$0x7], $0x80, v4, vm0, $0xb8;
	[tilespmem:$0x18400] =	vst v63  }
0xb9: {  	s26 =	simm.s32 $0xCC00  }
0xba: {  	[hbm4b:s5+s3] =	stream.indirect_vreg.scatter [tilespmem:s26], [sflag:$0x7], $0x80, v4, vm1, $0xb8;
	[tilespmem:$0x18400] =	vst v63  }
0xbb: {  	s25 =	simm.s32 $0xD000  }
0xbc: {  	[hbm4b:s2+s3] =	stream.indirect_vreg.scatter [tilespmem:s25], [sflag:$0x7], $0x80, v3, vm0, $0xb8;
	[tilespmem:$0x18400] =	vst v63  }
0xbd: {  	s26 =	simm.s32 $0xD800  }
0xbe: {  	[hbm4b:s5+s3] =	stream.indirect_vreg.scatter [tilespmem:s26], [sflag:$0x7], $0x80, v3, vm1, $0xb8;
	[tilespmem:$0x18400] =	vst v63  }
0xbf: {  	v3 =	vld [tilespmem:$0x110];
	_ =	sdelay $0x4  }
0xc0: {  	v41 =	vshrl.u32 v3, $0x3  }
0xc1: {  	v4 =	vmul.u32 $0x18, v41  }
0xc2: {  	v3 =	vand.u32 $0x7, v3  }
0xc3: {  	v3 =	vor.u32 v3, v4  }
0xc4: {  	v4 =	vperm.xlane v3, v0;
	_ =	sdelay $0x1  }
0xc5: {  	v4 =	vadd.s32 v1, v4;
	_ =	sdelay $0x1  }
0xc6: {  	v3 =	vperm.xlane v3, v2;
	_ =	sdelay $0x1  }
0xc7: {  	s25 =	simm.s32 $0xDC00;
	v3 =	vadd.s32 v1, v3  }
0xc8: {  	[hbm4b:s2+s3] =	stream.indirect_vreg.scatter [tilespmem:s25], [sflag:$0x7], $0x80, v4, vm0, $0xb8;
	[tilespmem:$0x18400] =	vst v63  }
0xc9: {  	s26 =	simm.s32 $0xE400  }
0xca: {  	[hbm4b:s5+s3] =	stream.indirect_vreg.scatter [tilespmem:s26], [sflag:$0x7], $0x80, v4, vm1, $0xb8;
	[tilespmem:$0x18400] =	vst v63  }
0xcb: {  	s25 =	simm.s32 $0xE800  }
0xcc: {  	[hbm4b:s2+s3] =	stream.indirect_vreg.scatter [tilespmem:s25], [sflag:$0x7], $0x80, v3, vm0, $0xb8;
	[tilespmem:$0x18400] =	vst v63  }
0xcd: {  	s26 =	simm.s32 $0xF000  }
0xce: {  	[hbm4b:s5+s3] =	stream.indirect_vreg.scatter [tilespmem:s26], [sflag:$0x7], $0x80, v3, vm1, $0xb8;
	[tilespmem:$0x18400] =	vst v63  }
0xcf: {  	v3 =	vld [tilespmem:$0x120];
	_ =	sdelay $0x4  }
0xd0: {  	v42 =	vshrl.u32 v3, $0x3  }
0xd1: {  	v4 =	vmul.u32 $0x18, v42  }
0xd2: {  	v3 =	vand.u32 $0x7, v3  }
0xd3: {  	v3 =	vor.u32 v3, v4  }
0xd4: {  	v4 =	vperm.xlane v3, v0;
	_ =	sdelay $0x1  }
0xd5: {  	v4 =	vadd.s32 v1, v4;
	_ =	sdelay $0x1  }
0xd6: {  	v3 =	vperm.xlane v3, v2;
	_ =	sdelay $0x1  }
0xd7: {  	s25 =	simm.s32 $0xF400;
	v3 =	vadd.s32 v1, v3  }
0xd8: {  	[hbm4b:s2+s3] =	stream.indirect_vreg.scatter [tilespmem:s25], [sflag:$0x7], $0x80, v4, vm0, $0xb8;
	[tilespmem:$0x18400] =	vst v63  }
0xd9: {  	s26 =	simm.s32 $0xFC00  }
0xda: {  	[hbm4b:s5+s3] =	stream.indirect_vreg.scatter [tilespmem:s26], [sflag:$0x7], $0x80, v4, vm1, $0xb8;
	[tilespmem:$0x18400] =	vst v63  }
0xdb: {  	s25 =	simm.s32 $0x10000  }
0xdc: {  	[hbm4b:s2+s3] =	stream.indirect_vreg.scatter [tilespmem:s25], [sflag:$0x7], $0x80, v3, vm0, $0xb8;
	[tilespmem:$0x18400] =	vst v63  }
0xdd: {  	s26 =	simm.s32 $0x10800  }
0xde: {  	[hbm4b:s5+s3] =	stream.indirect_vreg.scatter [tilespmem:s26], [sflag:$0x7], $0x80, v3, vm1, $0xb8;
	[tilespmem:$0x18400] =	vst v63  }
0xdf: {  	v3 =	vld [tilespmem:$0x130];
	_ =	sdelay $0x4  }
0xe0: {  	v43 =	vshrl.u32 v3, $0x3  }
0xe1: {  	v4 =	vmul.u32 $0x18, v43  }
0xe2: {  	v3 =	vand.u32 $0x7, v3  }
0xe3: {  	v3 =	vor.u32 v3, v4  }
0xe4: {  	v4 =	vperm.xlane v3, v0;
	_ =	sdelay $0x1  }
0xe5: {  	v4 =	vadd.s32 v1, v4;
	_ =	sdelay $0x1  }
0xe6: {  	v3 =	vperm.xlane v3, v2;
	_ =	sdelay $0x1  }
0xe7: {  	s25 =	simm.s32 $0x10C00;
	v3 =	vadd.s32 v1, v3  }
0xe8: {  	[hbm4b:s2+s3] =	stream.indirect_vreg.scatter [tilespmem:s25], [sflag:$0x7], $0x80, v4, vm0, $0xb8;
	[tilespmem:$0x18400] =	vst v63  }
0xe9: {  	s26 =	simm.s32 $0x11400  }
0xea: {  	[hbm4b:s5+s3] =	stream.indirect_vreg.scatter [tilespmem:s26], [sflag:$0x7], $0x80, v4, vm1, $0xb8;
	[tilespmem:$0x18400] =	vst v63  }
0xeb: {  	s25 =	simm.s32 $0x11800  }
0xec: {  	[hbm4b:s2+s3] =	stream.indirect_vreg.scatter [tilespmem:s25], [sflag:$0x7], $0x80, v3, vm0, $0xb8;
	[tilespmem:$0x18400] =	vst v63  }
0xed: {  	s26 =	simm.s32 $0x12000  }
0xee: {  	[hbm4b:s5+s3] =	stream.indirect_vreg.scatter [tilespmem:s26], [sflag:$0x7], $0x80, v3, vm1, $0xb8;
	[tilespmem:$0x18400] =	vst v63  }
0xef: {  	_ =	swait.ge [sflag:s21], $0x6000  }
0xf0: {  	[sflag:s21] =	ssyncset.done $0x0  }
0xf1: {  	s0 =	rddreg [dreg:$0x8];
	[sflag:s21] =	ssyncadd.s32 $0xFFFFA000  }
0xf2: {  	[tilespmem:s10], [sflag:$0x2] =	stream.linear.gather [hbm4b:s0+s3], $0x6000, $0x38;
	[tilespmem:$0x18400] =	vst v63  }
0xf3: {  	_ =	swait.ge [sflag:s31], $0x6000  }
0xf4: {  	[sflag:s31] =	ssyncset.done $0x0  }
0xf5: {  	[sflag:s31] =	ssyncadd.s32 $0xFFFFA000  }
0xf6: {  	v3 =	vld [tilespmem:$0x180];
	_ =	sdelay $0x4  }
0xf7: {  	v44 =	vshrl.u32 v3, $0x3  }
0xf8: {  	v4 =	vmul.u32 $0x18, v44  }
0xf9: {  	v3 =	vand.u32 $0x7, v3  }
0xfa: {  	v3 =	vor.u32 v3, v4  }
0xfb: {  	v4 =	vperm.xlane v3, v0;
	_ =	sdelay $0x1  }
0xfc: {  	v4 =	vadd.s32 v1, v4;
	_ =	sdelay $0x1  }
0xfd: {  	v3 =	vperm.xlane v3, v2;
	_ =	sdelay $0x1  }
0xfe: {  	v3 =	vadd.s32 v1, v3  }
0xff: {  	[hbm4b:s2+s3] =	stream.indirect_vreg.scatter [tilespmem:s11], [sflag:$0x8], $0x80, v4, vm0, $0xb8;
	[tilespmem:$0x18400] =	vst v63  }
0x100: {  	s26 =	simm.s32 $0x12C00  }
0x101: {  	[hbm4b:s5+s3] =	stream.indirect_vreg.scatter [tilespmem:s26], [sflag:$0x8], $0x80, v4, vm1, $0xb8;
	[tilespmem:$0x18400] =	vst v63  }
0x102: {  	_ = 	snop  }
0x103: {  	[hbm4b:s2+s3] =	stream.indirect_vreg.scatter [tilespmem:s4], [sflag:$0x8], $0x80, v3, vm0, $0xb8;
	[tilespmem:$0x18400] =	vst v63  }
0x104: {  	_ = 	snop  }
0x105: {  	[hbm4b:s5+s3] =	stream.indirect_vreg.scatter [tilespmem:s7], [sflag:$0x8], $0x80, v3, vm1, $0xb8;
	[tilespmem:$0x18400] =	vst v63  }
0x106: {  	v3 =	vld [tilespmem:$0x190];
	_ =	sdelay $0x4  }
0x107: {  	v45 =	vshrl.u32 v3, $0x3  }
0x108: {  	v4 =	vmul.u32 $0x18, v45  }
0x109: {  	v3 =	vand.u32 $0x7, v3  }
0x10a: {  	v3 =	vor.u32 v3, v4  }
0x10b: {  	v4 =	vperm.xlane v3, v0;
	_ =	sdelay $0x1  }
0x10c: {  	v4 =	vadd.s32 v1, v4;
	_ =	sdelay $0x1  }
0x10d: {  	v3 =	vperm.xlane v3, v2;
	_ =	sdelay $0x1  }
0x10e: {  	v3 =	vadd.s32 v1, v3  }
0x10f: {  	[hbm4b:s2+s3] =	stream.indirect_vreg.scatter [tilespmem:s8], [sflag:$0x8], $0x80, v4, vm0, $0xb8;
	[tilespmem:$0x18400] =	vst v63  }
0x110: {  	_ = 	snop  }
0x111: {  	[hbm4b:s5+s3] =	stream.indirect_vreg.scatter [tilespmem:s12], [sflag:$0x8], $0x80, v4, vm1, $0xb8;
	[tilespmem:$0x18400] =	vst v63  }
0x112: {  	_ = 	snop  }
0x113: {  	[hbm4b:s2+s3] =	stream.indirect_vreg.scatter [tilespmem:s13], [sflag:$0x8], $0x80, v3, vm0, $0xb8;
	[tilespmem:$0x18400] =	vst v63  }
0x114: {  	_ = 	snop  }
0x115: {  	[hbm4b:s5+s3] =	stream.indirect_vreg.scatter [tilespmem:s14], [sflag:$0x8], $0x80, v3, vm1, $0xb8;
	[tilespmem:$0x18400] =	vst v63  }
0x116: {  	v3 =	vld [tilespmem:$0x1A0];
	_ =	sdelay $0x4  }
0x117: {  	v46 =	vshrl.u32 v3, $0x3  }
0x118: {  	v4 =	vmul.u32 $0x18, v46  }
0x119: {  	v3 =	vand.u32 $0x7, v3  }
0x11a: {  	v3 =	vor.u32 v3, v4  }
0x11b: {  	v4 =	vperm.xlane v3, v0;
	_ =	sdelay $0x1  }
0x11c: {  	v4 =	vadd.s32 v1, v4;
	_ =	sdelay $0x1  }
0x11d: {  	v3 =	vperm.xlane v3, v2;
	_ =	sdelay $0x1  }
0x11e: {  	v3 =	vadd.s32 v1, v3  }
0x11f: {  	[hbm4b:s2+s3] =	stream.indirect_vreg.scatter [tilespmem:s15], [sflag:$0x8], $0x80, v4, vm0, $0xb8;
	[tilespmem:$0x18400] =	vst v63  }
0x120: {  	_ = 	snop  }
0x121: {  	[hbm4b:s5+s3] =	stream.indirect_vreg.scatter [tilespmem:s16], [sflag:$0x8], $0x80, v4, vm1, $0xb8;
	[tilespmem:$0x18400] =	vst v63  }
0x122: {  	_ = 	snop  }
0x123: {  	[hbm4b:s2+s3] =	stream.indirect_vreg.scatter [tilespmem:s17], [sflag:$0x8], $0x80, v3, vm0, $0xb8;
	[tilespmem:$0x18400] =	vst v63  }
0x124: {  	_ = 	snop  }
0x125: {  	[hbm4b:s5+s3] =	stream.indirect_vreg.scatter [tilespmem:s18], [sflag:$0x8], $0x80, v3, vm1, $0xb8;
	[tilespmem:$0x18400] =	vst v63  }
0x126: {  	v3 =	vld [tilespmem:$0x1B0];
	_ =	sdelay $0x4  }
0x127: {  	v47 =	vshrl.u32 v3, $0x3  }
0x128: {  	v4 =	vmul.u32 $0x18, v47  }
0x129: {  	v3 =	vand.u32 $0x7, v3  }
0x12a: {  	v3 =	vor.u32 v3, v4  }
0x12b: {  	v4 =	vperm.xlane v3, v0;
	_ =	sdelay $0x1  }
0x12c: {  	v4 =	vadd.s32 v1, v4;
	_ =	sdelay $0x1  }
0x12d: {  	v3 =	vperm.xlane v3, v2;
	_ =	sdelay $0x1  }
0x12e: {  	v3 =	vadd.s32 v1, v3  }
0x12f: {  	[hbm4b:s2+s3] =	stream.indirect_vreg.scatter [tilespmem:s20], [sflag:$0x8], $0x80, v4, vm0, $0xb8;
	[tilespmem:$0x18400] =	vst v63  }
0x130: {  	_ = 	snop  }
0x131: {  	[hbm4b:s5+s3] =	stream.indirect_vreg.scatter [tilespmem:s24], [sflag:$0x8], $0x80, v4, vm1, $0xb8;
	[tilespmem:$0x18400] =	vst v63  }
0x132: {  	_ = 	snop  }
0x133: {  	[hbm4b:s2+s3] =	stream.indirect_vreg.scatter [tilespmem:s30], [sflag:$0x8], $0x80, v3, vm0, $0xb8;
	[tilespmem:$0x18400] =	vst v63  }
0x134: {  	s0 =	simm.s32 $0x7  }
0x135: {  	[hbm4b:s5+s3] =	stream.indirect_vreg.scatter [tilespmem:s22], [sflag:$0x8], $0x80, v3, vm1, $0xb8;
	[tilespmem:$0x18400] =	vst v63  }
0x136: {  	_ =	swait.ge [sflag:s0], $0x6000  }
0x137: {  	[sflag:s0] =	ssyncset.done $0x0  }
0x138: {  	s25 =	rddreg [dreg:$0x9];
	[sflag:s0] =	ssyncadd.s32 $0xFFFFA000  }
0x139: {  	[tilespmem:s28], [sflag:$0x3] =	stream.linear.gather [hbm4b:s25+s3], $0x6000, $0x38;
	[tilespmem:$0x18400] =	vst v63  }
0x13a: {  	_ =	swait.ge [sflag:s29], $0x6000  }
0x13b: {  	[sflag:s29] =	ssyncset.done $0x0  }
0x13c: {  	[sflag:s29] =	ssyncadd.s32 $0xFFFFA000  }
0x13d: {  	v3 =	vld [tilespmem:$0x200];
	_ =	sdelay $0x4  }
0x13e: {  	v48 =	vshrl.u32 v3, $0x3  }
0x13f: {  	v4 =	vmul.u32 $0x18, v48  }
0x140: {  	v3 =	vand.u32 $0x7, v3  }
0x141: {  	v3 =	vor.u32 v3, v4  }
0x142: {  	v4 =	vperm.xlane v3, v0;
	_ =	sdelay $0x1  }
0x143: {  	v4 =	vadd.s32 v1, v4;
	_ =	sdelay $0x1  }
0x144: {  	v3 =	vperm.xlane v3, v2;
	_ =	sdelay $0x1  }
0x145: {  	v3 =	vadd.s32 v1, v3  }
0x146: {  	[hbm4b:s2+s3] =	stream.indirect_vreg.scatter [tilespmem:s9], [sflag:$0x5], $0x80, v4, vm0, $0xb8;
	[tilespmem:$0x18400] =	vst v63  }
0x147: {  	s25 =	simm.s32 $0xC00  }
0x148: {  	[hbm4b:s5+s3] =	stream.indirect_vreg.scatter [tilespmem:s25], [sflag:$0x5], $0x80, v4, vm1, $0xb8;
	[tilespmem:$0x18400] =	vst v63  }
0x149: {  	s25 =	simm.s32 $0x1000  }
0x14a: {  	[hbm4b:s2+s3] =	stream.indirect_vreg.scatter [tilespmem:s25], [sflag:$0x5], $0x80, v3, vm0, $0xb8;
	[tilespmem:$0x18400] =	vst v63  }
0x14b: {  	s25 =	simm.s32 $0x1800  }
0x14c: {  	[hbm4b:s5+s3] =	stream.indirect_vreg.scatter [tilespmem:s25], [sflag:$0x5], $0x80, v3, vm1, $0xb8;
	[tilespmem:$0x18400] =	vst v63  }
0x14d: {  	v3 =	vld [tilespmem:$0x210];
	_ =	sdelay $0x4  }
0x14e: {  	v49 =	vshrl.u32 v3, $0x3  }
0x14f: {  	v4 =	vmul.u32 $0x18, v49  }
0x150: {  	v3 =	vand.u32 $0x7, v3  }
0x151: {  	v3 =	vor.u32 v3, v4  }
0x152: {  	v4 =	vperm.xlane v3, v0;
	_ =	sdelay $0x1  }
0x153: {  	v4 =	vadd.s32 v1, v4;
	_ =	sdelay $0x1  }
0x154: {  	v3 =	vperm.xlane v3, v2;
	_ =	sdelay $0x1  }
0x155: {  	s25 =	simm.s32 $0x1C00;
	v3 =	vadd.s32 v1, v3  }
0x156: {  	[hbm4b:s2+s3] =	stream.indirect_vreg.scatter [tilespmem:s25], [sflag:$0x5], $0x80, v4, vm0, $0xb8;
	[tilespmem:$0x18400] =	vst v63  }
0x157: {  	s25 =	simm.s32 $0x2400  }
0x158: {  	[hbm4b:s5+s3] =	stream.indirect_vreg.scatter [tilespmem:s25], [sflag:$0x5], $0x80, v4, vm1, $0xb8;
	[tilespmem:$0x18400] =	vst v63  }
0x159: {  	s25 =	simm.s32 $0x2800  }
0x15a: {  	[hbm4b:s2+s3] =	stream.indirect_vreg.scatter [tilespmem:s25], [sflag:$0x5], $0x80, v3, vm0, $0xb8;
	[tilespmem:$0x18400] =	vst v63  }
0x15b: {  	s25 =	simm.s32 $0x3000  }
0x15c: {  	[hbm4b:s5+s3] =	stream.indirect_vreg.scatter [tilespmem:s25], [sflag:$0x5], $0x80, v3, vm1, $0xb8;
	[tilespmem:$0x18400] =	vst v63  }
0x15d: {  	v3 =	vld [tilespmem:$0x220];
	_ =	sdelay $0x4  }
0x15e: {  	v50 =	vshrl.u32 v3, $0x3  }
0x15f: {  	v4 =	vmul.u32 $0x18, v50  }
0x160: {  	v3 =	vand.u32 $0x7, v3  }
0x161: {  	v3 =	vor.u32 v3, v4  }
0x162: {  	v4 =	vperm.xlane v3, v0;
	_ =	sdelay $0x1  }
0x163: {  	v4 =	vadd.s32 v1, v4;
	_ =	sdelay $0x1  }
0x164: {  	v3 =	vperm.xlane v3, v2;
	_ =	sdelay $0x1  }
0x165: {  	s25 =	simm.s32 $0x3400;
	v3 =	vadd.s32 v1, v3  }
0x166: {  	[hbm4b:s2+s3] =	stream.indirect_vreg.scatter [tilespmem:s25], [sflag:$0x5], $0x80, v4, vm0, $0xb8;
	[tilespmem:$0x18400] =	vst v63  }
0x167: {  	s25 =	simm.s32 $0x3C00  }
0x168: {  	[hbm4b:s5+s3] =	stream.indirect_vreg.scatter [tilespmem:s25], [sflag:$0x5], $0x80, v4, vm1, $0xb8;
	[tilespmem:$0x18400] =	vst v63  }
0x169: {  	s25 =	simm.s32 $0x4000  }
0x16a: {  	[hbm4b:s2+s3] =	stream.indirect_vreg.scatter [tilespmem:s25], [sflag:$0x5], $0x80, v3, vm0, $0xb8;
	[tilespmem:$0x18400] =	vst v63  }
0x16b: {  	s25 =	simm.s32 $0x4800  }
0x16c: {  	[hbm4b:s5+s3] =	stream.indirect_vreg.scatter [tilespmem:s25], [sflag:$0x5], $0x80, v3, vm1, $0xb8;
	[tilespmem:$0x18400] =	vst v63  }
0x16d: {  	v3 =	vld [tilespmem:$0x230];
	_ =	sdelay $0x4  }
0x16e: {  	v51 =	vshrl.u32 v3, $0x3  }
0x16f: {  	v4 =	vmul.u32 $0x18, v51  }
0x170: {  	v3 =	vand.u32 $0x7, v3  }
0x171: {  	v3 =	vor.u32 v3, v4  }
0x172: {  	v4 =	vperm.xlane v3, v0;
	_ =	sdelay $0x1  }
0x173: {  	v4 =	vadd.s32 v1, v4;
	_ =	sdelay $0x1  }
0x174: {  	v3 =	vperm.xlane v3, v2;
	_ =	sdelay $0x1  }
0x175: {  	s25 =	simm.s32 $0x4C00;
	v3 =	vadd.s32 v1, v3  }
0x176: {  	[hbm4b:s2+s3] =	stream.indirect_vreg.scatter [tilespmem:s25], [sflag:$0x5], $0x80, v4, vm0, $0xb8;
	[tilespmem:$0x18400] =	vst v63  }
0x177: {  	s25 =	simm.s32 $0x5400  }
0x178: {  	[hbm4b:s5+s3] =	stream.indirect_vreg.scatter [tilespmem:s25], [sflag:$0x5], $0x80, v4, vm1, $0xb8;
	[tilespmem:$0x18400] =	vst v63  }
0x179: {  	s25 =	simm.s32 $0x5800  }
0x17a: {  	[hbm4b:s2+s3] =	stream.indirect_vreg.scatter [tilespmem:s25], [sflag:$0x5], $0x80, v3, vm0, $0xb8;
	[tilespmem:$0x18400] =	vst v63  }
0x17b: {  	s9 =	simm.s32 $0x8;
	s25 =	simm.s32 $0x6000  }
0x17c: {  	[hbm4b:s5+s3] =	stream.indirect_vreg.scatter [tilespmem:s25], [sflag:$0x5], $0x80, v3, vm1, $0xb8;
	[tilespmem:$0x18400] =	vst v63  }
0x17d: {  	_ =	swait.ge [sflag:s9], $0x6000  }
0x17e: {  	[sflag:s9] =	ssyncset.done $0x0  }
0x17f: {  	s25 =	rddreg [dreg:$0xa];
	[sflag:s9] =	ssyncadd.s32 $0xFFFFA000  }
0x180: {  	[tilespmem:s11], [sflag:$0x4] =	stream.linear.gather [hbm4b:s25+s3], $0x6000, $0x38;
	[tilespmem:$0x18400] =	vst v63  }
0x181: {  	_ =	swait.ge [sflag:s23], $0x6000  }
0x182: {  	[sflag:s23] =	ssyncset.done $0x0  }
0x183: {  	[sflag:s23] =	ssyncadd.s32 $0xFFFFA000  }
0x184: {  	v3 =	vld [tilespmem:$0x280];
	_ =	sdelay $0x4  }
0x185: {  	v52 =	vshrl.u32 v3, $0x3  }
0x186: {  	v4 =	vmul.u32 $0x18, v52  }
0x187: {  	v3 =	vand.u32 $0x7, v3  }
0x188: {  	v3 =	vor.u32 v3, v4  }
0x189: {  	v4 =	vperm.xlane v3, v0;
	_ =	sdelay $0x1  }
0x18a: {  	v4 =	vadd.s32 v1, v4;
	_ =	sdelay $0x1  }
0x18b: {  	v3 =	vperm.xlane v3, v2;
	_ =	sdelay $0x1  }
0x18c: {  	v3 =	vadd.s32 v1, v3  }
0x18d: {  	[hbm4b:s2+s3] =	stream.indirect_vreg.scatter [tilespmem:s10], [sflag:$0x6], $0x80, v4, vm0, $0xb8;
	[tilespmem:$0x18400] =	vst v63  }
0x18e: {  	s25 =	simm.s32 $0x6C00  }
0x18f: {  	[hbm4b:s5+s3] =	stream.indirect_vreg.scatter [tilespmem:s25], [sflag:$0x6], $0x80, v4, vm1, $0xb8;
	[tilespmem:$0x18400] =	vst v63  }
0x190: {  	s25 =	simm.s32 $0x7000  }
0x191: {  	[hbm4b:s2+s3] =	stream.indirect_vreg.scatter [tilespmem:s25], [sflag:$0x6], $0x80, v3, vm0, $0xb8;
	[tilespmem:$0x18400] =	vst v63  }
0x192: {  	s25 =	simm.s32 $0x7800  }
0x193: {  	[hbm4b:s5+s3] =	stream.indirect_vreg.scatter [tilespmem:s25], [sflag:$0x6], $0x80, v3, vm1, $0xb8;
	[tilespmem:$0x18400] =	vst v63  }
0x194: {  	v3 =	vld [tilespmem:$0x290];
	_ =	sdelay $0x4  }
0x195: {  	v53 =	vshrl.u32 v3, $0x3  }
0x196: {  	v4 =	vmul.u32 $0x18, v53  }
0x197: {  	v3 =	vand.u32 $0x7, v3  }
0x198: {  	v3 =	vor.u32 v3, v4  }
0x199: {  	v4 =	vperm.xlane v3, v0;
	_ =	sdelay $0x1  }
0x19a: {  	v4 =	vadd.s32 v1, v4;
	_ =	sdelay $0x1  }
0x19b: {  	v3 =	vperm.xlane v3, v2;
	_ =	sdelay $0x1  }
0x19c: {  	s25 =	simm.s32 $0x7C00;
	v3 =	vadd.s32 v1, v3  }
0x19d: {  	[hbm4b:s2+s3] =	stream.indirect_vreg.scatter [tilespmem:s25], [sflag:$0x6], $0x80, v4, vm0, $0xb8;
	[tilespmem:$0x18400] =	vst v63  }
0x19e: {  	s25 =	simm.s32 $0x8400  }
0x19f: {  	[hbm4b:s5+s3] =	stream.indirect_vreg.scatter [tilespmem:s25], [sflag:$0x6], $0x80, v4, vm1, $0xb8;
	[tilespmem:$0x18400] =	vst v63  }
0x1a0: {  	s25 =	simm.s32 $0x8800  }
0x1a1: {  	[hbm4b:s2+s3] =	stream.indirect_vreg.scatter [tilespmem:s25], [sflag:$0x6], $0x80, v3, vm0, $0xb8;
	[tilespmem:$0x18400] =	vst v63  }
0x1a2: {  	s25 =	simm.s32 $0x9000  }
0x1a3: {  	[hbm4b:s5+s3] =	stream.indirect_vreg.scatter [tilespmem:s25], [sflag:$0x6], $0x80, v3, vm1, $0xb8;
	[tilespmem:$0x18400] =	vst v63  }
0x1a4: {  	v3 =	vld [tilespmem:$0x2A0];
	_ =	sdelay $0x4  }
0x1a5: {  	v54 =	vshrl.u32 v3, $0x3  }
0x1a6: {  	v4 =	vmul.u32 $0x18, v54  }
0x1a7: {  	v3 =	vand.u32 $0x7, v3  }
0x1a8: {  	v3 =	vor.u32 v3, v4  }
0x1a9: {  	v4 =	vperm.xlane v3, v0;
	_ =	sdelay $0x1  }
0x1aa: {  	v4 =	vadd.s32 v1, v4;
	_ =	sdelay $0x1  }
0x1ab: {  	v3 =	vperm.xlane v3, v2;
	_ =	sdelay $0x1  }
0x1ac: {  	s25 =	simm.s32 $0x9400;
	v3 =	vadd.s32 v1, v3  }
0x1ad: {  	[hbm4b:s2+s3] =	stream.indirect_vreg.scatter [tilespmem:s25], [sflag:$0x6], $0x80, v4, vm0, $0xb8;
	[tilespmem:$0x18400] =	vst v63  }
0x1ae: {  	s25 =	simm.s32 $0x9C00  }
0x1af: {  	[hbm4b:s5+s3] =	stream.indirect_vreg.scatter [tilespmem:s25], [sflag:$0x6], $0x80, v4, vm1, $0xb8;
	[tilespmem:$0x18400] =	vst v63  }
0x1b0: {  	s25 =	simm.s32 $0xA000  }
0x1b1: {  	[hbm4b:s2+s3] =	stream.indirect_vreg.scatter [tilespmem:s25], [sflag:$0x6], $0x80, v3, vm0, $0xb8;
	[tilespmem:$0x18400] =	vst v63  }
0x1b2: {  	s25 =	simm.s32 $0xA800  }
0x1b3: {  	[hbm4b:s5+s3] =	stream.indirect_vreg.scatter [tilespmem:s25], [sflag:$0x6], $0x80, v3, vm1, $0xb8;
	[tilespmem:$0x18400] =	vst v63  }
0x1b4: {  	v3 =	vld [tilespmem:$0x2B0];
	_ =	sdelay $0x4  }
0x1b5: {  	v55 =	vshrl.u32 v3, $0x3  }
0x1b6: {  	v4 =	vmul.u32 $0x18, v55  }
0x1b7: {  	v3 =	vand.u32 $0x7, v3  }
0x1b8: {  	v3 =	vor.u32 v3, v4  }
0x1b9: {  	v4 =	vperm.xlane v3, v0;
	_ =	sdelay $0x1  }
0x1ba: {  	v4 =	vadd.s32 v1, v4;
	_ =	sdelay $0x1  }
0x1bb: {  	v3 =	vperm.xlane v3, v2;
	_ =	sdelay $0x1  }
0x1bc: {  	s25 =	simm.s32 $0xAC00;
	v3 =	vadd.s32 v1, v3  }
0x1bd: {  	[hbm4b:s2+s3] =	stream.indirect_vreg.scatter [tilespmem:s25], [sflag:$0x6], $0x80, v4, vm0, $0xb8;
	[tilespmem:$0x18400] =	vst v63  }
0x1be: {  	s25 =	simm.s32 $0xB400  }
0x1bf: {  	[hbm4b:s5+s3] =	stream.indirect_vreg.scatter [tilespmem:s25], [sflag:$0x6], $0x80, v4, vm1, $0xb8;
	[tilespmem:$0x18400] =	vst v63  }
0x1c0: {  	s25 =	simm.s32 $0xB800  }
0x1c1: {  	[hbm4b:s2+s3] =	stream.indirect_vreg.scatter [tilespmem:s25], [sflag:$0x6], $0x80, v3, vm0, $0xb8;
	[tilespmem:$0x18400] =	vst v63  }
0x1c2: {  	s25 =	simm.s32 $0xC000  }
0x1c3: {  	[hbm4b:s5+s3] =	stream.indirect_vreg.scatter [tilespmem:s25], [sflag:$0x6], $0x80, v3, vm1, $0xb8;
	[tilespmem:$0x18400] =	vst v63  }
0x1c4: {  	_ =	swait.ge [sflag:s19], $0x6000  }
0x1c5: {  	[sflag:s19] =	ssyncset.done $0x0  }
0x1c6: {  	[sflag:s19] =	ssyncadd.s32 $0xFFFFA000  }
0x1c7: {  	v3 =	vld [tilespmem:$0x300];
	_ =	sdelay $0x4  }
0x1c8: {  	v56 =	vshrl.u32 v3, $0x3  }
0x1c9: {  	v4 =	vmul.u32 $0x18, v56  }
0x1ca: {  	v3 =	vand.u32 $0x7, v3  }
0x1cb: {  	v3 =	vor.u32 v3, v4  }
0x1cc: {  	v4 =	vperm.xlane v3, v0;
	_ =	sdelay $0x1  }
0x1cd: {  	v4 =	vadd.s32 v1, v4;
	_ =	sdelay $0x1  }
0x1ce: {  	v3 =	vperm.xlane v3, v2;
	_ =	sdelay $0x1  }
0x1cf: {  	v3 =	vadd.s32 v1, v3  }
0x1d0: {  	[hbm4b:s2+s3] =	stream.indirect_vreg.scatter [tilespmem:s28], [sflag:$0x7], $0x80, v4, vm0, $0xb8;
	[tilespmem:$0x18400] =	vst v63  }
0x1d1: {  	s25 =	simm.s32 $0xCC00  }
0x1d2: {  	[hbm4b:s5+s3] =	stream.indirect_vreg.scatter [tilespmem:s25], [sflag:$0x7], $0x80, v4, vm1, $0xb8;
	[tilespmem:$0x18400] =	vst v63  }
0x1d3: {  	s25 =	simm.s32 $0xD000  }
0x1d4: {  	[hbm4b:s2+s3] =	stream.indirect_vreg.scatter [tilespmem:s25], [sflag:$0x7], $0x80, v3, vm0, $0xb8;
	[tilespmem:$0x18400] =	vst v63  }
0x1d5: {  	s25 =	simm.s32 $0xD800  }
0x1d6: {  	[hbm4b:s5+s3] =	stream.indirect_vreg.scatter [tilespmem:s25], [sflag:$0x7], $0x80, v3, vm1, $0xb8;
	[tilespmem:$0x18400] =	vst v63  }
0x1d7: {  	v3 =	vld [tilespmem:$0x310];
	_ =	sdelay $0x4  }
0x1d8: {  	v57 =	vshrl.u32 v3, $0x3  }
0x1d9: {  	v4 =	vmul.u32 $0x18, v57  }
0x1da: {  	v3 =	vand.u32 $0x7, v3  }
0x1db: {  	v3 =	vor.u32 v3, v4  }
0x1dc: {  	v4 =	vperm.xlane v3, v0;
	_ =	sdelay $0x1  }
0x1dd: {  	v4 =	vadd.s32 v1, v4;
	_ =	sdelay $0x1  }
0x1de: {  	v3 =	vperm.xlane v3, v2;
	_ =	sdelay $0x1  }
0x1df: {  	s25 =	simm.s32 $0xDC00;
	v3 =	vadd.s32 v1, v3  }
0x1e0: {  	[hbm4b:s2+s3] =	stream.indirect_vreg.scatter [tilespmem:s25], [sflag:$0x7], $0x80, v4, vm0, $0xb8;
	[tilespmem:$0x18400] =	vst v63  }
0x1e1: {  	s25 =	simm.s32 $0xE400  }
0x1e2: {  	[hbm4b:s5+s3] =	stream.indirect_vreg.scatter [tilespmem:s25], [sflag:$0x7], $0x80, v4, vm1, $0xb8;
	[tilespmem:$0x18400] =	vst v63  }
0x1e3: {  	s25 =	simm.s32 $0xE800  }
0x1e4: {  	[hbm4b:s2+s3] =	stream.indirect_vreg.scatter [tilespmem:s25], [sflag:$0x7], $0x80, v3, vm0, $0xb8;
	[tilespmem:$0x18400] =	vst v63  }
0x1e5: {  	s25 =	simm.s32 $0xF000  }
0x1e6: {  	[hbm4b:s5+s3] =	stream.indirect_vreg.scatter [tilespmem:s25], [sflag:$0x7], $0x80, v3, vm1, $0xb8;
	[tilespmem:$0x18400] =	vst v63  }
0x1e7: {  	v3 =	vld [tilespmem:$0x320];
	_ =	sdelay $0x4  }
0x1e8: {  	v58 =	vshrl.u32 v3, $0x3  }
0x1e9: {  	v4 =	vmul.u32 $0x18, v58  }
0x1ea: {  	v3 =	vand.u32 $0x7, v3  }
0x1eb: {  	v3 =	vor.u32 v3, v4  }
0x1ec: {  	v4 =	vperm.xlane v3, v0;
	_ =	sdelay $0x1  }
0x1ed: {  	v4 =	vadd.s32 v1, v4;
	_ =	sdelay $0x1  }
0x1ee: {  	v3 =	vperm.xlane v3, v2;
	_ =	sdelay $0x1  }
0x1ef: {  	s25 =	simm.s32 $0xF400;
	v3 =	vadd.s32 v1, v3  }
0x1f0: {  	[hbm4b:s2+s3] =	stream.indirect_vreg.scatter [tilespmem:s25], [sflag:$0x7], $0x80, v4, vm0, $0xb8;
	[tilespmem:$0x18400] =	vst v63  }
0x1f1: {  	s25 =	simm.s32 $0xFC00  }
0x1f2: {  	[hbm4b:s5+s3] =	stream.indirect_vreg.scatter [tilespmem:s25], [sflag:$0x7], $0x80, v4, vm1, $0xb8;
	[tilespmem:$0x18400] =	vst v63  }
0x1f3: {  	s25 =	simm.s32 $0x10000  }
0x1f4: {  	[hbm4b:s2+s3] =	stream.indirect_vreg.scatter [tilespmem:s25], [sflag:$0x7], $0x80, v3, vm0, $0xb8;
	[tilespmem:$0x18400] =	vst v63  }
0x1f5: {  	s25 =	simm.s32 $0x10800  }
0x1f6: {  	[hbm4b:s5+s3] =	stream.indirect_vreg.scatter [tilespmem:s25], [sflag:$0x7], $0x80, v3, vm1, $0xb8;
	[tilespmem:$0x18400] =	vst v63  }
0x1f7: {  	v3 =	vld [tilespmem:$0x330];
	_ =	sdelay $0x4  }
0x1f8: {  	v59 =	vshrl.u32 v3, $0x3  }
0x1f9: {  	v4 =	vmul.u32 $0x18, v59  }
0x1fa: {  	v3 =	vand.u32 $0x7, v3  }
0x1fb: {  	v3 =	vor.u32 v3, v4  }
0x1fc: {  	v4 =	vperm.xlane v3, v0;
	_ =	sdelay $0x1  }
0x1fd: {  	v4 =	vadd.s32 v1, v4;
	_ =	sdelay $0x1  }
0x1fe: {  	v3 =	vperm.xlane v3, v2;
	_ =	sdelay $0x1  }
0x1ff: {  	s25 =	simm.s32 $0x10C00;
	v3 =	vadd.s32 v1, v3  }
0x200: {  	[hbm4b:s2+s3] =	stream.indirect_vreg.scatter [tilespmem:s25], [sflag:$0x7], $0x80, v4, vm0, $0xb8;
	[tilespmem:$0x18400] =	vst v63  }
0x201: {  	s25 =	simm.s32 $0x11400  }
0x202: {  	[hbm4b:s5+s3] =	stream.indirect_vreg.scatter [tilespmem:s25], [sflag:$0x7], $0x80, v4, vm1, $0xb8;
	[tilespmem:$0x18400] =	vst v63  }
0x203: {  	s25 =	simm.s32 $0x11800  }
0x204: {  	[hbm4b:s2+s3] =	stream.indirect_vreg.scatter [tilespmem:s25], [sflag:$0x7], $0x80, v3, vm0, $0xb8;
	[tilespmem:$0x18400] =	vst v63  }
0x205: {  	s25 =	simm.s32 $0x12000  }
0x206: {  	[hbm4b:s5+s3] =	stream.indirect_vreg.scatter [tilespmem:s25], [sflag:$0x7], $0x80, v3, vm1, $0xb8;
	[tilespmem:$0x18400] =	vst v63  }
0x207: {  	_ =	swait.ge [sflag:s31], $0x6000  }
0x208: {  	[sflag:s31] =	ssyncset.done $0x0  }
0x209: {  	[sflag:s31] =	ssyncadd.s32 $0xFFFFA000  }
0x20a: {  	v3 =	vld [tilespmem:$0x380];
	_ =	sdelay $0x4  }
0x20b: {  	v60 =	vshrl.u32 v3, $0x3  }
0x20c: {  	v4 =	vmul.u32 $0x18, v60  }
0x20d: {  	v3 =	vand.u32 $0x7, v3  }
0x20e: {  	v3 =	vor.u32 v3, v4  }
0x20f: {  	v4 =	vperm.xlane v3, v0;
	_ =	sdelay $0x1  }
0x210: {  	v4 =	vadd.s32 v1, v4;
	_ =	sdelay $0x1  }
0x211: {  	v3 =	vperm.xlane v3, v2;
	_ =	sdelay $0x1  }
0x212: {  	v3 =	vadd.s32 v1, v3  }
0x213: {  	[hbm4b:s2+s3] =	stream.indirect_vreg.scatter [tilespmem:s11], [sflag:$0x8], $0x80, v4, vm0, $0xb8;
	[tilespmem:$0x18400] =	vst v63  }
0x214: {  	_ = 	snop  }
0x215: {  	[hbm4b:s5+s3] =	stream.indirect_vreg.scatter [tilespmem:s26], [sflag:$0x8], $0x80, v4, vm1, $0xb8;
	[tilespmem:$0x18400] =	vst v63  }
0x216: {  	_ = 	snop  }
0x217: {  	[hbm4b:s2+s3] =	stream.indirect_vreg.scatter [tilespmem:s4], [sflag:$0x8], $0x80, v3, vm0, $0xb8;
	[tilespmem:$0x18400] =	vst v63  }
0x218: {  	_ = 	snop  }
0x219: {  	[hbm4b:s5+s3] =	stream.indirect_vreg.scatter [tilespmem:s7], [sflag:$0x8], $0x80, v3, vm1, $0xb8;
	[tilespmem:$0x18400] =	vst v63  }
0x21a: {  	v3 =	vld [tilespmem:$0x390];
	_ =	sdelay $0x4  }
0x21b: {  	v61 =	vshrl.u32 v3, $0x3  }
0x21c: {  	v4 =	vmul.u32 $0x18, v61  }
0x21d: {  	v3 =	vand.u32 $0x7, v3  }
0x21e: {  	v3 =	vor.u32 v3, v4  }
0x21f: {  	v4 =	vperm.xlane v3, v0;
	_ =	sdelay $0x1  }
0x220: {  	v4 =	vadd.s32 v1, v4;
	_ =	sdelay $0x1  }
0x221: {  	v3 =	vperm.xlane v3, v2;
	_ =	sdelay $0x1  }
0x222: {  	v3 =	vadd.s32 v1, v3  }
0x223: {  	[hbm4b:s2+s3] =	stream.indirect_vreg.scatter [tilespmem:s8], [sflag:$0x8], $0x80, v4, vm0, $0xb8;
	[tilespmem:$0x18400] =	vst v63  }
0x224: {  	_ = 	snop  }
0x225: {  	[hbm4b:s5+s3] =	stream.indirect_vreg.scatter [tilespmem:s12], [sflag:$0x8], $0x80, v4, vm1, $0xb8;
	[tilespmem:$0x18400] =	vst v63  }
0x226: {  	_ = 	snop  }
0x227: {  	[hbm4b:s2+s3] =	stream.indirect_vreg.scatter [tilespmem:s13], [sflag:$0x8], $0x80, v3, vm0, $0xb8;
	[tilespmem:$0x18400] =	vst v63  }
0x228: {  	_ = 	snop  }
0x229: {  	[hbm4b:s5+s3] =	stream.indirect_vreg.scatter [tilespmem:s14], [sflag:$0x8], $0x80, v3, vm1, $0xb8;
	[tilespmem:$0x18400] =	vst v63  }
0x22a: {  	v3 =	vld [tilespmem:$0x3A0];
	_ =	sdelay $0x4  }
0x22b: {  	v62 =	vshrl.u32 v3, $0x3  }
0x22c: {  	v4 =	vmul.u32 $0x18, v62  }
0x22d: {  	v3 =	vand.u32 $0x7, v3  }
0x22e: {  	v3 =	vor.u32 v3, v4  }
0x22f: {  	v4 =	vperm.xlane v3, v0;
	_ =	sdelay $0x1  }
0x230: {  	v4 =	vadd.s32 v1, v4;
	_ =	sdelay $0x1  }
0x231: {  	v3 =	vperm.xlane v3, v2;
	_ =	sdelay $0x1  }
0x232: {  	v3 =	vadd.s32 v1, v3  }
0x233: {  	[hbm4b:s2+s3] =	stream.indirect_vreg.scatter [tilespmem:s15], [sflag:$0x8], $0x80, v4, vm0, $0xb8;
	[tilespmem:$0x18400] =	vst v63  }
0x234: {  	_ = 	snop  }
0x235: {  	[hbm4b:s5+s3] =	stream.indirect_vreg.scatter [tilespmem:s16], [sflag:$0x8], $0x80, v4, vm1, $0xb8;
	[tilespmem:$0x18400] =	vst v63  }
0x236: {  	_ = 	snop  }
0x237: {  	[hbm4b:s2+s3] =	stream.indirect_vreg.scatter [tilespmem:s17], [sflag:$0x8], $0x80, v3, vm0, $0xb8;
	[tilespmem:$0x18400] =	vst v63  }
0x238: {  	_ = 	snop  }
0x239: {  	[hbm4b:s5+s3] =	stream.indirect_vreg.scatter [tilespmem:s18], [sflag:$0x8], $0x80, v3, vm1, $0xb8;
	[tilespmem:$0x18400] =	vst v63  }
0x23a: {  	v3 =	vld [tilespmem:$0x3B0];
	_ =	sdelay $0x4  }
0x23b: {  	v63 =	vshrl.u32 v3, $0x3  }
0x23c: {  	v4 =	vmul.u32 $0x18, v63  }
0x23d: {  	v3 =	vand.u32 $0x7, v3  }
0x23e: {  	v3 =	vor.u32 v3, v4  }
0x23f: {  	v4 =	vperm.xlane v3, v0;
	_ =	sdelay $0x1  }
0x240: {  	v4 =	vadd.s32 v1, v4;
	_ =	sdelay $0x1  }
0x241: {  	v3 =	vperm.xlane v3, v2;
	_ =	sdelay $0x1  }
0x242: {  	v3 =	vadd.s32 v1, v3  }
0x243: {  	[hbm4b:s2+s3] =	stream.indirect_vreg.scatter [tilespmem:s20], [sflag:$0x8], $0x80, v4, vm0, $0xb8;
	[tilespmem:$0x18400] =	vst v63  }
0x244: {  	_ = 	snop  }
0x245: {  	[hbm4b:s5+s3] =	stream.indirect_vreg.scatter [tilespmem:s24], [sflag:$0x8], $0x80, v4, vm1, $0xb8;
	[tilespmem:$0x18400] =	vst v63  }
0x246: {  	_ = 	snop  }
0x247: {  	[hbm4b:s2+s3] =	stream.indirect_vreg.scatter [tilespmem:s30], [sflag:$0x8], $0x80, v3, vm0, $0xb8;
	[tilespmem:$0x18400] =	vst v63  }
0x248: {  	_ = 	snop  }
0x249: {  	[hbm4b:s5+s3] =	stream.indirect_vreg.scatter [tilespmem:s22], [sflag:$0x8], $0x80, v3, vm1, $0xb8;
	[tilespmem:$0x18400] =	vst v63  }
0x24a: {  	_ =	swait.ge [sflag:s1], $0x6000  }
0x24b: {  	[sflag:s1] =	ssyncset.done $0x0  }
0x24c: {  	[sflag:s1] =	ssyncadd.s32 $0xFFFFA000  }
0x24d: {  	_ =	swait.ge [sflag:s21], $0x6000  }
0x24e: {  	[sflag:s21] =	ssyncset.done $0x0  }
0x24f: {  	[sflag:s21] =	ssyncadd.s32 $0xFFFFA000  }
0x250: {  	p0 =	sne.s32 s6, $0x1;
	_ =	swait.ge [sflag:s0], $0x6000  }
.Ltmp0:
0x251: {  	[sflag:s0] =	ssyncset.done $0x0;
	(pc) =	sbr.rel @p0 .LBB2_1-.Ltmp0, $4  }
0x252: {  	[sflag:s0] =	ssyncadd.s32 $0xFFFFA000  }
0x253: {  	_ =	swait.ge [sflag:s9], $0x6000  }
0x254: {  	[sflag:s9] =	ssyncset.done $0x0  }
0x255: {  	s6 =	sadd.s32 $0xFFFFFFFF, s6;
	[sflag:s9] =	ssyncadd.s32 $0xFFFFA000  }
0x256: {  	_ =	sfence.sel $0x180000  }
0x257: {  	[bflag:$0x0] =	sbarrier.arrive $0xFFFF  }
0x258: {  	_ =	strace $0x90000047  }
0x259: {  	s0 =	stileid.u32;
	[bflag:$0x2] =	sbarrier.arrive $0xFFFF  }
0x25a: {  	p0 =	sne.s32 s0, $0x0;
	s0 =	rddreg [dreg:$0x2]  }
0x25b: {  	s0 =	sadd.s32 @!p0 $0x100000, s0  }
0x25c: {  	[sflag:s0] =	ssyncadd.tile.s32 @!p0 $0x1;
	_ =	shalt  }
.Lfunc_end2:
_tile_overlayer_lowered:
.L_overlay_start_2:
0x25d: {  	(tag) =	ssettag $0x2  }
0x25e: {  	s0 =	rddreg [dreg:$0x0];
	s2 =	stileid.u32  }
0x25f: {  	s1 =	rddreg [dreg:$0x1];
	p0 =	sne.s32 s2, $0x0  }
0x260: {  	s3 =	rddreg [dreg:$0x2];
	[bflag:$0x3] =	sbarrier.arrive $0xFFFF;
	s2 =	simm.s32 @!p0 $0x1C09  }
0x261: {  	[timem:s3], [sflag:s2] =	dma.local @!p0 [hbm:s0], s1  }
0x262: {  	s0 =	simm.s32 @!p0 $0x9  }
0x263: {  	_ =	swait.ge @!p0 [sflag:s0], s1  }
0x264: {  	s1 =	ssub.s32 @!p0 $0x0, s1;
	[sflag:s0] =	ssyncset.done @!p0 $0x0  }
0x265: {  	[sflag:s0] =	ssyncadd.s32 @!p0 s1  }
0x266: {  	[bflag:$0x3] =	sbarrier.arrive $0xFFFF  }
0x267: {  	_ =	shalt  }

</sc_bundles>
